<compile_context>
chip_gen: v7x
topology: tpu7x:2x2x1
jax: 0.10.2.dev20260603
libtpu: 0.0.44.dev20260713+nightly
codegen_flags: <defaults>
</compile_context>

<pallas_src>
import functools

import jax
import jax.numpy as jnp
from jax import lax
from jax.experimental import pallas as pl
from jax.experimental.pallas import tpu as pltpu
from jax.experimental.pallas import tpu_sc as plsc

N = 10000
NP = 10240
E = 320000
F_IN = 128
HID = 128
C = 7
CP = 16

NC = 2
NS = 16
NW = NC * NS
EPT = E // NW
K = 80
CH = EPT // K
KC = K
CHC = CH
RPT = NP // NS

_mesh = plsc.VectorSubcoreMesh(core_axis_name="c", subcore_axis_name="s")


def _zero_vmem(ref, rows, width):
    per = width // 16
    zv = jnp.zeros((16,), jnp.float32)

    def body(i, carry):
        r = i // per
        j = i % per
        ref[r, pl.ds(j * 16, 16)] = zv
        return carry

    lax.fori_loop(0, rows * per, body, 0)


@functools.partial(
    pl.kernel,
    mesh=_mesh,
    out_type=jax.ShapeDtypeStruct((NC, NP), jnp.float32),
    scratch_types=[
        pltpu.VMEM((CHC, KC), jnp.int32),
        pltpu.VMEM((KC,), jnp.float32),
        pltpu.VMEM((RPT,), jnp.float32),
        pltpu.VMEM_SHARED((NP,), jnp.float32),
        pltpu.SemaphoreType.DMA,
    ],
)
def _sc_count(dst_hbm, out_hbm, dst_v, ones_v, zb_v, acc_sh, ss):
    ci = lax.axis_index("c")
    si = lax.axis_index("s")

    def setz(i, carry):
        zb_v[pl.ds(i * 16, 16)] = jnp.zeros((16,), jnp.float32)
        return carry

    lax.fori_loop(0, RPT // 16, setz, 0)

    def seto(i, carry):
        ones_v[pl.ds(i * 16, 16)] = jnp.ones((16,), jnp.float32)
        return carry

    lax.fori_loop(0, KC // 16, seto, 0)

    pltpu.sync_copy(zb_v, acc_sh.at[pl.ds(si * RPT, RPT)])
    plsc.subcore_barrier()

    pltpu.sync_copy(dst_hbm.at[ci, si], dst_v)

    def body(i, carry):
        pltpu.async_copy(ones_v, acc_sh.at[dst_v.at[i]], ss, add=True)

        @pl.when(i >= 4)
        def _():
            pltpu.make_async_copy(ones_v, acc_sh.at[dst_v.at[0]], ss).wait()

        return carry

    lax.fori_loop(0, CHC, body, 0)
    for _ in range(4):
        pltpu.make_async_copy(ones_v, acc_sh.at[dst_v.at[0]], ss).wait()
    plsc.subcore_barrier()

    pltpu.sync_copy(acc_sh.at[pl.ds(si * RPT, RPT)], zb_v)
    pltpu.sync_copy(zb_v, out_hbm.at[ci, pl.ds(si * RPT, RPT)])


def _make_sc_agg(W):
    @functools.partial(
        pl.kernel,
        mesh=_mesh,
        out_type=jax.ShapeDtypeStruct((NC, NP, W), jnp.float32),
        scratch_types=[
            pltpu.VMEM((EPT,), jnp.int32),
            pltpu.VMEM((CH, K), jnp.int32),
            pltpu.VMEM((K, W), jnp.float32),
            pltpu.VMEM((K, W), jnp.float32),
            pltpu.VMEM_SHARED((NP, W), jnp.float32),
            pltpu.SemaphoreType.DMA,
            pltpu.SemaphoreType.DMA,
            pltpu.SemaphoreType.DMA,
            pltpu.SemaphoreType.DMA,
        ],
    )
    def agg(g_hbm, src_hbm, dst_hbm, out_hbm, src_v, dst_v, ra_v, rb_v,
            acc_sh, gsa, gsb, ssa, ssb):
        ci = lax.axis_index("c")
        si = lax.axis_index("s")

        pltpu.async_copy(src_hbm.at[ci, si], src_v, gsa)
        pltpu.async_copy(dst_hbm.at[ci, si], dst_v, gsb)
        _zero_vmem(ra_v, K, W)
        for kk in range(RPT // K):
            pltpu.async_copy(ra_v, acc_sh.at[pl.ds(si * RPT + kk * K, K)],
                             ssa)
        for kk in range(RPT // K):
            pltpu.make_async_copy(
                ra_v, acc_sh.at[pl.ds(si * RPT + kk * K, K)], ssa).wait()
        pltpu.make_async_copy(src_hbm.at[ci, si], src_v, gsa).wait()
        pltpu.make_async_copy(dst_hbm.at[ci, si], dst_v, gsb).wait()
        plsc.subcore_barrier()

        def g_idx(i):
            return src_v.at[pl.ds(i * K, K)]

        pltpu.async_copy(g_hbm.at[g_idx(0)], ra_v, gsa)

        def body(t, carry):
            pltpu.make_async_copy(g_hbm.at[g_idx(2 * t)], ra_v, gsa).wait()
            pltpu.async_copy(ra_v, acc_sh.at[dst_v.at[2 * t]], ssa, add=True)

            @pl.when(t > 0)
            def _():
                pltpu.make_async_copy(
                    rb_v, acc_sh.at[dst_v.at[2 * t - 1]], ssb).wait()

            pltpu.async_copy(g_hbm.at[g_idx(2 * t + 1)], rb_v, gsb)
            pltpu.make_async_copy(
                ra_v, acc_sh.at[dst_v.at[2 * t]], ssa).wait()
            pltpu.async_copy(g_hbm.at[g_idx(2 * t + 2)], ra_v, gsa)
            pltpu.make_async_copy(g_hbm.at[g_idx(2 * t + 1)], rb_v, gsb).wait()
            pltpu.async_copy(
                rb_v, acc_sh.at[dst_v.at[2 * t + 1]], ssb, add=True)
            return carry

        lax.fori_loop(0, (CH - 1) // 2, body, 0)
        pltpu.make_async_copy(g_hbm.at[g_idx(CH - 1)], ra_v, gsa).wait()
        pltpu.make_async_copy(rb_v, acc_sh.at[dst_v.at[CH - 2]], ssb).wait()
        pltpu.sync_copy(ra_v, acc_sh.at[dst_v.at[CH - 1]], add=True)
        plsc.subcore_barrier()

        bufs = [(ra_v, gsa, ssa), (rb_v, gsb, ssb)]
        nwo = RPT // K
        for kk in range(nwo):
            buf, gs, ss = bufs[kk % 2]
            r0 = si * RPT + kk * K
            if kk >= 2:
                p0 = si * RPT + (kk - 2) * K
                pltpu.make_async_copy(
                    buf, out_hbm.at[ci, pl.ds(p0, K)], ss).wait()
            pltpu.async_copy(acc_sh.at[pl.ds(r0, K)], buf, gs)
            pltpu.make_async_copy(acc_sh.at[pl.ds(r0, K)], buf, gs).wait()
            pltpu.async_copy(buf, out_hbm.at[ci, pl.ds(r0, K)], ss)
        for kk in range(max(nwo - 2, 0), nwo):
            buf, gs, ss = bufs[kk % 2]
            r0 = si * RPT + kk * K
            pltpu.make_async_copy(
                buf, out_hbm.at[ci, pl.ds(r0, K)], ss).wait()

    return agg


_sc_agg_128 = _make_sc_agg(HID)


_BN = 2048
_GRID = NP // _BN


def _tc_a_body(x_ref, w_ref, d0_ref, d1_ref, g_ref, dis_ref):
    deg = 1.0 + d0_ref[...] + d1_ref[...]
    dis = lax.rsqrt(deg)
    dis_ref[...] = dis
    g_ref[...] = jnp.dot(x_ref[...], w_ref[...],
                         preferred_element_type=jnp.float32) * dis


def _tc_a(x, W1, d0, d1):
    return pl.pallas_call(
        _tc_a_body,
        grid=(_GRID,),
        in_specs=[
            pl.BlockSpec((_BN, F_IN), lambda i: (i, 0)),
            pl.BlockSpec((F_IN, HID), lambda i: (0, 0)),
            pl.BlockSpec((_BN, 1), lambda i: (i, 0)),
            pl.BlockSpec((_BN, 1), lambda i: (i, 0)),
        ],
        out_specs=[
            pl.BlockSpec((_BN, HID), lambda i: (i, 0)),
            pl.BlockSpec((_BN, 1), lambda i: (i, 0)),
        ],
        out_shape=[
            jax.ShapeDtypeStruct((NP, HID), jnp.float32),
            jax.ShapeDtypeStruct((NP, 1), jnp.float32),
        ],
    )(x, W1, d0, d1)


def _tc_b_body(acc_ref0, acc_ref1, g1_ref, dis_ref, b1_ref, gh_ref):
    tot = acc_ref0[0] + acc_ref1[0] + g1_ref[...]
    h = jnp.maximum(tot * dis_ref[...] + b1_ref[...], 0.0)
    gh_ref[...] = h * dis_ref[...]


def _tc_b(acc1, g1, dis, b1):
    return pl.pallas_call(
        _tc_b_body,
        grid=(_GRID,),
        in_specs=[
            pl.BlockSpec((1, _BN, HID), lambda i: (0, i, 0)),
            pl.BlockSpec((1, _BN, HID), lambda i: (1, i, 0)),
            pl.BlockSpec((_BN, HID), lambda i: (i, 0)),
            pl.BlockSpec((_BN, 1), lambda i: (i, 0)),
            pl.BlockSpec((HID,), lambda i: (0,)),
        ],
        out_specs=pl.BlockSpec((_BN, HID), lambda i: (i, 0)),
        out_shape=jax.ShapeDtypeStruct((NP, HID), jnp.float32),
    )(acc1, acc1, g1, dis, b1)


def _tc_c_body(acc_ref0, acc_ref1, gh_ref, dis_ref, w2_ref, b2_ref, out_ref):
    tot = (acc_ref0[0] + acc_ref1[0] + gh_ref[...]) * dis_ref[...]
    out_ref[...] = jnp.dot(tot, w2_ref[...],
                           preferred_element_type=jnp.float32) + b2_ref[...]


def _tc_c(acc2, gh, dis, W2, b2):
    return pl.pallas_call(
        _tc_c_body,
        grid=(_GRID,),
        in_specs=[
            pl.BlockSpec((1, _BN, HID), lambda i: (0, i, 0)),
            pl.BlockSpec((1, _BN, HID), lambda i: (1, i, 0)),
            pl.BlockSpec((_BN, HID), lambda i: (i, 0)),
            pl.BlockSpec((_BN, 1), lambda i: (i, 0)),
            pl.BlockSpec((HID, C), lambda i: (0, 0)),
            pl.BlockSpec((C,), lambda i: (0,)),
        ],
        out_specs=pl.BlockSpec((_BN, C), lambda i: (i, 0)),
        out_shape=jax.ShapeDtypeStruct((N, C), jnp.float32),
    )(acc2, acc2, gh, dis, W2, b2)


def kernel(x, edge_index, W1, b1, W2, b2):
    srcp = edge_index[0].reshape(NC, NS, EPT)
    dstp = edge_index[1].reshape(NC, NS, CH, K)
    dst4 = dstp


    cnt = _sc_count(dst4)
    d0 = cnt[0].reshape(NP, 1)
    d1 = cnt[1].reshape(NP, 1)

    g1, dis = _tc_a(x, W1, d0, d1)
    acc1 = _sc_agg_128(g1, srcp, dstp)
    gh = _tc_b(acc1, g1, dis, b1)
    acc2 = _sc_agg_128(gh, srcp, dstp)
    return _tc_c(acc2, gh, dis, W2, b2)

# --- scband reference (transcript-rebuilt; emitter-appended) ---
"""Pipeline reference for scband-gcn-13331578486813 (READ-ONLY COPY).

The authoritative reference and input builder live on the scoring server;
editing this copy changes nothing except your own understanding.
"""

import jax, jax.numpy as jnp
import numpy as np

N = 10000
E = 320000
F_IN = 128
HID = 128
C = 7


def setup_inputs(seed: int = 0) -> dict:
    key = jax.random.key(seed)
    k1, k2, k3, k4 = jax.random.split(key, 4)
    x = jax.random.normal(k1, (N, F_IN), dtype=jnp.float32)
    edge_index = jax.random.randint(k2, (2, E), 0, N, dtype=jnp.int32)
    W1 = jax.random.normal(k3, (F_IN, HID), dtype=jnp.float32) * (1.0 / np.sqrt(F_IN))
    b1 = jnp.zeros((HID,), dtype=jnp.float32)
    W2 = jax.random.normal(k4, (HID, C), dtype=jnp.float32) * (1.0 / np.sqrt(HID))
    b2 = jnp.zeros((C,), dtype=jnp.float32)
    return {"x": x, "edge_index": edge_index, "W1": W1, "b1": b1, "W2": W2, "b2": b2}


def _gcn_norm(edge_index, n_nodes):
    # add self loops (PyG GCNConv default add_self_loops=True)
    loop = jnp.arange(n_nodes, dtype=edge_index.dtype)
    src = jnp.concatenate([edge_index[0], loop])
    dst = jnp.concatenate([edge_index[1], loop])
    deg = jnp.zeros((n_nodes,), dtype=jnp.float32).at[dst].add(1.0)
    deg_inv_sqrt = jnp.where(deg > 0, deg ** -0.5, 0.0)
    norm = deg_inv_sqrt[src] * deg_inv_sqrt[dst]
    return src, dst, norm


def _gcn_conv(x, src, dst, norm, W, b):
    h = x @ W
    msg = h[src] * norm[:, None]
    out = jnp.zeros((x.shape[0], W.shape[1]), dtype=x.dtype).at[dst].add(msg)
    return out + b


def reference(x, edge_index, W1, b1, W2, b2):
    src, dst, norm = _gcn_norm(edge_index, x.shape[0])
    h = _gcn_conv(x, src, dst, norm, W1, b1)
    h = jax.nn.relu(h)
    # F.dropout(p=0.5, training=self.training): identity in eval mode
    out = _gcn_conv(h, src, dst, norm, W2, b2)
    return out

if __name__ == "__main__":
    import jax
    _d = setup_inputs()
    print(jax.jit(kernel)(*tuple(_d.values())))

</pallas_src>

<mosaic_0001>
#map = affine_map<(d0, d1) -> (0, 0)>
#map1 = affine_map<(d0, d1) -> (0, 0, 0)>
#map2 = affine_map<(d0, d1) -> (0, 0, 0, 0)>
module attributes {stable_mosaic.version = 14 : i64} {
  func.func @agg(%arg0: i32, %arg1: i32, %arg2: memref<10240x128xf32, #tpu.memory_space<hbm>>, %arg3: memref<2x16x10000xi32, #tpu.memory_space<hbm>>, %arg4: memref<2x16x125x80xi32, #tpu.memory_space<hbm>>, %arg5: memref<2x10240x128xf32, #tpu.memory_space<hbm>>, %arg6: memref<10000xi32, #tpu.memory_space<vmem>>, %arg7: memref<125x80xi32, #tpu.memory_space<vmem>>, %arg8: memref<80x128xf32, #tpu.memory_space<vmem>>, %arg9: memref<80x128xf32, #tpu.memory_space<vmem>>, %arg10: memref<10240x128xf32, #tpu.memory_space<vmem_shared>>, %arg11: memref<!tpu.dma_semaphore, #tpu.memory_space<semaphore_mem>>, %arg12: memref<!tpu.dma_semaphore, #tpu.memory_space<semaphore_mem>>, %arg13: memref<!tpu.dma_semaphore, #tpu.memory_space<semaphore_mem>>, %arg14: memref<!tpu.dma_semaphore, #tpu.memory_space<semaphore_mem>>) attributes {dimension_semantics = [#tpu.dimension_semantics<core_parallel>, #tpu.dimension_semantics<subcore_parallel>], iteration_bounds = array<i64: 2, 16>, scalar_prefetch = 0 : i64, scratch_operands = 9 : i64, tpu.core_type = #tpu.core_type<sc_vector_subcore>, window_params = [{transform_indices = #map}, {transform_indices = #map1}, {transform_indices = #map2}, {transform_indices = #map1}]} {
    %dma_start3A = arith.constant 0 : i32
    %dma_start3A_0 = tpu.memref_slice %arg3[%arg0, %arg1, %dma_start3A] : memref<2x16x10000xi32, #tpu.memory_space<hbm>> -> memref<1x1x10000xi32, #tpu.memory_space<hbm>>
    %dma_start3A_1 = tpu.memref_squeeze %dma_start3A_0 : memref<1x1x10000xi32, #tpu.memory_space<hbm>> -> memref<10000xi32, #tpu.memory_space<hbm>>
    %dma_start3A_2 = arith.constant 0 : i32
    %dma_start3A_3 = tpu.memref_slice %arg3[%arg0, %arg1, %dma_start3A_2] : memref<2x16x10000xi32, #tpu.memory_space<hbm>> -> memref<1x1x10000xi32, #tpu.memory_space<hbm>>
    %dma_start3A_4 = tpu.memref_squeeze %dma_start3A_3 : memref<1x1x10000xi32, #tpu.memory_space<hbm>> -> memref<10000xi32, #tpu.memory_space<hbm>>
    tpu.enqueue_dma source(%dma_start3A_4 : memref<10000xi32, #tpu.memory_space<hbm>>) target(%arg6 : memref<10000xi32, #tpu.memory_space<vmem>>) target_semaphore(%arg11 : memref<!tpu.dma_semaphore, #tpu.memory_space<semaphore_mem>>)
    %dma_start3A_5 = arith.constant 0 : i32
    %dma_start3A_6 = arith.constant 0 : i32
    %dma_start3A_7 = tpu.memref_slice %arg4[%arg0, %arg1, %dma_start3A_5, %dma_start3A_6] : memref<2x16x125x80xi32, #tpu.memory_space<hbm>> -> memref<1x1x125x80xi32, #tpu.memory_space<hbm>>
    %dma_start3A_8 = tpu.memref_squeeze %dma_start3A_7 : memref<1x1x125x80xi32, #tpu.memory_space<hbm>> -> memref<125x80xi32, #tpu.memory_space<hbm>>
    %dma_start3A_9 = arith.constant 0 : i32
    %dma_start3A_10 = arith.constant 0 : i32
    %dma_start3A_11 = tpu.memref_slice %arg4[%arg0, %arg1, %dma_start3A_9, %dma_start3A_10] : memref<2x16x125x80xi32, #tpu.memory_space<hbm>> -> memref<1x1x125x80xi32, #tpu.memory_space<hbm>>
    %dma_start3A_12 = tpu.memref_squeeze %dma_start3A_11 : memref<1x1x125x80xi32, #tpu.memory_space<hbm>> -> memref<125x80xi32, #tpu.memory_space<hbm>>
    tpu.enqueue_dma source(%dma_start3A_12 : memref<125x80xi32, #tpu.memory_space<hbm>>) target(%arg7 : memref<125x80xi32, #tpu.memory_space<vmem>>) target_semaphore(%arg12 : memref<!tpu.dma_semaphore, #tpu.memory_space<semaphore_mem>>)
    %broadcast_in_dim3A = arith.constant 0.000000e+00 : f32
    %broadcast_in_dim3A_13 = vector.broadcast %broadcast_in_dim3A : f32 to vector<16xf32>
    %scan3A = arith.constant 0 : i32
    %scan3A_14 = arith.constant 0 : i32
    %scan3A_15 = arith.constant 640 : i32
    %scan3A_16 = arith.addi %scan3A_14, %scan3A_15 : i32
    %scan3A_17 = arith.constant 1 : i32
    scf.for %scan3A_406 = %scan3A_14 to %scan3A_16 step %scan3A_17  : i32 {
      %jit3A = arith.constant 8 : i32
      %div3A = arith.divsi %scan3A_406, %jit3A : i32
      %sign3A = arith.constant 0 : i32
      %sign3A_407 = arith.cmpi sgt, %scan3A_406, %sign3A : i32
      %sign3A_408 = arith.extui %sign3A_407 : i1 to i32
      %sign3A_409 = arith.constant 0 : i32
      %sign3A_410 = arith.cmpi slt, %scan3A_406, %sign3A_409 : i32
      %sign3A_411 = arith.extui %sign3A_410 : i1 to i32
      %sign3A_412 = arith.subi %sign3A_408, %sign3A_411 : i32
      %sign3A_413 = arith.constant 0 : i32
      %sign3A_414 = arith.cmpi sgt, %jit3A, %sign3A_413 : i32
      %sign3A_415 = arith.extui %sign3A_414 : i1 to i32
      %sign3A_416 = arith.constant 0 : i32
      %sign3A_417 = arith.cmpi slt, %jit3A, %sign3A_416 : i32
      %sign3A_418 = arith.extui %sign3A_417 : i1 to i32
      %sign3A_419 = arith.subi %sign3A_415, %sign3A_418 : i32
      %ne3A = arith.cmpi ne, %sign3A_412, %sign3A_419 : i32
      %rem3A = arith.remsi %scan3A_406, %jit3A : i32
      %ne3A_420 = arith.constant 0 : i32
      %ne3A_421 = arith.cmpi ne, %rem3A, %ne3A_420 : i32
      %and3A = arith.andi %ne3A, %ne3A_421 : i1
      %sub3A = arith.constant 1 : i32
      %sub3A_422 = arith.subi %div3A, %sub3A : i32
      %select_n3A = arith.select %and3A, %sub3A_422, %div3A : i32
      %jit3A_423 = arith.constant 8 : i32
      %eq3A = arith.constant 0 : i32
      %eq3A_424 = arith.cmpi eq, %jit3A_423, %eq3A : i32
      %jit3A_425 = arith.constant 1 : i32
      %select_n3A_426 = arith.select %eq3A_424, %jit3A_425, %jit3A_423 : i32
      %rem3A_427 = arith.remsi %scan3A_406, %select_n3A_426 : i32
      %ne3A_428 = arith.constant 0 : i32
      %ne3A_429 = arith.cmpi ne, %rem3A_427, %ne3A_428 : i32
      %lt3A = arith.constant 0 : i32
      %lt3A_430 = arith.cmpi slt, %rem3A_427, %lt3A : i32
      %lt3A_431 = arith.constant 0 : i32
      %lt3A_432 = arith.cmpi slt, %select_n3A_426, %lt3A_431 : i32
      %ne3A_433 = arith.xori %lt3A_430, %lt3A_432 : i1
      %and3A_434 = arith.andi %ne3A_433, %ne3A_429 : i1
      %add3A_435 = arith.addi %rem3A_427, %select_n3A_426 : i32
      %select_n3A_436 = arith.select %and3A_434, %add3A_435, %rem3A_427 : i32
      %mul3A_437 = arith.constant 16 : i32
      %mul3A_438 = arith.muli %select_n3A_436, %mul3A_437 : i32
      %swap3A = arith.index_cast %select_n3A : i32 to index
      %swap3A_439 = arith.index_cast %mul3A_438 : i32 to index
      %swap3A_440 = tpu.vector_load %arg8[%swap3A, %swap3A_439] {strides = array<i32>} : memref<80x128xf32, #tpu.memory_space<vmem>>, vector<1x16xf32>,
      %swap3A_441 = vector.shape_cast %swap3A_440 : vector<1x16xf32> to vector<16xf32>
      %swap3A_442 = vector.shape_cast %broadcast_in_dim3A_13 : vector<16xf32> to vector<1x16xf32>
      tpu.vector_store %arg8[%swap3A, %swap3A_439], %swap3A_442 {strides = array<i32>} : memref<80x128xf32, #tpu.memory_space<vmem>>, vector<1x16xf32>,
    }
    %scan3A_18 = arith.constant 640 : i32
    %mul3A = arith.constant 640 : i32
    %mul3A_19 = arith.muli %arg1, %mul3A : i32
    %add3A = arith.constant 0 : i32
    %add3A_20 = arith.addi %mul3A_19, %add3A : i32
    %dma_start3A_21 = arith.constant 0 : i32
    %dma_start3A_22 = tpu.memref_slice %arg10[%add3A_20, %dma_start3A_21] : memref<10240x128xf32, #tpu.memory_space<vmem_shared>> -> memref<80x128xf32, #tpu.memory_space<vmem_shared>>
    %dma_start3A_23 = arith.constant 0 : i32
    %dma_start3A_24 = tpu.memref_slice %arg10[%add3A_20, %dma_start3A_23] : memref<10240x128xf32, #tpu.memory_space<vmem_shared>> -> memref<80x128xf32, #tpu.memory_space<vmem_shared>>
    tpu.enqueue_dma source(%arg8 : memref<80x128xf32, #tpu.memory_space<vmem>>) target(%dma_start3A_24 : memref<80x128xf32, #tpu.memory_space<vmem_shared>>) target_semaphore(%arg13 : memref<!tpu.dma_semaphore, #tpu.memory_space<semaphore_mem>>)
    %mul3A_25 = arith.constant 640 : i32
    %mul3A_26 = arith.muli %arg1, %mul3A_25 : i32
    %add3A_27 = arith.constant 80 : i32
    %add3A_28 = arith.addi %mul3A_26, %add3A_27 : i32
    %dma_start3A_29 = arith.constant 0 : i32
    %dma_start3A_30 = tpu.memref_slice %arg10[%add3A_28, %dma_start3A_29] : memref<10240x128xf32, #tpu.memory_space<vmem_shared>> -> memref<80x128xf32, #tpu.memory_space<vmem_shared>>
    %dma_start3A_31 = arith.constant 0 : i32
    %dma_start3A_32 = tpu.memref_slice %arg10[%add3A_28, %dma_start3A_31] : memref<10240x128xf32, #tpu.memory_space<vmem_shared>> -> memref<80x128xf32, #tpu.memory_space<vmem_shared>>
    tpu.enqueue_dma source(%arg8 : memref<80x128xf32, #tpu.memory_space<vmem>>) target(%dma_start3A_32 : memref<80x128xf32, #tpu.memory_space<vmem_shared>>) target_semaphore(%arg13 : memref<!tpu.dma_semaphore, #tpu.memory_space<semaphore_mem>>)
    %mul3A_33 = arith.constant 640 : i32
    %mul3A_34 = arith.muli %arg1, %mul3A_33 : i32
    %add3A_35 = arith.constant 160 : i32
    %add3A_36 = arith.addi %mul3A_34, %add3A_35 : i32
    %dma_start3A_37 = arith.constant 0 : i32
    %dma_start3A_38 = tpu.memref_slice %arg10[%add3A_36, %dma_start3A_37] : memref<10240x128xf32, #tpu.memory_space<vmem_shared>> -> memref<80x128xf32, #tpu.memory_space<vmem_shared>>
    %dma_start3A_39 = arith.constant 0 : i32
    %dma_start3A_40 = tpu.memref_slice %arg10[%add3A_36, %dma_start3A_39] : memref<10240x128xf32, #tpu.memory_space<vmem_shared>> -> memref<80x128xf32, #tpu.memory_space<vmem_shared>>
    tpu.enqueue_dma source(%arg8 : memref<80x128xf32, #tpu.memory_space<vmem>>) target(%dma_start3A_40 : memref<80x128xf32, #tpu.memory_space<vmem_shared>>) target_semaphore(%arg13 : memref<!tpu.dma_semaphore, #tpu.memory_space<semaphore_mem>>)
    %mul3A_41 = arith.constant 640 : i32
    %mul3A_42 = arith.muli %arg1, %mul3A_41 : i32
    %add3A_43 = arith.constant 240 : i32
    %add3A_44 = arith.addi %mul3A_42, %add3A_43 : i32
    %dma_start3A_45 = arith.constant 0 : i32
    %dma_start3A_46 = tpu.memref_slice %arg10[%add3A_44, %dma_start3A_45] : memref<10240x128xf32, #tpu.memory_space<vmem_shared>> -> memref<80x128xf32, #tpu.memory_space<vmem_shared>>
    %dma_start3A_47 = arith.constant 0 : i32
    %dma_start3A_48 = tpu.memref_slice %arg10[%add3A_44, %dma_start3A_47] : memref<10240x128xf32, #tpu.memory_space<vmem_shared>> -> memref<80x128xf32, #tpu.memory_space<vmem_shared>>
    tpu.enqueue_dma source(%arg8 : memref<80x128xf32, #tpu.memory_space<vmem>>) target(%dma_start3A_48 : memref<80x128xf32, #tpu.memory_space<vmem_shared>>) target_semaphore(%arg13 : memref<!tpu.dma_semaphore, #tpu.memory_space<semaphore_mem>>)
    %mul3A_49 = arith.constant 640 : i32
    %mul3A_50 = arith.muli %arg1, %mul3A_49 : i32
    %add3A_51 = arith.constant 320 : i32
    %add3A_52 = arith.addi %mul3A_50, %add3A_51 : i32
    %dma_start3A_53 = arith.constant 0 : i32
    %dma_start3A_54 = tpu.memref_slice %arg10[%add3A_52, %dma_start3A_53] : memref<10240x128xf32, #tpu.memory_space<vmem_shared>> -> memref<80x128xf32, #tpu.memory_space<vmem_shared>>
    %dma_start3A_55 = arith.constant 0 : i32
    %dma_start3A_56 = tpu.memref_slice %arg10[%add3A_52, %dma_start3A_55] : memref<10240x128xf32, #tpu.memory_space<vmem_shared>> -> memref<80x128xf32, #tpu.memory_space<vmem_shared>>
    tpu.enqueue_dma source(%arg8 : memref<80x128xf32, #tpu.memory_space<vmem>>) target(%dma_start3A_56 : memref<80x128xf32, #tpu.memory_space<vmem_shared>>) target_semaphore(%arg13 : memref<!tpu.dma_semaphore, #tpu.memory_space<semaphore_mem>>)
    %mul3A_57 = arith.constant 640 : i32
    %mul3A_58 = arith.muli %arg1, %mul3A_57 : i32
    %add3A_59 = arith.constant 400 : i32
    %add3A_60 = arith.addi %mul3A_58, %add3A_59 : i32
    %dma_start3A_61 = arith.constant 0 : i32
    %dma_start3A_62 = tpu.memref_slice %arg10[%add3A_60, %dma_start3A_61] : memref<10240x128xf32, #tpu.memory_space<vmem_shared>> -> memref<80x128xf32, #tpu.memory_space<vmem_shared>>
    %dma_start3A_63 = arith.constant 0 : i32
    %dma_start3A_64 = tpu.memref_slice %arg10[%add3A_60, %dma_start3A_63] : memref<10240x128xf32, #tpu.memory_space<vmem_shared>> -> memref<80x128xf32, #tpu.memory_space<vmem_shared>>
    tpu.enqueue_dma source(%arg8 : memref<80x128xf32, #tpu.memory_space<vmem>>) target(%dma_start3A_64 : memref<80x128xf32, #tpu.memory_space<vmem_shared>>) target_semaphore(%arg13 : memref<!tpu.dma_semaphore, #tpu.memory_space<semaphore_mem>>)
    %mul3A_65 = arith.constant 640 : i32
    %mul3A_66 = arith.muli %arg1, %mul3A_65 : i32
    %add3A_67 = arith.constant 480 : i32
    %add3A_68 = arith.addi %mul3A_66, %add3A_67 : i32
    %dma_start3A_69 = arith.constant 0 : i32
    %dma_start3A_70 = tpu.memref_slice %arg10[%add3A_68, %dma_start3A_69] : memref<10240x128xf32, #tpu.memory_space<vmem_shared>> -> memref<80x128xf32, #tpu.memory_space<vmem_shared>>
    %dma_start3A_71 = arith.constant 0 : i32
    %dma_start3A_72 = tpu.memref_slice %arg10[%add3A_68, %dma_start3A_71] : memref<10240x128xf32, #tpu.memory_space<vmem_shared>> -> memref<80x128xf32, #tpu.memory_space<vmem_shared>>
    tpu.enqueue_dma source(%arg8 : memref<80x128xf32, #tpu.memory_space<vmem>>) target(%dma_start3A_72 : memref<80x128xf32, #tpu.memory_space<vmem_shared>>) target_semaphore(%arg13 : memref<!tpu.dma_semaphore, #tpu.memory_space<semaphore_mem>>)
    %mul3A_73 = arith.constant 640 : i32
    %mul3A_74 = arith.muli %arg1, %mul3A_73 : i32
    %add3A_75 = arith.constant 560 : i32
    %add3A_76 = arith.addi %mul3A_74, %add3A_75 : i32
    %dma_start3A_77 = arith.constant 0 : i32
    %dma_start3A_78 = tpu.memref_slice %arg10[%add3A_76, %dma_start3A_77] : memref<10240x128xf32, #tpu.memory_space<vmem_shared>> -> memref<80x128xf32, #tpu.memory_space<vmem_shared>>
    %dma_start3A_79 = arith.constant 0 : i32
    %dma_start3A_80 = tpu.memref_slice %arg10[%add3A_76, %dma_start3A_79] : memref<10240x128xf32, #tpu.memory_space<vmem_shared>> -> memref<80x128xf32, #tpu.memory_space<vmem_shared>>
    tpu.enqueue_dma source(%arg8 : memref<80x128xf32, #tpu.memory_space<vmem>>) target(%dma_start3A_80 : memref<80x128xf32, #tpu.memory_space<vmem_shared>>) target_semaphore(%arg13 : memref<!tpu.dma_semaphore, #tpu.memory_space<semaphore_mem>>)
    %mul3A_81 = arith.constant 640 : i32
    %mul3A_82 = arith.muli %arg1, %mul3A_81 : i32
    %add3A_83 = arith.constant 0 : i32
    %add3A_84 = arith.addi %mul3A_82, %add3A_83 : i32
    %dma_wait3A = arith.constant 0 : i32
    %dma_wait3A_85 = tpu.memref_slice %arg10[%add3A_84, %dma_wait3A] : memref<10240x128xf32, #tpu.memory_space<vmem_shared>> -> memref<80x128xf32, #tpu.memory_space<vmem_shared>>
    %dma_wait3A_86 = arith.constant 0 : i32
    %dma_wait3A_87 = tpu.memref_slice %arg10[%add3A_84, %dma_wait3A_86] : memref<10240x128xf32, #tpu.memory_space<vmem_shared>> -> memref<80x128xf32, #tpu.memory_space<vmem_shared>>
    tpu.wait_dma2 semaphore(%arg13 : memref<!tpu.dma_semaphore, #tpu.memory_space<semaphore_mem>>) src(%arg8 : memref<80x128xf32, #tpu.memory_space<vmem>>) dst(%dma_wait3A_87 : memref<80x128xf32, #tpu.memory_space<vmem_shared>>)
    %mul3A_88 = arith.constant 640 : i32
    %mul3A_89 = arith.muli %arg1, %mul3A_88 : i32
    %add3A_90 = arith.constant 80 : i32
    %add3A_91 = arith.addi %mul3A_89, %add3A_90 : i32
    %dma_wait3A_92 = arith.constant 0 : i32
    %dma_wait3A_93 = tpu.memref_slice %arg10[%add3A_91, %dma_wait3A_92] : memref<10240x128xf32, #tpu.memory_space<vmem_shared>> -> memref<80x128xf32, #tpu.memory_space<vmem_shared>>
    %dma_wait3A_94 = arith.constant 0 : i32
    %dma_wait3A_95 = tpu.memref_slice %arg10[%add3A_91, %dma_wait3A_94] : memref<10240x128xf32, #tpu.memory_space<vmem_shared>> -> memref<80x128xf32, #tpu.memory_space<vmem_shared>>
    tpu.wait_dma2 semaphore(%arg13 : memref<!tpu.dma_semaphore, #tpu.memory_space<semaphore_mem>>) src(%arg8 : memref<80x128xf32, #tpu.memory_space<vmem>>) dst(%dma_wait3A_95 : memref<80x128xf32, #tpu.memory_space<vmem_shared>>)
    %mul3A_96 = arith.constant 640 : i32
    %mul3A_97 = arith.muli %arg1, %mul3A_96 : i32
    %add3A_98 = arith.constant 160 : i32
    %add3A_99 = arith.addi %mul3A_97, %add3A_98 : i32
    %dma_wait3A_100 = arith.constant 0 : i32
    %dma_wait3A_101 = tpu.memref_slice %arg10[%add3A_99, %dma_wait3A_100] : memref<10240x128xf32, #tpu.memory_space<vmem_shared>> -> memref<80x128xf32, #tpu.memory_space<vmem_shared>>
    %dma_wait3A_102 = arith.constant 0 : i32
    %dma_wait3A_103 = tpu.memref_slice %arg10[%add3A_99, %dma_wait3A_102] : memref<10240x128xf32, #tpu.memory_space<vmem_shared>> -> memref<80x128xf32, #tpu.memory_space<vmem_shared>>
    tpu.wait_dma2 semaphore(%arg13 : memref<!tpu.dma_semaphore, #tpu.memory_space<semaphore_mem>>) src(%arg8 : memref<80x128xf32, #tpu.memory_space<vmem>>) dst(%dma_wait3A_103 : memref<80x128xf32, #tpu.memory_space<vmem_shared>>)
    %mul3A_104 = arith.constant 640 : i32
    %mul3A_105 = arith.muli %arg1, %mul3A_104 : i32
    %add3A_106 = arith.constant 240 : i32
    %add3A_107 = arith.addi %mul3A_105, %add3A_106 : i32
    %dma_wait3A_108 = arith.constant 0 : i32
    %dma_wait3A_109 = tpu.memref_slice %arg10[%add3A_107, %dma_wait3A_108] : memref<10240x128xf32, #tpu.memory_space<vmem_shared>> -> memref<80x128xf32, #tpu.memory_space<vmem_shared>>
    %dma_wait3A_110 = arith.constant 0 : i32
    %dma_wait3A_111 = tpu.memref_slice %arg10[%add3A_107, %dma_wait3A_110] : memref<10240x128xf32, #tpu.memory_space<vmem_shared>> -> memref<80x128xf32, #tpu.memory_space<vmem_shared>>
    tpu.wait_dma2 semaphore(%arg13 : memref<!tpu.dma_semaphore, #tpu.memory_space<semaphore_mem>>) src(%arg8 : memref<80x128xf32, #tpu.memory_space<vmem>>) dst(%dma_wait3A_111 : memref<80x128xf32, #tpu.memory_space<vmem_shared>>)
    %mul3A_112 = arith.constant 640 : i32
    %mul3A_113 = arith.muli %arg1, %mul3A_112 : i32
    %add3A_114 = arith.constant 320 : i32
    %add3A_115 = arith.addi %mul3A_113, %add3A_114 : i32
    %dma_wait3A_116 = arith.constant 0 : i32
    %dma_wait3A_117 = tpu.memref_slice %arg10[%add3A_115, %dma_wait3A_116] : memref<10240x128xf32, #tpu.memory_space<vmem_shared>> -> memref<80x128xf32, #tpu.memory_space<vmem_shared>>
    %dma_wait3A_118 = arith.constant 0 : i32
    %dma_wait3A_119 = tpu.memref_slice %arg10[%add3A_115, %dma_wait3A_118] : memref<10240x128xf32, #tpu.memory_space<vmem_shared>> -> memref<80x128xf32, #tpu.memory_space<vmem_shared>>
    tpu.wait_dma2 semaphore(%arg13 : memref<!tpu.dma_semaphore, #tpu.memory_space<semaphore_mem>>) src(%arg8 : memref<80x128xf32, #tpu.memory_space<vmem>>) dst(%dma_wait3A_119 : memref<80x128xf32, #tpu.memory_space<vmem_shared>>)
    %mul3A_120 = arith.constant 640 : i32
    %mul3A_121 = arith.muli %arg1, %mul3A_120 : i32
    %add3A_122 = arith.constant 400 : i32
    %add3A_123 = arith.addi %mul3A_121, %add3A_122 : i32
    %dma_wait3A_124 = arith.constant 0 : i32
    %dma_wait3A_125 = tpu.memref_slice %arg10[%add3A_123, %dma_wait3A_124] : memref<10240x128xf32, #tpu.memory_space<vmem_shared>> -> memref<80x128xf32, #tpu.memory_space<vmem_shared>>
    %dma_wait3A_126 = arith.constant 0 : i32
    %dma_wait3A_127 = tpu.memref_slice %arg10[%add3A_123, %dma_wait3A_126] : memref<10240x128xf32, #tpu.memory_space<vmem_shared>> -> memref<80x128xf32, #tpu.memory_space<vmem_shared>>
    tpu.wait_dma2 semaphore(%arg13 : memref<!tpu.dma_semaphore, #tpu.memory_space<semaphore_mem>>) src(%arg8 : memref<80x128xf32, #tpu.memory_space<vmem>>) dst(%dma_wait3A_127 : memref<80x128xf32, #tpu.memory_space<vmem_shared>>)
    %mul3A_128 = arith.constant 640 : i32
    %mul3A_129 = arith.muli %arg1, %mul3A_128 : i32
    %add3A_130 = arith.constant 480 : i32
    %add3A_131 = arith.addi %mul3A_129, %add3A_130 : i32
    %dma_wait3A_132 = arith.constant 0 : i32
    %dma_wait3A_133 = tpu.memref_slice %arg10[%add3A_131, %dma_wait3A_132] : memref<10240x128xf32, #tpu.memory_space<vmem_shared>> -> memref<80x128xf32, #tpu.memory_space<vmem_shared>>
    %dma_wait3A_134 = arith.constant 0 : i32
    %dma_wait3A_135 = tpu.memref_slice %arg10[%add3A_131, %dma_wait3A_134] : memref<10240x128xf32, #tpu.memory_space<vmem_shared>> -> memref<80x128xf32, #tpu.memory_space<vmem_shared>>
    tpu.wait_dma2 semaphore(%arg13 : memref<!tpu.dma_semaphore, #tpu.memory_space<semaphore_mem>>) src(%arg8 : memref<80x128xf32, #tpu.memory_space<vmem>>) dst(%dma_wait3A_135 : memref<80x128xf32, #tpu.memory_space<vmem_shared>>)
    %mul3A_136 = arith.constant 640 : i32
    %mul3A_137 = arith.muli %arg1, %mul3A_136 : i32
    %add3A_138 = arith.constant 560 : i32
    %add3A_139 = arith.addi %mul3A_137, %add3A_138 : i32
    %dma_wait3A_140 = arith.constant 0 : i32
    %dma_wait3A_141 = tpu.memref_slice %arg10[%add3A_139, %dma_wait3A_140] : memref<10240x128xf32, #tpu.memory_space<vmem_shared>> -> memref<80x128xf32, #tpu.memory_space<vmem_shared>>
    %dma_wait3A_142 = arith.constant 0 : i32
    %dma_wait3A_143 = tpu.memref_slice %arg10[%add3A_139, %dma_wait3A_142] : memref<10240x128xf32, #tpu.memory_space<vmem_shared>> -> memref<80x128xf32, #tpu.memory_space<vmem_shared>>
    tpu.wait_dma2 semaphore(%arg13 : memref<!tpu.dma_semaphore, #tpu.memory_space<semaphore_mem>>) src(%arg8 : memref<80x128xf32, #tpu.memory_space<vmem>>) dst(%dma_wait3A_143 : memref<80x128xf32, #tpu.memory_space<vmem_shared>>)
    %dma_wait3A_144 = arith.constant 0 : i32
    %dma_wait3A_145 = tpu.memref_slice %arg3[%arg0, %arg1, %dma_wait3A_144] : memref<2x16x10000xi32, #tpu.memory_space<hbm>> -> memref<1x1x10000xi32, #tpu.memory_space<hbm>>
    %dma_wait3A_146 = tpu.memref_squeeze %dma_wait3A_145 : memref<1x1x10000xi32, #tpu.memory_space<hbm>> -> memref<10000xi32, #tpu.memory_space<hbm>>
    %dma_wait3A_147 = arith.constant 0 : i32
    %dma_wait3A_148 = tpu.memref_slice %arg3[%arg0, %arg1, %dma_wait3A_147] : memref<2x16x10000xi32, #tpu.memory_space<hbm>> -> memref<1x1x10000xi32, #tpu.memory_space<hbm>>
    %dma_wait3A_149 = tpu.memref_squeeze %dma_wait3A_148 : memref<1x1x10000xi32, #tpu.memory_space<hbm>> -> memref<10000xi32, #tpu.memory_space<hbm>>
    tpu.wait_dma2 semaphore(%arg11 : memref<!tpu.dma_semaphore, #tpu.memory_space<semaphore_mem>>) src(%dma_wait3A_149 : memref<10000xi32, #tpu.memory_space<hbm>>) dst(%arg6 : memref<10000xi32, #tpu.memory_space<vmem>>)
    %dma_wait3A_150 = arith.constant 0 : i32
    %dma_wait3A_151 = arith.constant 0 : i32
    %dma_wait3A_152 = tpu.memref_slice %arg4[%arg0, %arg1, %dma_wait3A_150, %dma_wait3A_151] : memref<2x16x125x80xi32, #tpu.memory_space<hbm>> -> memref<1x1x125x80xi32, #tpu.memory_space<hbm>>
    %dma_wait3A_153 = tpu.memref_squeeze %dma_wait3A_152 : memref<1x1x125x80xi32, #tpu.memory_space<hbm>> -> memref<125x80xi32, #tpu.memory_space<hbm>>
    %dma_wait3A_154 = arith.constant 0 : i32
    %dma_wait3A_155 = arith.constant 0 : i32
    %dma_wait3A_156 = tpu.memref_slice %arg4[%arg0, %arg1, %dma_wait3A_154, %dma_wait3A_155] : memref<2x16x125x80xi32, #tpu.memory_space<hbm>> -> memref<1x1x125x80xi32, #tpu.memory_space<hbm>>
    %dma_wait3A_157 = tpu.memref_squeeze %dma_wait3A_156 : memref<1x1x125x80xi32, #tpu.memory_space<hbm>> -> memref<125x80xi32, #tpu.memory_space<hbm>>
    tpu.wait_dma2 semaphore(%arg12 : memref<!tpu.dma_semaphore, #tpu.memory_space<semaphore_mem>>) src(%dma_wait3A_157 : memref<125x80xi32, #tpu.memory_space<hbm>>) dst(%arg7 : memref<125x80xi32, #tpu.memory_space<vmem>>)
    %barrier3A = arith.constant 0 : index
    tpu.barrier barrier_id(%barrier3A)
    %dma_start3A_158 = arith.constant 0 : i32
    %dma_start3A_159 = tpu.memref_slice %arg6[%dma_start3A_158] : memref<10000xi32, #tpu.memory_space<vmem>> -> memref<80xi32, #tpu.memory_space<vmem>>
    %dma_start3A_160 = arith.constant 0 : i32
    %dma_start3A_161 = arith.constant 0 : i32
    %dma_start3A_162 = tpu.memref_slice %arg2[%dma_start3A_160, %dma_start3A_161] : memref<10240x128xf32, #tpu.memory_space<hbm>> -> memref<10240x128xf32, #tpu.memory_space<hbm>>
    tpu.enqueue_indirect_dma source(%dma_start3A_162 : memref<10240x128xf32, #tpu.memory_space<hbm>>) target(%arg8 : memref<80x128xf32, #tpu.memory_space<vmem>>) offsets(%dma_start3A_159 : memref<80xi32, #tpu.memory_space<vmem>>) semaphore(%arg11 : memref<!tpu.dma_semaphore, #tpu.memory_space<semaphore_mem>>)
    %scan3A_163 = arith.constant 0 : i32
    %scan3A_164 = arith.constant 0 : i32
    %scan3A_165 = arith.constant 62 : i32
    %scan3A_166 = arith.addi %scan3A_164, %scan3A_165 : i32
    %scan3A_167 = arith.constant 1 : i32
    scf.for %scan3A_406 = %scan3A_164 to %scan3A_166 step %scan3A_167  : i32 {
      %mul3A_407 = arith.constant 2 : i32
      %mul3A_408 = arith.muli %mul3A_407, %scan3A_406 : i32
      %mul3A_409 = arith.constant 80 : i32
      %mul3A_410 = arith.muli %mul3A_408, %mul3A_409 : i32
      %dma_wait3A_411 = tpu.memref_slice %arg6[%mul3A_410] : memref<10000xi32, #tpu.memory_space<vmem>> -> memref<80xi32, #tpu.memory_space<vmem>>
      %dma_wait3A_412 = arith.constant 0 : i32
      %dma_wait3A_413 = arith.constant 0 : i32
      %dma_wait3A_414 = tpu.memref_slice %arg2[%dma_wait3A_412, %dma_wait3A_413] : memref<10240x128xf32, #tpu.memory_space<hbm>> -> memref<10240x128xf32, #tpu.memory_space<hbm>>
      tpu.wait_indirect_dma semaphore(%arg11 : memref<!tpu.dma_semaphore, #tpu.memory_space<semaphore_mem>>) src(%dma_wait3A_414 : memref<10240x128xf32, #tpu.memory_space<hbm>>) dst(%arg8 : memref<80x128xf32, #tpu.memory_space<vmem>>)
      %mul3A_415 = arith.constant 2 : i32
      %mul3A_416 = arith.muli %mul3A_415, %scan3A_406 : i32
      %dma_start3A_417 = arith.constant 0 : i32
      %dma_start3A_418 = tpu.memref_slice %arg7[%mul3A_416, %dma_start3A_417] : memref<125x80xi32, #tpu.memory_space<vmem>> -> memref<1x80xi32, #tpu.memory_space<vmem>>
      %dma_start3A_419 = tpu.memref_squeeze %dma_start3A_418 : memref<1x80xi32, #tpu.memory_space<vmem>> -> memref<80xi32, #tpu.memory_space<vmem>>
      %dma_start3A_420 = arith.constant 0 : i32
      %dma_start3A_421 = arith.constant 0 : i32
      %dma_start3A_422 = tpu.memref_slice %arg10[%dma_start3A_420, %dma_start3A_421] : memref<10240x128xf32, #tpu.memory_space<vmem_shared>> -> memref<10240x128xf32, #tpu.memory_space<vmem_shared>>
      tpu.enqueue_indirect_dma source(%arg8 : memref<80x128xf32, #tpu.memory_space<vmem>>) target(%dma_start3A_422 : memref<10240x128xf32, #tpu.memory_space<vmem_shared>>) offsets(%dma_start3A_419 : memref<80xi32, #tpu.memory_space<vmem>>) semaphore(%arg13 : memref<!tpu.dma_semaphore, #tpu.memory_space<semaphore_mem>>) {add = true}
      %gt3A = arith.constant 0 : i32
      %gt3A_423 = arith.cmpi sgt, %scan3A_406, %gt3A : i32
      %convert_element_type3A = arith.extui %gt3A_423 : i1 to i32
      %cond3A = arith.constant 0 : i32
      %cond3A_424 = arith.cmpi ne, %convert_element_type3A, %cond3A : i32
      scf.if %cond3A_424 {
        %mul3A_473 = arith.constant 2 : i32
        %mul3A_474 = arith.muli %mul3A_473, %scan3A_406 : i32
        %sub3A = arith.constant 1 : i32
        %sub3A_475 = arith.subi %mul3A_474, %sub3A : i32
        %dma_wait3A_476 = arith.constant 0 : i32
        %dma_wait3A_477 = tpu.memref_slice %arg7[%sub3A_475, %dma_wait3A_476] : memref<125x80xi32, #tpu.memory_space<vmem>> -> memref<1x80xi32, #tpu.memory_space<vmem>>
        %dma_wait3A_478 = tpu.memref_squeeze %dma_wait3A_477 : memref<1x80xi32, #tpu.memory_space<vmem>> -> memref<80xi32, #tpu.memory_space<vmem>>
        %dma_wait3A_479 = arith.constant 0 : i32
        %dma_wait3A_480 = arith.constant 0 : i32
        %dma_wait3A_481 = tpu.memref_slice %arg10[%dma_wait3A_479, %dma_wait3A_480] : memref<10240x128xf32, #tpu.memory_space<vmem_shared>> -> memref<10240x128xf32, #tpu.memory_space<vmem_shared>>
        tpu.wait_indirect_dma semaphore(%arg14 : memref<!tpu.dma_semaphore, #tpu.memory_space<semaphore_mem>>) src(%arg9 : memref<80x128xf32, #tpu.memory_space<vmem>>) dst(%dma_wait3A_481 : memref<10240x128xf32, #tpu.memory_space<vmem_shared>>)
      } else {
      }
      %mul3A_425 = arith.constant 2 : i32
      %mul3A_426 = arith.muli %mul3A_425, %scan3A_406 : i32
      %add3A_427 = arith.constant 1 : i32
      %add3A_428 = arith.addi %mul3A_426, %add3A_427 : i32
      %mul3A_429 = arith.constant 80 : i32
      %mul3A_430 = arith.muli %add3A_428, %mul3A_429 : i32
      %dma_start3A_431 = tpu.memref_slice %arg6[%mul3A_430] : memref<10000xi32, #tpu.memory_space<vmem>> -> memref<80xi32, #tpu.memory_space<vmem>>
      %dma_start3A_432 = arith.constant 0 : i32
      %dma_start3A_433 = arith.constant 0 : i32
      %dma_start3A_434 = tpu.memref_slice %arg2[%dma_start3A_432, %dma_start3A_433] : memref<10240x128xf32, #tpu.memory_space<hbm>> -> memref<10240x128xf32, #tpu.memory_space<hbm>>
      tpu.enqueue_indirect_dma source(%dma_start3A_434 : memref<10240x128xf32, #tpu.memory_space<hbm>>) target(%arg9 : memref<80x128xf32, #tpu.memory_space<vmem>>) offsets(%dma_start3A_431 : memref<80xi32, #tpu.memory_space<vmem>>) semaphore(%arg12 : memref<!tpu.dma_semaphore, #tpu.memory_space<semaphore_mem>>)
      %mul3A_435 = arith.constant 2 : i32
      %mul3A_436 = arith.muli %mul3A_435, %scan3A_406 : i32
      %dma_wait3A_437 = arith.constant 0 : i32
      %dma_wait3A_438 = tpu.memref_slice %arg7[%mul3A_436, %dma_wait3A_437] : memref<125x80xi32, #tpu.memory_space<vmem>> -> memref<1x80xi32, #tpu.memory_space<vmem>>
      %dma_wait3A_439 = tpu.memref_squeeze %dma_wait3A_438 : memref<1x80xi32, #tpu.memory_space<vmem>> -> memref<80xi32, #tpu.memory_space<vmem>>
      %dma_wait3A_440 = arith.constant 0 : i32
      %dma_wait3A_441 = arith.constant 0 : i32
      %dma_wait3A_442 = tpu.memref_slice %arg10[%dma_wait3A_440, %dma_wait3A_441] : memref<10240x128xf32, #tpu.memory_space<vmem_shared>> -> memref<10240x128xf32, #tpu.memory_space<vmem_shared>>
      tpu.wait_indirect_dma semaphore(%arg13 : memref<!tpu.dma_semaphore, #tpu.memory_space<semaphore_mem>>) src(%arg8 : memref<80x128xf32, #tpu.memory_space<vmem>>) dst(%dma_wait3A_442 : memref<10240x128xf32, #tpu.memory_space<vmem_shared>>)
      %mul3A_443 = arith.constant 2 : i32
      %mul3A_444 = arith.muli %mul3A_443, %scan3A_406 : i32
      %add3A_445 = arith.constant 2 : i32
      %add3A_446 = arith.addi %mul3A_444, %add3A_445 : i32
      %mul3A_447 = arith.constant 80 : i32
      %mul3A_448 = arith.muli %add3A_446, %mul3A_447 : i32
      %dma_start3A_449 = tpu.memref_slice %arg6[%mul3A_448] : memref<10000xi32, #tpu.memory_space<vmem>> -> memref<80xi32, #tpu.memory_space<vmem>>
      %dma_start3A_450 = arith.constant 0 : i32
      %dma_start3A_451 = arith.constant 0 : i32
      %dma_start3A_452 = tpu.memref_slice %arg2[%dma_start3A_450, %dma_start3A_451] : memref<10240x128xf32, #tpu.memory_space<hbm>> -> memref<10240x128xf32, #tpu.memory_space<hbm>>
      tpu.enqueue_indirect_dma source(%dma_start3A_452 : memref<10240x128xf32, #tpu.memory_space<hbm>>) target(%arg8 : memref<80x128xf32, #tpu.memory_space<vmem>>) offsets(%dma_start3A_449 : memref<80xi32, #tpu.memory_space<vmem>>) semaphore(%arg11 : memref<!tpu.dma_semaphore, #tpu.memory_space<semaphore_mem>>)
      %mul3A_453 = arith.constant 2 : i32
      %mul3A_454 = arith.muli %mul3A_453, %scan3A_406 : i32
      %add3A_455 = arith.constant 1 : i32
      %add3A_456 = arith.addi %mul3A_454, %add3A_455 : i32
      %mul3A_457 = arith.constant 80 : i32
      %mul3A_458 = arith.muli %add3A_456, %mul3A_457 : i32
      %dma_wait3A_459 = tpu.memref_slice %arg6[%mul3A_458] : memref<10000xi32, #tpu.memory_space<vmem>> -> memref<80xi32, #tpu.memory_space<vmem>>
      %dma_wait3A_460 = arith.constant 0 : i32
      %dma_wait3A_461 = arith.constant 0 : i32
      %dma_wait3A_462 = tpu.memref_slice %arg2[%dma_wait3A_460, %dma_wait3A_461] : memref<10240x128xf32, #tpu.memory_space<hbm>> -> memref<10240x128xf32, #tpu.memory_space<hbm>>
      tpu.wait_indirect_dma semaphore(%arg12 : memref<!tpu.dma_semaphore, #tpu.memory_space<semaphore_mem>>) src(%dma_wait3A_462 : memref<10240x128xf32, #tpu.memory_space<hbm>>) dst(%arg9 : memref<80x128xf32, #tpu.memory_space<vmem>>)
      %mul3A_463 = arith.constant 2 : i32
      %mul3A_464 = arith.muli %mul3A_463, %scan3A_406 : i32
      %add3A_465 = arith.constant 1 : i32
      %add3A_466 = arith.addi %mul3A_464, %add3A_465 : i32
      %dma_start3A_467 = arith.constant 0 : i32
      %dma_start3A_468 = tpu.memref_slice %arg7[%add3A_466, %dma_start3A_467] : memref<125x80xi32, #tpu.memory_space<vmem>> -> memref<1x80xi32, #tpu.memory_space<vmem>>
      %dma_start3A_469 = tpu.memref_squeeze %dma_start3A_468 : memref<1x80xi32, #tpu.memory_space<vmem>> -> memref<80xi32, #tpu.memory_space<vmem>>
      %dma_start3A_470 = arith.constant 0 : i32
      %dma_start3A_471 = arith.constant 0 : i32
      %dma_start3A_472 = tpu.memref_slice %arg10[%dma_start3A_470, %dma_start3A_471] : memref<10240x128xf32, #tpu.memory_space<vmem_shared>> -> memref<10240x128xf32, #tpu.memory_space<vmem_shared>>
      tpu.enqueue_indirect_dma source(%arg9 : memref<80x128xf32, #tpu.memory_space<vmem>>) target(%dma_start3A_472 : memref<10240x128xf32, #tpu.memory_space<vmem_shared>>) offsets(%dma_start3A_469 : memref<80xi32, #tpu.memory_space<vmem>>) semaphore(%arg14 : memref<!tpu.dma_semaphore, #tpu.memory_space<semaphore_mem>>) {add = true}
    }
    %scan3A_168 = arith.constant 62 : i32
    %dma_wait3A_169 = arith.constant 9920 : i32
    %dma_wait3A_170 = tpu.memref_slice %arg6[%dma_wait3A_169] : memref<10000xi32, #tpu.memory_space<vmem>> -> memref<80xi32, #tpu.memory_space<vmem>>
    %dma_wait3A_171 = arith.constant 0 : i32
    %dma_wait3A_172 = arith.constant 0 : i32
    %dma_wait3A_173 = tpu.memref_slice %arg2[%dma_wait3A_171, %dma_wait3A_172] : memref<10240x128xf32, #tpu.memory_space<hbm>> -> memref<10240x128xf32, #tpu.memory_space<hbm>>
    tpu.wait_indirect_dma semaphore(%arg11 : memref<!tpu.dma_semaphore, #tpu.memory_space<semaphore_mem>>) src(%dma_wait3A_173 : memref<10240x128xf32, #tpu.memory_space<hbm>>) dst(%arg8 : memref<80x128xf32, #tpu.memory_space<vmem>>)
    %dma_wait3A_174 = arith.constant 123 : i32
    %dma_wait3A_175 = arith.constant 0 : i32
    %dma_wait3A_176 = tpu.memref_slice %arg7[%dma_wait3A_174, %dma_wait3A_175] : memref<125x80xi32, #tpu.memory_space<vmem>> -> memref<1x80xi32, #tpu.memory_space<vmem>>
    %dma_wait3A_177 = tpu.memref_squeeze %dma_wait3A_176 : memref<1x80xi32, #tpu.memory_space<vmem>> -> memref<80xi32, #tpu.memory_space<vmem>>
    %dma_wait3A_178 = arith.constant 0 : i32
    %dma_wait3A_179 = arith.constant 0 : i32
    %dma_wait3A_180 = tpu.memref_slice %arg10[%dma_wait3A_178, %dma_wait3A_179] : memref<10240x128xf32, #tpu.memory_space<vmem_shared>> -> memref<10240x128xf32, #tpu.memory_space<vmem_shared>>
    tpu.wait_indirect_dma semaphore(%arg14 : memref<!tpu.dma_semaphore, #tpu.memory_space<semaphore_mem>>) src(%arg9 : memref<80x128xf32, #tpu.memory_space<vmem>>) dst(%dma_wait3A_180 : memref<10240x128xf32, #tpu.memory_space<vmem_shared>>)
    %run_scoped3A = arith.constant 124 : i32
    "tpu.region"() ({
      %run_scoped3A_406 = tpu.sem_alloc : memref<!tpu.dma_semaphore, #tpu.memory_space<semaphore_mem>>
      %dma_start3A_407 = arith.constant 0 : i32
      %dma_start3A_408 = tpu.memref_slice %arg7[%run_scoped3A, %dma_start3A_407] : memref<125x80xi32, #tpu.memory_space<vmem>> -> memref<1x80xi32, #tpu.memory_space<vmem>>
      %dma_start3A_409 = tpu.memref_squeeze %dma_start3A_408 : memref<1x80xi32, #tpu.memory_space<vmem>> -> memref<80xi32, #tpu.memory_space<vmem>>
      %dma_start3A_410 = arith.constant 0 : i32
      %dma_start3A_411 = arith.constant 0 : i32
      %dma_start3A_412 = tpu.memref_slice %arg10[%dma_start3A_410, %dma_start3A_411] : memref<10240x128xf32, #tpu.memory_space<vmem_shared>> -> memref<10240x128xf32, #tpu.memory_space<vmem_shared>>
      tpu.enqueue_indirect_dma source(%arg8 : memref<80x128xf32, #tpu.memory_space<vmem>>) target(%dma_start3A_412 : memref<10240x128xf32, #tpu.memory_space<vmem_shared>>) offsets(%dma_start3A_409 : memref<80xi32, #tpu.memory_space<vmem>>) semaphore(%run_scoped3A_406 : memref<!tpu.dma_semaphore, #tpu.memory_space<semaphore_mem>>) {add = true}
      %dma_wait3A_413 = arith.constant 0 : i32
      %dma_wait3A_414 = tpu.memref_slice %arg7[%run_scoped3A, %dma_wait3A_413] : memref<125x80xi32, #tpu.memory_space<vmem>> -> memref<1x80xi32, #tpu.memory_space<vmem>>
      %dma_wait3A_415 = tpu.memref_squeeze %dma_wait3A_414 : memref<1x80xi32, #tpu.memory_space<vmem>> -> memref<80xi32, #tpu.memory_space<vmem>>
      %dma_wait3A_416 = arith.constant 0 : i32
      %dma_wait3A_417 = arith.constant 0 : i32
      %dma_wait3A_418 = tpu.memref_slice %arg10[%dma_wait3A_416, %dma_wait3A_417] : memref<10240x128xf32, #tpu.memory_space<vmem_shared>> -> memref<10240x128xf32, #tpu.memory_space<vmem_shared>>
      tpu.wait_indirect_dma semaphore(%run_scoped3A_406 : memref<!tpu.dma_semaphore, #tpu.memory_space<semaphore_mem>>) src(%arg8 : memref<80x128xf32, #tpu.memory_space<vmem>>) dst(%dma_wait3A_418 : memref<10240x128xf32, #tpu.memory_space<vmem_shared>>)
      tpu.yield
    }) : () -> ()
    %barrier3A_181 = arith.constant 0 : index
    tpu.barrier barrier_id(%barrier3A_181)
    %mul3A_182 = arith.constant 640 : i32
    %mul3A_183 = arith.muli %arg1, %mul3A_182 : i32
    %add3A_184 = arith.constant 0 : i32
    %add3A_185 = arith.addi %mul3A_183, %add3A_184 : i32
    %dma_start3A_186 = arith.constant 0 : i32
    %dma_start3A_187 = tpu.memref_slice %arg10[%add3A_185, %dma_start3A_186] : memref<10240x128xf32, #tpu.memory_space<vmem_shared>> -> memref<80x128xf32, #tpu.memory_space<vmem_shared>>
    %dma_start3A_188 = arith.constant 0 : i32
    %dma_start3A_189 = tpu.memref_slice %arg10[%add3A_185, %dma_start3A_188] : memref<10240x128xf32, #tpu.memory_space<vmem_shared>> -> memref<80x128xf32, #tpu.memory_space<vmem_shared>>
    tpu.enqueue_dma source(%dma_start3A_189 : memref<80x128xf32, #tpu.memory_space<vmem_shared>>) target(%arg8 : memref<80x128xf32, #tpu.memory_space<vmem>>) target_semaphore(%arg11 : memref<!tpu.dma_semaphore, #tpu.memory_space<semaphore_mem>>)
    %dma_wait3A_190 = arith.constant 0 : i32
    %dma_wait3A_191 = tpu.memref_slice %arg10[%add3A_185, %dma_wait3A_190] : memref<10240x128xf32, #tpu.memory_space<vmem_shared>> -> memref<80x128xf32, #tpu.memory_space<vmem_shared>>
    %dma_wait3A_192 = arith.constant 0 : i32
    %dma_wait3A_193 = tpu.memref_slice %arg10[%add3A_185, %dma_wait3A_192] : memref<10240x128xf32, #tpu.memory_space<vmem_shared>> -> memref<80x128xf32, #tpu.memory_space<vmem_shared>>
    tpu.wait_dma2 semaphore(%arg11 : memref<!tpu.dma_semaphore, #tpu.memory_space<semaphore_mem>>) src(%dma_wait3A_193 : memref<80x128xf32, #tpu.memory_space<vmem_shared>>) dst(%arg8 : memref<80x128xf32, #tpu.memory_space<vmem>>)
    %dma_start3A_194 = arith.constant 0 : i32
    %dma_start3A_195 = tpu.memref_slice %arg5[%arg0, %add3A_185, %dma_start3A_194] : memref<2x10240x128xf32, #tpu.memory_space<hbm>> -> memref<1x80x128xf32, #tpu.memory_space<hbm>>
    %dma_start3A_196 = tpu.memref_squeeze %dma_start3A_195 : memref<1x80x128xf32, #tpu.memory_space<hbm>> -> memref<80x128xf32, #tpu.memory_space<hbm>>
    %dma_start3A_197 = arith.constant 0 : i32
    %dma_start3A_198 = tpu.memref_slice %arg5[%arg0, %add3A_185, %dma_start3A_197] : memref<2x10240x128xf32, #tpu.memory_space<hbm>> -> memref<1x80x128xf32, #tpu.memory_space<hbm>>
    %dma_start3A_199 = tpu.memref_squeeze %dma_start3A_198 : memref<1x80x128xf32, #tpu.memory_space<hbm>> -> memref<80x128xf32, #tpu.memory_space<hbm>>
    tpu.enqueue_dma source(%arg8 : memref<80x128xf32, #tpu.memory_space<vmem>>) target(%dma_start3A_199 : memref<80x128xf32, #tpu.memory_space<hbm>>) target_semaphore(%arg13 : memref<!tpu.dma_semaphore, #tpu.memory_space<semaphore_mem>>)
    %mul3A_200 = arith.constant 640 : i32
    %mul3A_201 = arith.muli %arg1, %mul3A_200 : i32
    %add3A_202 = arith.constant 80 : i32
    %add3A_203 = arith.addi %mul3A_201, %add3A_202 : i32
    %dma_start3A_204 = arith.constant 0 : i32
    %dma_start3A_205 = tpu.memref_slice %arg10[%add3A_203, %dma_start3A_204] : memref<10240x128xf32, #tpu.memory_space<vmem_shared>> -> memref<80x128xf32, #tpu.memory_space<vmem_shared>>
    %dma_start3A_206 = arith.constant 0 : i32
    %dma_start3A_207 = tpu.memref_slice %arg10[%add3A_203, %dma_start3A_206] : memref<10240x128xf32, #tpu.memory_space<vmem_shared>> -> memref<80x128xf32, #tpu.memory_space<vmem_shared>>
    tpu.enqueue_dma source(%dma_start3A_207 : memref<80x128xf32, #tpu.memory_space<vmem_shared>>) target(%arg9 : memref<80x128xf32, #tpu.memory_space<vmem>>) target_semaphore(%arg12 : memref<!tpu.dma_semaphore, #tpu.memory_space<semaphore_mem>>)
    %dma_wait3A_208 = arith.constant 0 : i32
    %dma_wait3A_209 = tpu.memref_slice %arg10[%add3A_203, %dma_wait3A_208] : memref<10240x128xf32, #tpu.memory_space<vmem_shared>> -> memref<80x128xf32, #tpu.memory_space<vmem_shared>>
    %dma_wait3A_210 = arith.constant 0 : i32
    %dma_wait3A_211 = tpu.memref_slice %arg10[%add3A_203, %dma_wait3A_210] : memref<10240x128xf32, #tpu.memory_space<vmem_shared>> -> memref<80x128xf32, #tpu.memory_space<vmem_shared>>
    tpu.wait_dma2 semaphore(%arg12 : memref<!tpu.dma_semaphore, #tpu.memory_space<semaphore_mem>>) src(%dma_wait3A_211 : memref<80x128xf32, #tpu.memory_space<vmem_shared>>) dst(%arg9 : memref<80x128xf32, #tpu.memory_space<vmem>>)
    %dma_start3A_212 = arith.constant 0 : i32
    %dma_start3A_213 = tpu.memref_slice %arg5[%arg0, %add3A_203, %dma_start3A_212] : memref<2x10240x128xf32, #tpu.memory_space<hbm>> -> memref<1x80x128xf32, #tpu.memory_space<hbm>>
    %dma_start3A_214 = tpu.memref_squeeze %dma_start3A_213 : memref<1x80x128xf32, #tpu.memory_space<hbm>> -> memref<80x128xf32, #tpu.memory_space<hbm>>
    %dma_start3A_215 = arith.constant 0 : i32
    %dma_start3A_216 = tpu.memref_slice %arg5[%arg0, %add3A_203, %dma_start3A_215] : memref<2x10240x128xf32, #tpu.memory_space<hbm>> -> memref<1x80x128xf32, #tpu.memory_space<hbm>>
    %dma_start3A_217 = tpu.memref_squeeze %dma_start3A_216 : memref<1x80x128xf32, #tpu.memory_space<hbm>> -> memref<80x128xf32, #tpu.memory_space<hbm>>
    tpu.enqueue_dma source(%arg9 : memref<80x128xf32, #tpu.memory_space<vmem>>) target(%dma_start3A_217 : memref<80x128xf32, #tpu.memory_space<hbm>>) target_semaphore(%arg14 : memref<!tpu.dma_semaphore, #tpu.memory_space<semaphore_mem>>)
    %mul3A_218 = arith.constant 640 : i32
    %mul3A_219 = arith.muli %arg1, %mul3A_218 : i32
    %add3A_220 = arith.constant 160 : i32
    %add3A_221 = arith.addi %mul3A_219, %add3A_220 : i32
    %mul3A_222 = arith.constant 640 : i32
    %mul3A_223 = arith.muli %arg1, %mul3A_222 : i32
    %add3A_224 = arith.constant 0 : i32
    %add3A_225 = arith.addi %mul3A_223, %add3A_224 : i32
    %dma_wait3A_226 = arith.constant 0 : i32
    %dma_wait3A_227 = tpu.memref_slice %arg5[%arg0, %add3A_225, %dma_wait3A_226] : memref<2x10240x128xf32, #tpu.memory_space<hbm>> -> memref<1x80x128xf32, #tpu.memory_space<hbm>>
    %dma_wait3A_228 = tpu.memref_squeeze %dma_wait3A_227 : memref<1x80x128xf32, #tpu.memory_space<hbm>> -> memref<80x128xf32, #tpu.memory_space<hbm>>
    %dma_wait3A_229 = arith.constant 0 : i32
    %dma_wait3A_230 = tpu.memref_slice %arg5[%arg0, %add3A_225, %dma_wait3A_229] : memref<2x10240x128xf32, #tpu.memory_space<hbm>> -> memref<1x80x128xf32, #tpu.memory_space<hbm>>
    %dma_wait3A_231 = tpu.memref_squeeze %dma_wait3A_230 : memref<1x80x128xf32, #tpu.memory_space<hbm>> -> memref<80x128xf32, #tpu.memory_space<hbm>>
    tpu.wait_dma2 semaphore(%arg13 : memref<!tpu.dma_semaphore, #tpu.memory_space<semaphore_mem>>) src(%arg8 : memref<80x128xf32, #tpu.memory_space<vmem>>) dst(%dma_wait3A_231 : memref<80x128xf32, #tpu.memory_space<hbm>>)
    %dma_start3A_232 = arith.constant 0 : i32
    %dma_start3A_233 = tpu.memref_slice %arg10[%add3A_221, %dma_start3A_232] : memref<10240x128xf32, #tpu.memory_space<vmem_shared>> -> memref<80x128xf32, #tpu.memory_space<vmem_shared>>
    %dma_start3A_234 = arith.constant 0 : i32
    %dma_start3A_235 = tpu.memref_slice %arg10[%add3A_221, %dma_start3A_234] : memref<10240x128xf32, #tpu.memory_space<vmem_shared>> -> memref<80x128xf32, #tpu.memory_space<vmem_shared>>
    tpu.enqueue_dma source(%dma_start3A_235 : memref<80x128xf32, #tpu.memory_space<vmem_shared>>) target(%arg8 : memref<80x128xf32, #tpu.memory_space<vmem>>) target_semaphore(%arg11 : memref<!tpu.dma_semaphore, #tpu.memory_space<semaphore_mem>>)
    %dma_wait3A_236 = arith.constant 0 : i32
    %dma_wait3A_237 = tpu.memref_slice %arg10[%add3A_221, %dma_wait3A_236] : memref<10240x128xf32, #tpu.memory_space<vmem_shared>> -> memref<80x128xf32, #tpu.memory_space<vmem_shared>>
    %dma_wait3A_238 = arith.constant 0 : i32
    %dma_wait3A_239 = tpu.memref_slice %arg10[%add3A_221, %dma_wait3A_238] : memref<10240x128xf32, #tpu.memory_space<vmem_shared>> -> memref<80x128xf32, #tpu.memory_space<vmem_shared>>
    tpu.wait_dma2 semaphore(%arg11 : memref<!tpu.dma_semaphore, #tpu.memory_space<semaphore_mem>>) src(%dma_wait3A_239 : memref<80x128xf32, #tpu.memory_space<vmem_shared>>) dst(%arg8 : memref<80x128xf32, #tpu.memory_space<vmem>>)
    %dma_start3A_240 = arith.constant 0 : i32
    %dma_start3A_241 = tpu.memref_slice %arg5[%arg0, %add3A_221, %dma_start3A_240] : memref<2x10240x128xf32, #tpu.memory_space<hbm>> -> memref<1x80x128xf32, #tpu.memory_space<hbm>>
    %dma_start3A_242 = tpu.memref_squeeze %dma_start3A_241 : memref<1x80x128xf32, #tpu.memory_space<hbm>> -> memref<80x128xf32, #tpu.memory_space<hbm>>
    %dma_start3A_243 = arith.constant 0 : i32
    %dma_start3A_244 = tpu.memref_slice %arg5[%arg0, %add3A_221, %dma_start3A_243] : memref<2x10240x128xf32, #tpu.memory_space<hbm>> -> memref<1x80x128xf32, #tpu.memory_space<hbm>>
    %dma_start3A_245 = tpu.memref_squeeze %dma_start3A_244 : memref<1x80x128xf32, #tpu.memory_space<hbm>> -> memref<80x128xf32, #tpu.memory_space<hbm>>
    tpu.enqueue_dma source(%arg8 : memref<80x128xf32, #tpu.memory_space<vmem>>) target(%dma_start3A_245 : memref<80x128xf32, #tpu.memory_space<hbm>>) target_semaphore(%arg13 : memref<!tpu.dma_semaphore, #tpu.memory_space<semaphore_mem>>)
    %mul3A_246 = arith.constant 640 : i32
    %mul3A_247 = arith.muli %arg1, %mul3A_246 : i32
    %add3A_248 = arith.constant 240 : i32
    %add3A_249 = arith.addi %mul3A_247, %add3A_248 : i32
    %mul3A_250 = arith.constant 640 : i32
    %mul3A_251 = arith.muli %arg1, %mul3A_250 : i32
    %add3A_252 = arith.constant 80 : i32
    %add3A_253 = arith.addi %mul3A_251, %add3A_252 : i32
    %dma_wait3A_254 = arith.constant 0 : i32
    %dma_wait3A_255 = tpu.memref_slice %arg5[%arg0, %add3A_253, %dma_wait3A_254] : memref<2x10240x128xf32, #tpu.memory_space<hbm>> -> memref<1x80x128xf32, #tpu.memory_space<hbm>>
    %dma_wait3A_256 = tpu.memref_squeeze %dma_wait3A_255 : memref<1x80x128xf32, #tpu.memory_space<hbm>> -> memref<80x128xf32, #tpu.memory_space<hbm>>
    %dma_wait3A_257 = arith.constant 0 : i32
    %dma_wait3A_258 = tpu.memref_slice %arg5[%arg0, %add3A_253, %dma_wait3A_257] : memref<2x10240x128xf32, #tpu.memory_space<hbm>> -> memref<1x80x128xf32, #tpu.memory_space<hbm>>
    %dma_wait3A_259 = tpu.memref_squeeze %dma_wait3A_258 : memref<1x80x128xf32, #tpu.memory_space<hbm>> -> memref<80x128xf32, #tpu.memory_space<hbm>>
    tpu.wait_dma2 semaphore(%arg14 : memref<!tpu.dma_semaphore, #tpu.memory_space<semaphore_mem>>) src(%arg9 : memref<80x128xf32, #tpu.memory_space<vmem>>) dst(%dma_wait3A_259 : memref<80x128xf32, #tpu.memory_space<hbm>>)
    %dma_start3A_260 = arith.constant 0 : i32
    %dma_start3A_261 = tpu.memref_slice %arg10[%add3A_249, %dma_start3A_260] : memref<10240x128xf32, #tpu.memory_space<vmem_shared>> -> memref<80x128xf32, #tpu.memory_space<vmem_shared>>
    %dma_start3A_262 = arith.constant 0 : i32
    %dma_start3A_263 = tpu.memref_slice %arg10[%add3A_249, %dma_start3A_262] : memref<10240x128xf32, #tpu.memory_space<vmem_shared>> -> memref<80x128xf32, #tpu.memory_space<vmem_shared>>
    tpu.enqueue_dma source(%dma_start3A_263 : memref<80x128xf32, #tpu.memory_space<vmem_shared>>) target(%arg9 : memref<80x128xf32, #tpu.memory_space<vmem>>) target_semaphore(%arg12 : memref<!tpu.dma_semaphore, #tpu.memory_space<semaphore_mem>>)
    %dma_wait3A_264 = arith.constant 0 : i32
    %dma_wait3A_265 = tpu.memref_slice %arg10[%add3A_249, %dma_wait3A_264] : memref<10240x128xf32, #tpu.memory_space<vmem_shared>> -> memref<80x128xf32, #tpu.memory_space<vmem_shared>>
    %dma_wait3A_266 = arith.constant 0 : i32
    %dma_wait3A_267 = tpu.memref_slice %arg10[%add3A_249, %dma_wait3A_266] : memref<10240x128xf32, #tpu.memory_space<vmem_shared>> -> memref<80x128xf32, #tpu.memory_space<vmem_shared>>
    tpu.wait_dma2 semaphore(%arg12 : memref<!tpu.dma_semaphore, #tpu.memory_space<semaphore_mem>>) src(%dma_wait3A_267 : memref<80x128xf32, #tpu.memory_space<vmem_shared>>) dst(%arg9 : memref<80x128xf32, #tpu.memory_space<vmem>>)
    %dma_start3A_268 = arith.constant 0 : i32
    %dma_start3A_269 = tpu.memref_slice %arg5[%arg0, %add3A_249, %dma_start3A_268] : memref<2x10240x128xf32, #tpu.memory_space<hbm>> -> memref<1x80x128xf32, #tpu.memory_space<hbm>>
    %dma_start3A_270 = tpu.memref_squeeze %dma_start3A_269 : memref<1x80x128xf32, #tpu.memory_space<hbm>> -> memref<80x128xf32, #tpu.memory_space<hbm>>
    %dma_start3A_271 = arith.constant 0 : i32
    %dma_start3A_272 = tpu.memref_slice %arg5[%arg0, %add3A_249, %dma_start3A_271] : memref<2x10240x128xf32, #tpu.memory_space<hbm>> -> memref<1x80x128xf32, #tpu.memory_space<hbm>>
    %dma_start3A_273 = tpu.memref_squeeze %dma_start3A_272 : memref<1x80x128xf32, #tpu.memory_space<hbm>> -> memref<80x128xf32, #tpu.memory_space<hbm>>
    tpu.enqueue_dma source(%arg9 : memref<80x128xf32, #tpu.memory_space<vmem>>) target(%dma_start3A_273 : memref<80x128xf32, #tpu.memory_space<hbm>>) target_semaphore(%arg14 : memref<!tpu.dma_semaphore, #tpu.memory_space<semaphore_mem>>)
    %mul3A_274 = arith.constant 640 : i32
    %mul3A_275 = arith.muli %arg1, %mul3A_274 : i32
    %add3A_276 = arith.constant 320 : i32
    %add3A_277 = arith.addi %mul3A_275, %add3A_276 : i32
    %mul3A_278 = arith.constant 640 : i32
    %mul3A_279 = arith.muli %arg1, %mul3A_278 : i32
    %add3A_280 = arith.constant 160 : i32
    %add3A_281 = arith.addi %mul3A_279, %add3A_280 : i32
    %dma_wait3A_282 = arith.constant 0 : i32
    %dma_wait3A_283 = tpu.memref_slice %arg5[%arg0, %add3A_281, %dma_wait3A_282] : memref<2x10240x128xf32, #tpu.memory_space<hbm>> -> memref<1x80x128xf32, #tpu.memory_space<hbm>>
    %dma_wait3A_284 = tpu.memref_squeeze %dma_wait3A_283 : memref<1x80x128xf32, #tpu.memory_space<hbm>> -> memref<80x128xf32, #tpu.memory_space<hbm>>
    %dma_wait3A_285 = arith.constant 0 : i32
    %dma_wait3A_286 = tpu.memref_slice %arg5[%arg0, %add3A_281, %dma_wait3A_285] : memref<2x10240x128xf32, #tpu.memory_space<hbm>> -> memref<1x80x128xf32, #tpu.memory_space<hbm>>
    %dma_wait3A_287 = tpu.memref_squeeze %dma_wait3A_286 : memref<1x80x128xf32, #tpu.memory_space<hbm>> -> memref<80x128xf32, #tpu.memory_space<hbm>>
    tpu.wait_dma2 semaphore(%arg13 : memref<!tpu.dma_semaphore, #tpu.memory_space<semaphore_mem>>) src(%arg8 : memref<80x128xf32, #tpu.memory_space<vmem>>) dst(%dma_wait3A_287 : memref<80x128xf32, #tpu.memory_space<hbm>>)
    %dma_start3A_288 = arith.constant 0 : i32
    %dma_start3A_289 = tpu.memref_slice %arg10[%add3A_277, %dma_start3A_288] : memref<10240x128xf32, #tpu.memory_space<vmem_shared>> -> memref<80x128xf32, #tpu.memory_space<vmem_shared>>
    %dma_start3A_290 = arith.constant 0 : i32
    %dma_start3A_291 = tpu.memref_slice %arg10[%add3A_277, %dma_start3A_290] : memref<10240x128xf32, #tpu.memory_space<vmem_shared>> -> memref<80x128xf32, #tpu.memory_space<vmem_shared>>
    tpu.enqueue_dma source(%dma_start3A_291 : memref<80x128xf32, #tpu.memory_space<vmem_shared>>) target(%arg8 : memref<80x128xf32, #tpu.memory_space<vmem>>) target_semaphore(%arg11 : memref<!tpu.dma_semaphore, #tpu.memory_space<semaphore_mem>>)
    %dma_wait3A_292 = arith.constant 0 : i32
    %dma_wait3A_293 = tpu.memref_slice %arg10[%add3A_277, %dma_wait3A_292] : memref<10240x128xf32, #tpu.memory_space<vmem_shared>> -> memref<80x128xf32, #tpu.memory_space<vmem_shared>>
    %dma_wait3A_294 = arith.constant 0 : i32
    %dma_wait3A_295 = tpu.memref_slice %arg10[%add3A_277, %dma_wait3A_294] : memref<10240x128xf32, #tpu.memory_space<vmem_shared>> -> memref<80x128xf32, #tpu.memory_space<vmem_shared>>
    tpu.wait_dma2 semaphore(%arg11 : memref<!tpu.dma_semaphore, #tpu.memory_space<semaphore_mem>>) src(%dma_wait3A_295 : memref<80x128xf32, #tpu.memory_space<vmem_shared>>) dst(%arg8 : memref<80x128xf32, #tpu.memory_space<vmem>>)
    %dma_start3A_296 = arith.constant 0 : i32
    %dma_start3A_297 = tpu.memref_slice %arg5[%arg0, %add3A_277, %dma_start3A_296] : memref<2x10240x128xf32, #tpu.memory_space<hbm>> -> memref<1x80x128xf32, #tpu.memory_space<hbm>>
    %dma_start3A_298 = tpu.memref_squeeze %dma_start3A_297 : memref<1x80x128xf32, #tpu.memory_space<hbm>> -> memref<80x128xf32, #tpu.memory_space<hbm>>
    %dma_start3A_299 = arith.constant 0 : i32
    %dma_start3A_300 = tpu.memref_slice %arg5[%arg0, %add3A_277, %dma_start3A_299] : memref<2x10240x128xf32, #tpu.memory_space<hbm>> -> memref<1x80x128xf32, #tpu.memory_space<hbm>>
    %dma_start3A_301 = tpu.memref_squeeze %dma_start3A_300 : memref<1x80x128xf32, #tpu.memory_space<hbm>> -> memref<80x128xf32, #tpu.memory_space<hbm>>
    tpu.enqueue_dma source(%arg8 : memref<80x128xf32, #tpu.memory_space<vmem>>) target(%dma_start3A_301 : memref<80x128xf32, #tpu.memory_space<hbm>>) target_semaphore(%arg13 : memref<!tpu.dma_semaphore, #tpu.memory_space<semaphore_mem>>)
    %mul3A_302 = arith.constant 640 : i32
    %mul3A_303 = arith.muli %arg1, %mul3A_302 : i32
    %add3A_304 = arith.constant 400 : i32
    %add3A_305 = arith.addi %mul3A_303, %add3A_304 : i32
    %mul3A_306 = arith.constant 640 : i32
    %mul3A_307 = arith.muli %arg1, %mul3A_306 : i32
    %add3A_308 = arith.constant 240 : i32
    %add3A_309 = arith.addi %mul3A_307, %add3A_308 : i32
    %dma_wait3A_310 = arith.constant 0 : i32
    %dma_wait3A_311 = tpu.memref_slice %arg5[%arg0, %add3A_309, %dma_wait3A_310] : memref<2x10240x128xf32, #tpu.memory_space<hbm>> -> memref<1x80x128xf32, #tpu.memory_space<hbm>>
    %dma_wait3A_312 = tpu.memref_squeeze %dma_wait3A_311 : memref<1x80x128xf32, #tpu.memory_space<hbm>> -> memref<80x128xf32, #tpu.memory_space<hbm>>
    %dma_wait3A_313 = arith.constant 0 : i32
    %dma_wait3A_314 = tpu.memref_slice %arg5[%arg0, %add3A_309, %dma_wait3A_313] : memref<2x10240x128xf32, #tpu.memory_space<hbm>> -> memref<1x80x128xf32, #tpu.memory_space<hbm>>
    %dma_wait3A_315 = tpu.memref_squeeze %dma_wait3A_314 : memref<1x80x128xf32, #tpu.memory_space<hbm>> -> memref<80x128xf32, #tpu.memory_space<hbm>>
    tpu.wait_dma2 semaphore(%arg14 : memref<!tpu.dma_semaphore, #tpu.memory_space<semaphore_mem>>) src(%arg9 : memref<80x128xf32, #tpu.memory_space<vmem>>) dst(%dma_wait3A_315 : memref<80x128xf32, #tpu.memory_space<hbm>>)
    %dma_start3A_316 = arith.constant 0 : i32
    %dma_start3A_317 = tpu.memref_slice %arg10[%add3A_305, %dma_start3A_316] : memref<10240x128xf32, #tpu.memory_space<vmem_shared>> -> memref<80x128xf32, #tpu.memory_space<vmem_shared>>
    %dma_start3A_318 = arith.constant 0 : i32
    %dma_start3A_319 = tpu.memref_slice %arg10[%add3A_305, %dma_start3A_318] : memref<10240x128xf32, #tpu.memory_space<vmem_shared>> -> memref<80x128xf32, #tpu.memory_space<vmem_shared>>
    tpu.enqueue_dma source(%dma_start3A_319 : memref<80x128xf32, #tpu.memory_space<vmem_shared>>) target(%arg9 : memref<80x128xf32, #tpu.memory_space<vmem>>) target_semaphore(%arg12 : memref<!tpu.dma_semaphore, #tpu.memory_space<semaphore_mem>>)
    %dma_wait3A_320 = arith.constant 0 : i32
    %dma_wait3A_321 = tpu.memref_slice %arg10[%add3A_305, %dma_wait3A_320] : memref<10240x128xf32, #tpu.memory_space<vmem_shared>> -> memref<80x128xf32, #tpu.memory_space<vmem_shared>>
    %dma_wait3A_322 = arith.constant 0 : i32
    %dma_wait3A_323 = tpu.memref_slice %arg10[%add3A_305, %dma_wait3A_322] : memref<10240x128xf32, #tpu.memory_space<vmem_shared>> -> memref<80x128xf32, #tpu.memory_space<vmem_shared>>
    tpu.wait_dma2 semaphore(%arg12 : memref<!tpu.dma_semaphore, #tpu.memory_space<semaphore_mem>>) src(%dma_wait3A_323 : memref<80x128xf32, #tpu.memory_space<vmem_shared>>) dst(%arg9 : memref<80x128xf32, #tpu.memory_space<vmem>>)
    %dma_start3A_324 = arith.constant 0 : i32
    %dma_start3A_325 = tpu.memref_slice %arg5[%arg0, %add3A_305, %dma_start3A_324] : memref<2x10240x128xf32, #tpu.memory_space<hbm>> -> memref<1x80x128xf32, #tpu.memory_space<hbm>>
    %dma_start3A_326 = tpu.memref_squeeze %dma_start3A_325 : memref<1x80x128xf32, #tpu.memory_space<hbm>> -> memref<80x128xf32, #tpu.memory_space<hbm>>
    %dma_start3A_327 = arith.constant 0 : i32
    %dma_start3A_328 = tpu.memref_slice %arg5[%arg0, %add3A_305, %dma_start3A_327] : memref<2x10240x128xf32, #tpu.memory_space<hbm>> -> memref<1x80x128xf32, #tpu.memory_space<hbm>>
    %dma_start3A_329 = tpu.memref_squeeze %dma_start3A_328 : memref<1x80x128xf32, #tpu.memory_space<hbm>> -> memref<80x128xf32, #tpu.memory_space<hbm>>
    tpu.enqueue_dma source(%arg9 : memref<80x128xf32, #tpu.memory_space<vmem>>) target(%dma_start3A_329 : memref<80x128xf32, #tpu.memory_space<hbm>>) target_semaphore(%arg14 : memref<!tpu.dma_semaphore, #tpu.memory_space<semaphore_mem>>)
    %mul3A_330 = arith.constant 640 : i32
    %mul3A_331 = arith.muli %arg1, %mul3A_330 : i32
    %add3A_332 = arith.constant 480 : i32
    %add3A_333 = arith.addi %mul3A_331, %add3A_332 : i32
    %mul3A_334 = arith.constant 640 : i32
    %mul3A_335 = arith.muli %arg1, %mul3A_334 : i32
    %add3A_336 = arith.constant 320 : i32
    %add3A_337 = arith.addi %mul3A_335, %add3A_336 : i32
    %dma_wait3A_338 = arith.constant 0 : i32
    %dma_wait3A_339 = tpu.memref_slice %arg5[%arg0, %add3A_337, %dma_wait3A_338] : memref<2x10240x128xf32, #tpu.memory_space<hbm>> -> memref<1x80x128xf32, #tpu.memory_space<hbm>>
    %dma_wait3A_340 = tpu.memref_squeeze %dma_wait3A_339 : memref<1x80x128xf32, #tpu.memory_space<hbm>> -> memref<80x128xf32, #tpu.memory_space<hbm>>
    %dma_wait3A_341 = arith.constant 0 : i32
    %dma_wait3A_342 = tpu.memref_slice %arg5[%arg0, %add3A_337, %dma_wait3A_341] : memref<2x10240x128xf32, #tpu.memory_space<hbm>> -> memref<1x80x128xf32, #tpu.memory_space<hbm>>
    %dma_wait3A_343 = tpu.memref_squeeze %dma_wait3A_342 : memref<1x80x128xf32, #tpu.memory_space<hbm>> -> memref<80x128xf32, #tpu.memory_space<hbm>>
    tpu.wait_dma2 semaphore(%arg13 : memref<!tpu.dma_semaphore, #tpu.memory_space<semaphore_mem>>) src(%arg8 : memref<80x128xf32, #tpu.memory_space<vmem>>) dst(%dma_wait3A_343 : memref<80x128xf32, #tpu.memory_space<hbm>>)
    %dma_start3A_344 = arith.constant 0 : i32
    %dma_start3A_345 = tpu.memref_slice %arg10[%add3A_333, %dma_start3A_344] : memref<10240x128xf32, #tpu.memory_space<vmem_shared>> -> memref<80x128xf32, #tpu.memory_space<vmem_shared>>
    %dma_start3A_346 = arith.constant 0 : i32
    %dma_start3A_347 = tpu.memref_slice %arg10[%add3A_333, %dma_start3A_346] : memref<10240x128xf32, #tpu.memory_space<vmem_shared>> -> memref<80x128xf32, #tpu.memory_space<vmem_shared>>
    tpu.enqueue_dma source(%dma_start3A_347 : memref<80x128xf32, #tpu.memory_space<vmem_shared>>) target(%arg8 : memref<80x128xf32, #tpu.memory_space<vmem>>) target_semaphore(%arg11 : memref<!tpu.dma_semaphore, #tpu.memory_space<semaphore_mem>>)
    %dma_wait3A_348 = arith.constant 0 : i32
    %dma_wait3A_349 = tpu.memref_slice %arg10[%add3A_333, %dma_wait3A_348] : memref<10240x128xf32, #tpu.memory_space<vmem_shared>> -> memref<80x128xf32, #tpu.memory_space<vmem_shared>>
    %dma_wait3A_350 = arith.constant 0 : i32
    %dma_wait3A_351 = tpu.memref_slice %arg10[%add3A_333, %dma_wait3A_350] : memref<10240x128xf32, #tpu.memory_space<vmem_shared>> -> memref<80x128xf32, #tpu.memory_space<vmem_shared>>
    tpu.wait_dma2 semaphore(%arg11 : memref<!tpu.dma_semaphore, #tpu.memory_space<semaphore_mem>>) src(%dma_wait3A_351 : memref<80x128xf32, #tpu.memory_space<vmem_shared>>) dst(%arg8 : memref<80x128xf32, #tpu.memory_space<vmem>>)
    %dma_start3A_352 = arith.constant 0 : i32
    %dma_start3A_353 = tpu.memref_slice %arg5[%arg0, %add3A_333, %dma_start3A_352] : memref<2x10240x128xf32, #tpu.memory_space<hbm>> -> memref<1x80x128xf32, #tpu.memory_space<hbm>>
    %dma_start3A_354 = tpu.memref_squeeze %dma_start3A_353 : memref<1x80x128xf32, #tpu.memory_space<hbm>> -> memref<80x128xf32, #tpu.memory_space<hbm>>
    %dma_start3A_355 = arith.constant 0 : i32
    %dma_start3A_356 = tpu.memref_slice %arg5[%arg0, %add3A_333, %dma_start3A_355] : memref<2x10240x128xf32, #tpu.memory_space<hbm>> -> memref<1x80x128xf32, #tpu.memory_space<hbm>>
    %dma_start3A_357 = tpu.memref_squeeze %dma_start3A_356 : memref<1x80x128xf32, #tpu.memory_space<hbm>> -> memref<80x128xf32, #tpu.memory_space<hbm>>
    tpu.enqueue_dma source(%arg8 : memref<80x128xf32, #tpu.memory_space<vmem>>) target(%dma_start3A_357 : memref<80x128xf32, #tpu.memory_space<hbm>>) target_semaphore(%arg13 : memref<!tpu.dma_semaphore, #tpu.memory_space<semaphore_mem>>)
    %mul3A_358 = arith.constant 640 : i32
    %mul3A_359 = arith.muli %arg1, %mul3A_358 : i32
    %add3A_360 = arith.constant 560 : i32
    %add3A_361 = arith.addi %mul3A_359, %add3A_360 : i32
    %mul3A_362 = arith.constant 640 : i32
    %mul3A_363 = arith.muli %arg1, %mul3A_362 : i32
    %add3A_364 = arith.constant 400 : i32
    %add3A_365 = arith.addi %mul3A_363, %add3A_364 : i32
    %dma_wait3A_366 = arith.constant 0 : i32
    %dma_wait3A_367 = tpu.memref_slice %arg5[%arg0, %add3A_365, %dma_wait3A_366] : memref<2x10240x128xf32, #tpu.memory_space<hbm>> -> memref<1x80x128xf32, #tpu.memory_space<hbm>>
    %dma_wait3A_368 = tpu.memref_squeeze %dma_wait3A_367 : memref<1x80x128xf32, #tpu.memory_space<hbm>> -> memref<80x128xf32, #tpu.memory_space<hbm>>
    %dma_wait3A_369 = arith.constant 0 : i32
    %dma_wait3A_370 = tpu.memref_slice %arg5[%arg0, %add3A_365, %dma_wait3A_369] : memref<2x10240x128xf32, #tpu.memory_space<hbm>> -> memref<1x80x128xf32, #tpu.memory_space<hbm>>
    %dma_wait3A_371 = tpu.memref_squeeze %dma_wait3A_370 : memref<1x80x128xf32, #tpu.memory_space<hbm>> -> memref<80x128xf32, #tpu.memory_space<hbm>>
    tpu.wait_dma2 semaphore(%arg14 : memref<!tpu.dma_semaphore, #tpu.memory_space<semaphore_mem>>) src(%arg9 : memref<80x128xf32, #tpu.memory_space<vmem>>) dst(%dma_wait3A_371 : memref<80x128xf32, #tpu.memory_space<hbm>>)
    %dma_start3A_372 = arith.constant 0 : i32
    %dma_start3A_373 = tpu.memref_slice %arg10[%add3A_361, %dma_start3A_372] : memref<10240x128xf32, #tpu.memory_space<vmem_shared>> -> memref<80x128xf32, #tpu.memory_space<vmem_shared>>
    %dma_start3A_374 = arith.constant 0 : i32
    %dma_start3A_375 = tpu.memref_slice %arg10[%add3A_361, %dma_start3A_374] : memref<10240x128xf32, #tpu.memory_space<vmem_shared>> -> memref<80x128xf32, #tpu.memory_space<vmem_shared>>
    tpu.enqueue_dma source(%dma_start3A_375 : memref<80x128xf32, #tpu.memory_space<vmem_shared>>) target(%arg9 : memref<80x128xf32, #tpu.memory_space<vmem>>) target_semaphore(%arg12 : memref<!tpu.dma_semaphore, #tpu.memory_space<semaphore_mem>>)
    %dma_wait3A_376 = arith.constant 0 : i32
    %dma_wait3A_377 = tpu.memref_slice %arg10[%add3A_361, %dma_wait3A_376] : memref<10240x128xf32, #tpu.memory_space<vmem_shared>> -> memref<80x128xf32, #tpu.memory_space<vmem_shared>>
    %dma_wait3A_378 = arith.constant 0 : i32
    %dma_wait3A_379 = tpu.memref_slice %arg10[%add3A_361, %dma_wait3A_378] : memref<10240x128xf32, #tpu.memory_space<vmem_shared>> -> memref<80x128xf32, #tpu.memory_space<vmem_shared>>
    tpu.wait_dma2 semaphore(%arg12 : memref<!tpu.dma_semaphore, #tpu.memory_space<semaphore_mem>>) src(%dma_wait3A_379 : memref<80x128xf32, #tpu.memory_space<vmem_shared>>) dst(%arg9 : memref<80x128xf32, #tpu.memory_space<vmem>>)
    %dma_start3A_380 = arith.constant 0 : i32
    %dma_start3A_381 = tpu.memref_slice %arg5[%arg0, %add3A_361, %dma_start3A_380] : memref<2x10240x128xf32, #tpu.memory_space<hbm>> -> memref<1x80x128xf32, #tpu.memory_space<hbm>>
    %dma_start3A_382 = tpu.memref_squeeze %dma_start3A_381 : memref<1x80x128xf32, #tpu.memory_space<hbm>> -> memref<80x128xf32, #tpu.memory_space<hbm>>
    %dma_start3A_383 = arith.constant 0 : i32
    %dma_start3A_384 = tpu.memref_slice %arg5[%arg0, %add3A_361, %dma_start3A_383] : memref<2x10240x128xf32, #tpu.memory_space<hbm>> -> memref<1x80x128xf32, #tpu.memory_space<hbm>>
    %dma_start3A_385 = tpu.memref_squeeze %dma_start3A_384 : memref<1x80x128xf32, #tpu.memory_space<hbm>> -> memref<80x128xf32, #tpu.memory_space<hbm>>
    tpu.enqueue_dma source(%arg9 : memref<80x128xf32, #tpu.memory_space<vmem>>) target(%dma_start3A_385 : memref<80x128xf32, #tpu.memory_space<hbm>>) target_semaphore(%arg14 : memref<!tpu.dma_semaphore, #tpu.memory_space<semaphore_mem>>)
    %mul3A_386 = arith.constant 640 : i32
    %mul3A_387 = arith.muli %arg1, %mul3A_386 : i32
    %add3A_388 = arith.constant 480 : i32
    %add3A_389 = arith.addi %mul3A_387, %add3A_388 : i32
    %dma_wait3A_390 = arith.constant 0 : i32
    %dma_wait3A_391 = tpu.memref_slice %arg5[%arg0, %add3A_389, %dma_wait3A_390] : memref<2x10240x128xf32, #tpu.memory_space<hbm>> -> memref<1x80x128xf32, #tpu.memory_space<hbm>>
    %dma_wait3A_392 = tpu.memref_squeeze %dma_wait3A_391 : memref<1x80x128xf32, #tpu.memory_space<hbm>> -> memref<80x128xf32, #tpu.memory_space<hbm>>
    %dma_wait3A_393 = arith.constant 0 : i32
    %dma_wait3A_394 = tpu.memref_slice %arg5[%arg0, %add3A_389, %dma_wait3A_393] : memref<2x10240x128xf32, #tpu.memory_space<hbm>> -> memref<1x80x128xf32, #tpu.memory_space<hbm>>
    %dma_wait3A_395 = tpu.memref_squeeze %dma_wait3A_394 : memref<1x80x128xf32, #tpu.memory_space<hbm>> -> memref<80x128xf32, #tpu.memory_space<hbm>>
    tpu.wait_dma2 semaphore(%arg13 : memref<!tpu.dma_semaphore, #tpu.memory_space<semaphore_mem>>) src(%arg8 : memref<80x128xf32, #tpu.memory_space<vmem>>) dst(%dma_wait3A_395 : memref<80x128xf32, #tpu.memory_space<hbm>>)
    %mul3A_396 = arith.constant 640 : i32
    %mul3A_397 = arith.muli %arg1, %mul3A_396 : i32
    %add3A_398 = arith.constant 560 : i32
    %add3A_399 = arith.addi %mul3A_397, %add3A_398 : i32
    %dma_wait3A_400 = arith.constant 0 : i32
    %dma_wait3A_401 = tpu.memref_slice %arg5[%arg0, %add3A_399, %dma_wait3A_400] : memref<2x10240x128xf32, #tpu.memory_space<hbm>> -> memref<1x80x128xf32, #tpu.memory_space<hbm>>
    %dma_wait3A_402 = tpu.memref_squeeze %dma_wait3A_401 : memref<1x80x128xf32, #tpu.memory_space<hbm>> -> memref<80x128xf32, #tpu.memory_space<hbm>>
    %dma_wait3A_403 = arith.constant 0 : i32
    %dma_wait3A_404 = tpu.memref_slice %arg5[%arg0, %add3A_399, %dma_wait3A_403] : memref<2x10240x128xf32, #tpu.memory_space<hbm>> -> memref<1x80x128xf32, #tpu.memory_space<hbm>>
    %dma_wait3A_405 = tpu.memref_squeeze %dma_wait3A_404 : memref<1x80x128xf32, #tpu.memory_space<hbm>> -> memref<80x128xf32, #tpu.memory_space<hbm>>
    tpu.wait_dma2 semaphore(%arg14 : memref<!tpu.dma_semaphore, #tpu.memory_space<semaphore_mem>>) src(%arg9 : memref<80x128xf32, #tpu.memory_space<vmem>>) dst(%dma_wait3A_405 : memref<80x128xf32, #tpu.memory_space<hbm>>)
    return
  }
}

#map = affine_map<(d0, d1) -> (0, 0)>
#map1 = affine_map<(d0, d1) -> (0, 0, 0)>
#map2 = affine_map<(d0, d1) -> (0, 0, 0, 0)>
module attributes {stable_mosaic.version = 14 : i64} {
  func.func @agg(%arg0: i32, %arg1: i32, %arg2: memref<10240x128xf32, #tpu.memory_space<hbm>>, %arg3: memref<2x16x10000xi32, #tpu.memory_space<hbm>>, %arg4: memref<2x16x125x80xi32, #tpu.memory_space<hbm>>, %arg5: memref<2x10240x128xf32, #tpu.memory_space<hbm>>, %arg6: memref<10000xi32, #tpu.memory_space<vmem>>, %arg7: memref<125x80xi32, #tpu.memory_space<vmem>>, %arg8: memref<80x128xf32, #tpu.memory_space<vmem>>, %arg9: memref<80x128xf32, #tpu.memory_space<vmem>>, %arg10: memref<10240x128xf32, #tpu.memory_space<vmem_shared>>, %arg11: memref<!tpu.dma_semaphore, #tpu.memory_space<semaphore_mem>>, %arg12: memref<!tpu.dma_semaphore, #tpu.memory_space<semaphore_mem>>, %arg13: memref<!tpu.dma_semaphore, #tpu.memory_space<semaphore_mem>>, %arg14: memref<!tpu.dma_semaphore, #tpu.memory_space<semaphore_mem>>) attributes {dimension_semantics = [#tpu.dimension_semantics<core_parallel>, #tpu.dimension_semantics<subcore_parallel>], iteration_bounds = array<i64: 2, 16>, scalar_prefetch = 0 : i64, scratch_operands = 9 : i64, tpu.core_type = #tpu.core_type<sc_vector_subcore>, window_params = [{transform_indices = #map}, {transform_indices = #map1}, {transform_indices = #map2}, {transform_indices = #map1}]} {
    %dma_start3A = arith.constant 0 : i32
    %dma_start3A_0 = tpu.memref_slice %arg3[%arg0, %arg1, %dma_start3A] : memref<2x16x10000xi32, #tpu.memory_space<hbm>> -> memref<1x1x10000xi32, #tpu.memory_space<hbm>>
    %dma_start3A_1 = tpu.memref_squeeze %dma_start3A_0 : memref<1x1x10000xi32, #tpu.memory_space<hbm>> -> memref<10000xi32, #tpu.memory_space<hbm>>
    %dma_start3A_2 = arith.constant 0 : i32
    %dma_start3A_3 = tpu.memref_slice %arg3[%arg0, %arg1, %dma_start3A_2] : memref<2x16x10000xi32, #tpu.memory_space<hbm>> -> memref<1x1x10000xi32, #tpu.memory_space<hbm>>
    %dma_start3A_4 = tpu.memref_squeeze %dma_start3A_3 : memref<1x1x10000xi32, #tpu.memory_space<hbm>> -> memref<10000xi32, #tpu.memory_space<hbm>>
    tpu.enqueue_dma source(%dma_start3A_4 : memref<10000xi32, #tpu.memory_space<hbm>>) target(%arg6 : memref<10000xi32, #tpu.memory_space<vmem>>) target_semaphore(%arg11 : memref<!tpu.dma_semaphore, #tpu.memory_space<semaphore_mem>>)
    %dma_start3A_5 = arith.constant 0 : i32
    %dma_start3A_6 = arith.constant 0 : i32
    %dma_start3A_7 = tpu.memref_slice %arg4[%arg0, %arg1, %dma_start3A_5, %dma_start3A_6] : memref<2x16x125x80xi32, #tpu.memory_space<hbm>> -> memref<1x1x125x80xi32, #tpu.memory_space<hbm>>
    %dma_start3A_8 = tpu.memref_squeeze %dma_start3A_7 : memref<1x1x125x80xi32, #tpu.memory_space<hbm>> -> memref<125x80xi32, #tpu.memory_space<hbm>>
    %dma_start3A_9 = arith.constant 0 : i32
    %dma_start3A_10 = arith.constant 0 : i32
    %dma_start3A_11 = tpu.memref_slice %arg4[%arg0, %arg1, %dma_start3A_9, %dma_start3A_10] : memref<2x16x125x80xi32, #tpu.memory_space<hbm>> -> memref<1x1x125x80xi32, #tpu.memory_space<hbm>>
    %dma_start3A_12 = tpu.memref_squeeze %dma_start3A_11 : memref<1x1x125x80xi32, #tpu.memory_space<hbm>> -> memref<125x80xi32, #tpu.memory_space<hbm>>
    tpu.enqueue_dma source(%dma_start3A_12 : memref<125x80xi32, #tpu.memory_space<hbm>>) target(%arg7 : memref<125x80xi32, #tpu.memory_space<vmem>>) target_semaphore(%arg12 : memref<!tpu.dma_semaphore, #tpu.memory_space<semaphore_mem>>)
    %broadcast_in_dim3A = arith.constant 0.000000e+00 : f32
    %broadcast_in_dim3A_13 = vector.broadcast %broadcast_in_dim3A : f32 to vector<16xf32>
    %scan3A = arith.constant 0 : i32
    %scan3A_14 = arith.constant 0 : i32
    %scan3A_15 = arith.constant 640 : i32
    %scan3A_16 = arith.addi %scan3A_14, %scan3A_15 : i32
    %scan3A_17 = arith.constant 1 : i32
    scf.for %scan3A_406 = %scan3A_14 to %scan3A_16 step %scan3A_17  : i32 {
      %jit3A = arith.constant 8 : i32
      %div3A = arith.divsi %scan3A_406, %jit3A : i32
      %sign3A = arith.constant 0 : i32
      %sign3A_407 = arith.cmpi sgt, %scan3A_406, %sign3A : i32
      %sign3A_408 = arith.extui %sign3A_407 : i1 to i32
      %sign3A_409 = arith.constant 0 : i32
      %sign3A_410 = arith.cmpi slt, %scan3A_406, %sign3A_409 : i32
      %sign3A_411 = arith.extui %sign3A_410 : i1 to i32
      %sign3A_412 = arith.subi %sign3A_408, %sign3A_411 : i32
      %sign3A_413 = arith.constant 0 : i32
      %sign3A_414 = arith.cmpi sgt, %jit3A, %sign3A_413 : i32
      %sign3A_415 = arith.extui %sign3A_414 : i1 to i32
      %sign3A_416 = arith.constant 0 : i32
      %sign3A_417 = arith.cmpi slt, %jit3A, %sign3A_416 : i32
      %sign3A_418 = arith.extui %sign3A_417 : i1 to i32
      %sign3A_419 = arith.subi %sign3A_415, %sign3A_418 : i32
      %ne3A = arith.cmpi ne, %sign3A_412, %sign3A_419 : i32
      %rem3A = arith.remsi %scan3A_406, %jit3A : i32
      %ne3A_420 = arith.constant 0 : i32
      %ne3A_421 = arith.cmpi ne, %rem3A, %ne3A_420 : i32
      %and3A = arith.andi %ne3A, %ne3A_421 : i1
      %sub3A = arith.constant 1 : i32
      %sub3A_422 = arith.subi %div3A, %sub3A : i32
      %select_n3A = arith.select %and3A, %sub3A_422, %div3A : i32
      %jit3A_423 = arith.constant 8 : i32
      %eq3A = arith.constant 0 : i32
      %eq3A_424 = arith.cmpi eq, %jit3A_423, %eq3A : i32
      %jit3A_425 = arith.constant 1 : i32
      %select_n3A_426 = arith.select %eq3A_424, %jit3A_425, %jit3A_423 : i32
      %rem3A_427 = arith.remsi %scan3A_406, %select_n3A_426 : i32
      %ne3A_428 = arith.constant 0 : i32
      %ne3A_429 = arith.cmpi ne, %rem3A_427, %ne3A_428 : i32
      %lt3A = arith.constant 0 : i32
      %lt3A_430 = arith.cmpi slt, %rem3A_427, %lt3A : i32
      %lt3A_431 = arith.constant 0 : i32
      %lt3A_432 = arith.cmpi slt, %select_n3A_426, %lt3A_431 : i32
      %ne3A_433 = arith.xori %lt3A_430, %lt3A_432 : i1
      %and3A_434 = arith.andi %ne3A_433, %ne3A_429 : i1
      %add3A_435 = arith.addi %rem3A_427, %select_n3A_426 : i32
      %select_n3A_436 = arith.select %and3A_434, %add3A_435, %rem3A_427 : i32
      %mul3A_437 = arith.constant 16 : i32
      %mul3A_438 = arith.muli %select_n3A_436, %mul3A_437 : i32
      %swap3A = arith.index_cast %select_n3A : i32 to index
      %swap3A_439 = arith.index_cast %mul3A_438 : i32 to index
      %swap3A_440 = tpu.vector_load %arg8[%swap3A, %swap3A_439] {strides = array<i32>} : memref<80x128xf32, #tpu.memory_space<vmem>>, vector<1x16xf32>,
      %swap3A_441 = vector.shape_cast %swap3A_440 : vector<1x16xf32> to vector<16xf32>
      %swap3A_442 = vector.shape_cast %broadcast_in_dim3A_13 : vector<16xf32> to vector<1x16xf32>
      tpu.vector_store %arg8[%swap3A, %swap3A_439], %swap3A_442 {strides = array<i32>} : memref<80x128xf32, #tpu.memory_space<vmem>>, vector<1x16xf32>,
    }
    %scan3A_18 = arith.constant 640 : i32
    %mul3A = arith.constant 640 : i32
    %mul3A_19 = arith.muli %arg1, %mul3A : i32
    %add3A = arith.constant 0 : i32
    %add3A_20 = arith.addi %mul3A_19, %add3A : i32
    %dma_start3A_21 = arith.constant 0 : i32
    %dma_start3A_22 = tpu.memref_slice %arg10[%add3A_20, %dma_start3A_21] : memref<10240x128xf32, #tpu.memory_space<vmem_shared>> -> memref<80x128xf32, #tpu.memory_space<vmem_shared>>
    %dma_start3A_23 = arith.constant 0 : i32
    %dma_start3A_24 = tpu.memref_slice %arg10[%add3A_20, %dma_start3A_23] : memref<10240x128xf32, #tpu.memory_space<vmem_shared>> -> memref<80x128xf32, #tpu.memory_space<vmem_shared>>
    tpu.enqueue_dma source(%arg8 : memref<80x128xf32, #tpu.memory_space<vmem>>) target(%dma_start3A_24 : memref<80x128xf32, #tpu.memory_space<vmem_shared>>) target_semaphore(%arg13 : memref<!tpu.dma_semaphore, #tpu.memory_space<semaphore_mem>>)
    %mul3A_25 = arith.constant 640 : i32
    %mul3A_26 = arith.muli %arg1, %mul3A_25 : i32
    %add3A_27 = arith.constant 80 : i32
    %add3A_28 = arith.addi %mul3A_26, %add3A_27 : i32
    %dma_start3A_29 = arith.constant 0 : i32
    %dma_start3A_30 = tpu.memref_slice %arg10[%add3A_28, %dma_start3A_29] : memref<10240x128xf32, #tpu.memory_space<vmem_shared>> -> memref<80x128xf32, #tpu.memory_space<vmem_shared>>
    %dma_start3A_31 = arith.constant 0 : i32
    %dma_start3A_32 = tpu.memref_slice %arg10[%add3A_28, %dma_start3A_31] : memref<10240x128xf32, #tpu.memory_space<vmem_shared>> -> memref<80x128xf32, #tpu.memory_space<vmem_shared>>
    tpu.enqueue_dma source(%arg8 : memref<80x128xf32, #tpu.memory_space<vmem>>) target(%dma_start3A_32 : memref<80x128xf32, #tpu.memory_space<vmem_shared>>) target_semaphore(%arg13 : memref<!tpu.dma_semaphore, #tpu.memory_space<semaphore_mem>>)
    %mul3A_33 = arith.constant 640 : i32
    %mul3A_34 = arith.muli %arg1, %mul3A_33 : i32
    %add3A_35 = arith.constant 160 : i32
    %add3A_36 = arith.addi %mul3A_34, %add3A_35 : i32
    %dma_start3A_37 = arith.constant 0 : i32
    %dma_start3A_38 = tpu.memref_slice %arg10[%add3A_36, %dma_start3A_37] : memref<10240x128xf32, #tpu.memory_space<vmem_shared>> -> memref<80x128xf32, #tpu.memory_space<vmem_shared>>
    %dma_start3A_39 = arith.constant 0 : i32
    %dma_start3A_40 = tpu.memref_slice %arg10[%add3A_36, %dma_start3A_39] : memref<10240x128xf32, #tpu.memory_space<vmem_shared>> -> memref<80x128xf32, #tpu.memory_space<vmem_shared>>
    tpu.enqueue_dma source(%arg8 : memref<80x128xf32, #tpu.memory_space<vmem>>) target(%dma_start3A_40 : memref<80x128xf32, #tpu.memory_space<vmem_shared>>) target_semaphore(%arg13 : memref<!tpu.dma_semaphore, #tpu.memory_space<semaphore_mem>>)
    %mul3A_41 = arith.constant 640 : i32
    %mul3A_42 = arith.muli %arg1, %mul3A_41 : i32
    %add3A_43 = arith.constant 240 : i32
    %add3A_44 = arith.addi %mul3A_42, %add3A_43 : i32
    %dma_start3A_45 = arith.constant 0 : i32
    %dma_start3A_46 = tpu.memref_slice %arg10[%add3A_44, %dma_start3A_45] : memref<10240x128xf32, #tpu.memory_space<vmem_shared>> -> memref<80x128xf32, #tpu.memory_space<vmem_shared>>
    %dma_start3A_47 = arith.constant 0 : i32
    %dma_start3A_48 = tpu.memref_slice %arg10[%add3A_44, %dma_start3A_47] : memref<10240x128xf32, #tpu.memory_space<vmem_shared>> -> memref<80x128xf32, #tpu.memory_space<vmem_shared>>
    tpu.enqueue_dma source(%arg8 : memref<80x128xf32, #tpu.memory_space<vmem>>) target(%dma_start3A_48 : memref<80x128xf32, #tpu.memory_space<vmem_shared>>) target_semaphore(%arg13 : memref<!tpu.dma_semaphore, #tpu.memory_space<semaphore_mem>>)
    %mul3A_49 = arith.constant 640 : i32
    %mul3A_50 = arith.muli %arg1, %mul3A_49 : i32
    %add3A_51 = arith.constant 320 : i32
    %add3A_52 = arith.addi %mul3A_50, %add3A_51 : i32
    %dma_start3A_53 = arith.constant 0 : i32
    %dma_start3A_54 = tpu.memref_slice %arg10[%add3A_52, %dma_start3A_53] : memref<10240x128xf32, #tpu.memory_space<vmem_shared>> -> memref<80x128xf32, #tpu.memory_space<vmem_shared>>
    %dma_start3A_55 = arith.constant 0 : i32
    %dma_start3A_56 = tpu.memref_slice %arg10[%add3A_52, %dma_start3A_55] : memref<10240x128xf32, #tpu.memory_space<vmem_shared>> -> memref<80x128xf32, #tpu.memory_space<vmem_shared>>
    tpu.enqueue_dma source(%arg8 : memref<80x128xf32, #tpu.memory_space<vmem>>) target(%dma_start3A_56 : memref<80x128xf32, #tpu.memory_space<vmem_shared>>) target_semaphore(%arg13 : memref<!tpu.dma_semaphore, #tpu.memory_space<semaphore_mem>>)
    %mul3A_57 = arith.constant 640 : i32
    %mul3A_58 = arith.muli %arg1, %mul3A_57 : i32
    %add3A_59 = arith.constant 400 : i32
    %add3A_60 = arith.addi %mul3A_58, %add3A_59 : i32
    %dma_start3A_61 = arith.constant 0 : i32
    %dma_start3A_62 = tpu.memref_slice %arg10[%add3A_60, %dma_start3A_61] : memref<10240x128xf32, #tpu.memory_space<vmem_shared>> -> memref<80x128xf32, #tpu.memory_space<vmem_shared>>
    %dma_start3A_63 = arith.constant 0 : i32
    %dma_start3A_64 = tpu.memref_slice %arg10[%add3A_60, %dma_start3A_63] : memref<10240x128xf32, #tpu.memory_space<vmem_shared>> -> memref<80x128xf32, #tpu.memory_space<vmem_shared>>
    tpu.enqueue_dma source(%arg8 : memref<80x128xf32, #tpu.memory_space<vmem>>) target(%dma_start3A_64 : memref<80x128xf32, #tpu.memory_space<vmem_shared>>) target_semaphore(%arg13 : memref<!tpu.dma_semaphore, #tpu.memory_space<semaphore_mem>>)
    %mul3A_65 = arith.constant 640 : i32
    %mul3A_66 = arith.muli %arg1, %mul3A_65 : i32
    %add3A_67 = arith.constant 480 : i32
    %add3A_68 = arith.addi %mul3A_66, %add3A_67 : i32
    %dma_start3A_69 = arith.constant 0 : i32
    %dma_start3A_70 = tpu.memref_slice %arg10[%add3A_68, %dma_start3A_69] : memref<10240x128xf32, #tpu.memory_space<vmem_shared>> -> memref<80x128xf32, #tpu.memory_space<vmem_shared>>
    %dma_start3A_71 = arith.constant 0 : i32
    %dma_start3A_72 = tpu.memref_slice %arg10[%add3A_68, %dma_start3A_71] : memref<10240x128xf32, #tpu.memory_space<vmem_shared>> -> memref<80x128xf32, #tpu.memory_space<vmem_shared>>
    tpu.enqueue_dma source(%arg8 : memref<80x128xf32, #tpu.memory_space<vmem>>) target(%dma_start3A_72 : memref<80x128xf32, #tpu.memory_space<vmem_shared>>) target_semaphore(%arg13 : memref<!tpu.dma_semaphore, #tpu.memory_space<semaphore_mem>>)
    %mul3A_73 = arith.constant 640 : i32
    %mul3A_74 = arith.muli %arg1, %mul3A_73 : i32
    %add3A_75 = arith.constant 560 : i32
    %add3A_76 = arith.addi %mul3A_74, %add3A_75 : i32
    %dma_start3A_77 = arith.constant 0 : i32
    %dma_start3A_78 = tpu.memref_slice %arg10[%add3A_76, %dma_start3A_77] : memref<10240x128xf32, #tpu.memory_space<vmem_shared>> -> memref<80x128xf32, #tpu.memory_space<vmem_shared>>
    %dma_start3A_79 = arith.constant 0 : i32
    %dma_start3A_80 = tpu.memref_slice %arg10[%add3A_76, %dma_start3A_79] : memref<10240x128xf32, #tpu.memory_space<vmem_shared>> -> memref<80x128xf32, #tpu.memory_space<vmem_shared>>
    tpu.enqueue_dma source(%arg8 : memref<80x128xf32, #tpu.memory_space<vmem>>) target(%dma_start3A_80 : memref<80x128xf32, #tpu.memory_space<vmem_shared>>) target_semaphore(%arg13 : memref<!tpu.dma_semaphore, #tpu.memory_space<semaphore_mem>>)
    %mul3A_81 = arith.constant 640 : i32
    %mul3A_82 = arith.muli %arg1, %mul3A_81 : i32
    %add3A_83 = arith.constant 0 : i32
    %add3A_84 = arith.addi %mul3A_82, %add3A_83 : i32
    %dma_wait3A = arith.constant 0 : i32
    %dma_wait3A_85 = tpu.memref_slice %arg10[%add3A_84, %dma_wait3A] : memref<10240x128xf32, #tpu.memory_space<vmem_shared>> -> memref<80x128xf32, #tpu.memory_space<vmem_shared>>
    %dma_wait3A_86 = arith.constant 0 : i32
    %dma_wait3A_87 = tpu.memref_slice %arg10[%add3A_84, %dma_wait3A_86] : memref<10240x128xf32, #tpu.memory_space<vmem_shared>> -> memref<80x128xf32, #tpu.memory_space<vmem_shared>>
    tpu.wait_dma2 semaphore(%arg13 : memref<!tpu.dma_semaphore, #tpu.memory_space<semaphore_mem>>) src(%arg8 : memref<80x128xf32, #tpu.memory_space<vmem>>) dst(%dma_wait3A_87 : memref<80x128xf32, #tpu.memory_space<vmem_shared>>)
    %mul3A_88 = arith.constant 640 : i32
    %mul3A_89 = arith.muli %arg1, %mul3A_88 : i32
    %add3A_90 = arith.constant 80 : i32
    %add3A_91 = arith.addi %mul3A_89, %add3A_90 : i32
    %dma_wait3A_92 = arith.constant 0 : i32
    %dma_wait3A_93 = tpu.memref_slice %arg10[%add3A_91, %dma_wait3A_92] : memref<10240x128xf32, #tpu.memory_space<vmem_shared>> -> memref<80x128xf32, #tpu.memory_space<vmem_shared>>
    %dma_wait3A_94 = arith.constant 0 : i32
    %dma_wait3A_95 = tpu.memref_slice %arg10[%add3A_91, %dma_wait3A_94] : memref<10240x128xf32, #tpu.memory_space<vmem_shared>> -> memref<80x128xf32, #tpu.memory_space<vmem_shared>>
    tpu.wait_dma2 semaphore(%arg13 : memref<!tpu.dma_semaphore, #tpu.memory_space<semaphore_mem>>) src(%arg8 : memref<80x128xf32, #tpu.memory_space<vmem>>) dst(%dma_wait3A_95 : memref<80x128xf32, #tpu.memory_space<vmem_shared>>)
    %mul3A_96 = arith.constant 640 : i32
    %mul3A_97 = arith.muli %arg1, %mul3A_96 : i32
    %add3A_98 = arith.constant 160 : i32
    %add3A_99 = arith.addi %mul3A_97, %add3A_98 : i32
    %dma_wait3A_100 = arith.constant 0 : i32
    %dma_wait3A_101 = tpu.memref_slice %arg10[%add3A_99, %dma_wait3A_100] : memref<10240x128xf32, #tpu.memory_space<vmem_shared>> -> memref<80x128xf32, #tpu.memory_space<vmem_shared>>
    %dma_wait3A_102 = arith.constant 0 : i32
    %dma_wait3A_103 = tpu.memref_slice %arg10[%add3A_99, %dma_wait3A_102] : memref<10240x128xf32, #tpu.memory_space<vmem_shared>> -> memref<80x128xf32, #tpu.memory_space<vmem_shared>>
    tpu.wait_dma2 semaphore(%arg13 : memref<!tpu.dma_semaphore, #tpu.memory_space<semaphore_mem>>) src(%arg8 : memref<80x128xf32, #tpu.memory_space<vmem>>) dst(%dma_wait3A_103 : memref<80x128xf32, #tpu.memory_space<vmem_shared>>)
    %mul3A_104 = arith.constant 640 : i32
    %mul3A_105 = arith.muli %arg1, %mul3A_104 : i32
    %add3A_106 = arith.constant 240 : i32
    %add3A_107 = arith.addi %mul3A_105, %add3A_106 : i32
    %dma_wait3A_108 = arith.constant 0 : i32
    %dma_wait3A_109 = tpu.memref_slice %arg10[%add3A_107, %dma_wait3A_108] : memref<10240x128xf32, #tpu.memory_space<vmem_shared>> -> memref<80x128xf32, #tpu.memory_space<vmem_shared>>
    %dma_wait3A_110 = arith.constant 0 : i32
    %dma_wait3A_111 = tpu.memref_slice %arg10[%add3A_107, %dma_wait3A_110] : memref<10240x128xf32, #tpu.memory_space<vmem_shared>> -> memref<80x128xf32, #tpu.memory_space<vmem_shared>>
    tpu.wait_dma2 semaphore(%arg13 : memref<!tpu.dma_semaphore, #tpu.memory_space<semaphore_mem>>) src(%arg8 : memref<80x128xf32, #tpu.memory_space<vmem>>) dst(%dma_wait3A_111 : memref<80x128xf32, #tpu.memory_space<vmem_shared>>)
    %mul3A_112 = arith.constant 640 : i32
    %mul3A_113 = arith.muli %arg1, %mul3A_112 : i32
    %add3A_114 = arith.constant 320 : i32
    %add3A_115 = arith.addi %mul3A_113, %add3A_114 : i32
    %dma_wait3A_116 = arith.constant 0 : i32
    %dma_wait3A_117 = tpu.memref_slice %arg10[%add3A_115, %dma_wait3A_116] : memref<10240x128xf32, #tpu.memory_space<vmem_shared>> -> memref<80x128xf32, #tpu.memory_space<vmem_shared>>
    %dma_wait3A_118 = arith.constant 0 : i32
    %dma_wait3A_119 = tpu.memref_slice %arg10[%add3A_115, %dma_wait3A_118] : memref<10240x128xf32, #tpu.memory_space<vmem_shared>> -> memref<80x128xf32, #tpu.memory_space<vmem_shared>>
    tpu.wait_dma2 semaphore(%arg13 : memref<!tpu.dma_semaphore, #tpu.memory_space<semaphore_mem>>) src(%arg8 : memref<80x128xf32, #tpu.memory_space<vmem>>) dst(%dma_wait3A_119 : memref<80x128xf32, #tpu.memory_space<vmem_shared>>)
    %mul3A_120 = arith.constant 640 : i32
    %mul3A_121 = arith.muli %arg1, %mul3A_120 : i32
    %add3A_122 = arith.constant 400 : i32
    %add3A_123 = arith.addi %mul3A_121, %add3A_122 : i32
    %dma_wait3A_124 = arith.constant 0 : i32
    %dma_wait3A_125 = tpu.memref_slice %arg10[%add3A_123, %dma_wait3A_124] : memref<10240x128xf32, #tpu.memory_space<vmem_shared>> -> memref<80x128xf32, #tpu.memory_space<vmem_shared>>
    %dma_wait3A_126 = arith.constant 0 : i32
    %dma_wait3A_127 = tpu.memref_slice %arg10[%add3A_123, %dma_wait3A_126] : memref<10240x128xf32, #tpu.memory_space<vmem_shared>> -> memref<80x128xf32, #tpu.memory_space<vmem_shared>>
    tpu.wait_dma2 semaphore(%arg13 : memref<!tpu.dma_semaphore, #tpu.memory_space<semaphore_mem>>) src(%arg8 : memref<80x128xf32, #tpu.memory_space<vmem>>) dst(%dma_wait3A_127 : memref<80x128xf32, #tpu.memory_space<vmem_shared>>)
    %mul3A_128 = arith.constant 640 : i32
    %mul3A_129 = arith.muli %arg1, %mul3A_128 : i32
    %add3A_130 = arith.constant 480 : i32
    %add3A_131 = arith.addi %mul3A_129, %add3A_130 : i32
    %dma_wait3A_132 = arith.constant 0 : i32
    %dma_wait3A_133 = tpu.memref_slice %arg10[%add3A_131, %dma_wait3A_132] : memref<10240x128xf32, #tpu.memory_space<vmem_shared>> -> memref<80x128xf32, #tpu.memory_space<vmem_shared>>
    %dma_wait3A_134 = arith.constant 0 : i32
    %dma_wait3A_135 = tpu.memref_slice %arg10[%add3A_131, %dma_wait3A_134] : memref<10240x128xf32, #tpu.memory_space<vmem_shared>> -> memref<80x128xf32, #tpu.memory_space<vmem_shared>>
    tpu.wait_dma2 semaphore(%arg13 : memref<!tpu.dma_semaphore, #tpu.memory_space<semaphore_mem>>) src(%arg8 : memref<80x128xf32, #tpu.memory_space<vmem>>) dst(%dma_wait3A_135 : memref<80x128xf32, #tpu.memory_space<vmem_shared>>)
    %mul3A_136 = arith.constant 640 : i32
    %mul3A_137 = arith.muli %arg1, %mul3A_136 : i32
    %add3A_138 = arith.constant 560 : i32
    %add3A_139 = arith.addi %mul3A_137, %add3A_138 : i32
    %dma_wait3A_140 = arith.constant 0 : i32
    %dma_wait3A_141 = tpu.memref_slice %arg10[%add3A_139, %dma_wait3A_140] : memref<10240x128xf32, #tpu.memory_space<vmem_shared>> -> memref<80x128xf32, #tpu.memory_space<vmem_shared>>
    %dma_wait3A_142 = arith.constant 0 : i32
    %dma_wait3A_143 = tpu.memref_slice %arg10[%add3A_139, %dma_wait3A_142] : memref<10240x128xf32, #tpu.memory_space<vmem_shared>> -> memref<80x128xf32, #tpu.memory_space<vmem_shared>>
    tpu.wait_dma2 semaphore(%arg13 : memref<!tpu.dma_semaphore, #tpu.memory_space<semaphore_mem>>) src(%arg8 : memref<80x128xf32, #tpu.memory_space<vmem>>) dst(%dma_wait3A_143 : memref<80x128xf32, #tpu.memory_space<vmem_shared>>)
    %dma_wait3A_144 = arith.constant 0 : i32
    %dma_wait3A_145 = tpu.memref_slice %arg3[%arg0, %arg1, %dma_wait3A_144] : memref<2x16x10000xi32, #tpu.memory_space<hbm>> -> memref<1x1x10000xi32, #tpu.memory_space<hbm>>
    %dma_wait3A_146 = tpu.memref_squeeze %dma_wait3A_145 : memref<1x1x10000xi32, #tpu.memory_space<hbm>> -> memref<10000xi32, #tpu.memory_space<hbm>>
    %dma_wait3A_147 = arith.constant 0 : i32
    %dma_wait3A_148 = tpu.memref_slice %arg3[%arg0, %arg1, %dma_wait3A_147] : memref<2x16x10000xi32, #tpu.memory_space<hbm>> -> memref<1x1x10000xi32, #tpu.memory_space<hbm>>
    %dma_wait3A_149 = tpu.memref_squeeze %dma_wait3A_148 : memref<1x1x10000xi32, #tpu.memory_space<hbm>> -> memref<10000xi32, #tpu.memory_space<hbm>>
    tpu.wait_dma2 semaphore(%arg11 : memref<!tpu.dma_semaphore, #tpu.memory_space<semaphore_mem>>) src(%dma_wait3A_149 : memref<10000xi32, #tpu.memory_space<hbm>>) dst(%arg6 : memref<10000xi32, #tpu.memory_space<vmem>>)
    %dma_wait3A_150 = arith.constant 0 : i32
    %dma_wait3A_151 = arith.constant 0 : i32
    %dma_wait3A_152 = tpu.memref_slice %arg4[%arg0, %arg1, %dma_wait3A_150, %dma_wait3A_151] : memref<2x16x125x80xi32, #tpu.memory_space<hbm>> -> memref<1x1x125x80xi32, #tpu.memory_space<hbm>>
    %dma_wait3A_153 = tpu.memref_squeeze %dma_wait3A_152 : memref<1x1x125x80xi32, #tpu.memory_space<hbm>> -> memref<125x80xi32, #tpu.memory_space<hbm>>
    %dma_wait3A_154 = arith.constant 0 : i32
    %dma_wait3A_155 = arith.constant 0 : i32
    %dma_wait3A_156 = tpu.memref_slice %arg4[%arg0, %arg1, %dma_wait3A_154, %dma_wait3A_155] : memref<2x16x125x80xi32, #tpu.memory_space<hbm>> -> memref<1x1x125x80xi32, #tpu.memory_space<hbm>>
    %dma_wait3A_157 = tpu.memref_squeeze %dma_wait3A_156 : memref<1x1x125x80xi32, #tpu.memory_space<hbm>> -> memref<125x80xi32, #tpu.memory_space<hbm>>
    tpu.wait_dma2 semaphore(%arg12 : memref<!tpu.dma_semaphore, #tpu.memory_space<semaphore_mem>>) src(%dma_wait3A_157 : memref<125x80xi32, #tpu.memory_space<hbm>>) dst(%arg7 : memref<125x80xi32, #tpu.memory_space<vmem>>)
    %barrier3A = arith.constant 0 : index
    tpu.barrier barrier_id(%barrier3A)
    %dma_start3A_158 = arith.constant 0 : i32
    %dma_start3A_159 = tpu.memref_slice %arg6[%dma_start3A_158] : memref<10000xi32, #tpu.memory_space<vmem>> -> memref<80xi32, #tpu.memory_space<vmem>>
    %dma_start3A_160 = arith.constant 0 : i32
    %dma_start3A_161 = arith.constant 0 : i32
    %dma_start3A_162 = tpu.memref_slice %arg2[%dma_start3A_160, %dma_start3A_161] : memref<10240x128xf32, #tpu.memory_space<hbm>> -> memref<10240x128xf32, #tpu.memory_space<hbm>>
    tpu.enqueue_indirect_dma source(%dma_start3A_162 : memref<10240x128xf32, #tpu.memory_space<hbm>>) target(%arg8 : memref<80x128xf32, #tpu.memory_space<vmem>>) offsets(%dma_start3A_159 : memref<80xi32, #tpu.memory_space<vmem>>) semaphore(%arg11 : memref<!tpu.dma_semaphore, #tpu.memory_space<semaphore_mem>>)
    %scan3A_163 = arith.constant 0 : i32
    %scan3A_164 = arith.constant 0 : i32
    %scan3A_165 = arith.constant 62 : i32
    %scan3A_166 = arith.addi %scan3A_164, %scan3A_165 : i32
    %scan3A_167 = arith.constant 1 : i32
    scf.for %scan3A_406 = %scan3A_164 to %scan3A_166 step %scan3A_167  : i32 {
      %mul3A_407 = arith.constant 2 : i32
      %mul3A_408 = arith.muli %mul3A_407, %scan3A_406 : i32
      %mul3A_409 = arith.constant 80 : i32
      %mul3A_410 = arith.muli %mul3A_408, %mul3A_409 : i32
      %dma_wait3A_411 = tpu.memref_slice %arg6[%mul3A_410] : memref<10000xi32, #tpu.memory_space<vmem>> -> memref<80xi32, #tpu.memory_space<vmem>>
      %dma_wait3A_412 = arith.constant 0 : i32
      %dma_wait3A_413 = arith.constant 0 : i32
      %dma_wait3A_414 = tpu.memref_slice %arg2[%dma_wait3A_412, %dma_wait3A_413] : memref<10240x128xf32, #tpu.memory_space<hbm>> -> memref<10240x128xf32, #tpu.memory_space<hbm>>
      tpu.wait_indirect_dma semaphore(%arg11 : memref<!tpu.dma_semaphore, #tpu.memory_space<semaphore_mem>>) src(%dma_wait3A_414 : memref<10240x128xf32, #tpu.memory_space<hbm>>) dst(%arg8 : memref<80x128xf32, #tpu.memory_space<vmem>>)
      %mul3A_415 = arith.constant 2 : i32
      %mul3A_416 = arith.muli %mul3A_415, %scan3A_406 : i32
      %dma_start3A_417 = arith.constant 0 : i32
      %dma_start3A_418 = tpu.memref_slice %arg7[%mul3A_416, %dma_start3A_417] : memref<125x80xi32, #tpu.memory_space<vmem>> -> memref<1x80xi32, #tpu.memory_space<vmem>>
      %dma_start3A_419 = tpu.memref_squeeze %dma_start3A_418 : memref<1x80xi32, #tpu.memory_space<vmem>> -> memref<80xi32, #tpu.memory_space<vmem>>
      %dma_start3A_420 = arith.constant 0 : i32
      %dma_start3A_421 = arith.constant 0 : i32
      %dma_start3A_422 = tpu.memref_slice %arg10[%dma_start3A_420, %dma_start3A_421] : memref<10240x128xf32, #tpu.memory_space<vmem_shared>> -> memref<10240x128xf32, #tpu.memory_space<vmem_shared>>
      tpu.enqueue_indirect_dma source(%arg8 : memref<80x128xf32, #tpu.memory_space<vmem>>) target(%dma_start3A_422 : memref<10240x128xf32, #tpu.memory_space<vmem_shared>>) offsets(%dma_start3A_419 : memref<80xi32, #tpu.memory_space<vmem>>) semaphore(%arg13 : memref<!tpu.dma_semaphore, #tpu.memory_space<semaphore_mem>>) {add = true}
      %gt3A = arith.constant 0 : i32
      %gt3A_423 = arith.cmpi sgt, %scan3A_406, %gt3A : i32
      %convert_element_type3A = arith.extui %gt3A_423 : i1 to i32
      %cond3A = arith.constant 0 : i32
      %cond3A_424 = arith.cmpi ne, %convert_element_type3A, %cond3A : i32
      scf.if %cond3A_424 {
        %mul3A_473 = arith.constant 2 : i32
        %mul3A_474 = arith.muli %mul3A_473, %scan3A_406 : i32
        %sub3A = arith.constant 1 : i32
        %sub3A_475 = arith.subi %mul3A_474, %sub3A : i32
        %dma_wait3A_476 = arith.constant 0 : i32
        %dma_wait3A_477 = tpu.memref_slice %arg7[%sub3A_475, %dma_wait3A_476] : memref<125x80xi32, #tpu.memory_space<vmem>> -> memref<1x80xi32, #tpu.memory_space<vmem>>
        %dma_wait3A_478 = tpu.memref_squeeze %dma_wait3A_477 : memref<1x80xi32, #tpu.memory_space<vmem>> -> memref<80xi32, #tpu.memory_space<vmem>>
        %dma_wait3A_479 = arith.constant 0 : i32
        %dma_wait3A_480 = arith.constant 0 : i32
        %dma_wait3A_481 = tpu.memref_slice %arg10[%dma_wait3A_479, %dma_wait3A_480] : memref<10240x128xf32, #tpu.memory_space<vmem_shared>> -> memref<10240x128xf32, #tpu.memory_space<vmem_shared>>
        tpu.wait_indirect_dma semaphore(%arg14 : memref<!tpu.dma_semaphore, #tpu.memory_space<semaphore_mem>>) src(%arg9 : memref<80x128xf32, #tpu.memory_space<vmem>>) dst(%dma_wait3A_481 : memref<10240x128xf32, #tpu.memory_space<vmem_shared>>)
      } else {
      }
      %mul3A_425 = arith.constant 2 : i32
      %mul3A_426 = arith.muli %mul3A_425, %scan3A_406 : i32
      %add3A_427 = arith.constant 1 : i32
      %add3A_428 = arith.addi %mul3A_426, %add3A_427 : i32
      %mul3A_429 = arith.constant 80 : i32
      %mul3A_430 = arith.muli %add3A_428, %mul3A_429 : i32
      %dma_start3A_431 = tpu.memref_slice %arg6[%mul3A_430] : memref<10000xi32, #tpu.memory_space<vmem>> -> memref<80xi32, #tpu.memory_space<vmem>>
      %dma_start3A_432 = arith.constant 0 : i32
      %dma_start3A_433 = arith.constant 0 : i32
      %dma_start3A_434 = tpu.memref_slice %arg2[%dma_start3A_432, %dma_start3A_433] : memref<10240x128xf32, #tpu.memory_space<hbm>> -> memref<10240x128xf32, #tpu.memory_space<hbm>>
      tpu.enqueue_indirect_dma source(%dma_start3A_434 : memref<10240x128xf32, #tpu.memory_space<hbm>>) target(%arg9 : memref<80x128xf32, #tpu.memory_space<vmem>>) offsets(%dma_start3A_431 : memref<80xi32, #tpu.memory_space<vmem>>) semaphore(%arg12 : memref<!tpu.dma_semaphore, #tpu.memory_space<semaphore_mem>>)
      %mul3A_435 = arith.constant 2 : i32
      %mul3A_436 = arith.muli %mul3A_435, %scan3A_406 : i32
      %dma_wait3A_437 = arith.constant 0 : i32
      %dma_wait3A_438 = tpu.memref_slice %arg7[%mul3A_436, %dma_wait3A_437] : memref<125x80xi32, #tpu.memory_space<vmem>> -> memref<1x80xi32, #tpu.memory_space<vmem>>
      %dma_wait3A_439 = tpu.memref_squeeze %dma_wait3A_438 : memref<1x80xi32, #tpu.memory_space<vmem>> -> memref<80xi32, #tpu.memory_space<vmem>>
      %dma_wait3A_440 = arith.constant 0 : i32
      %dma_wait3A_441 = arith.constant 0 : i32
      %dma_wait3A_442 = tpu.memref_slice %arg10[%dma_wait3A_440, %dma_wait3A_441] : memref<10240x128xf32, #tpu.memory_space<vmem_shared>> -> memref<10240x128xf32, #tpu.memory_space<vmem_shared>>
      tpu.wait_indirect_dma semaphore(%arg13 : memref<!tpu.dma_semaphore, #tpu.memory_space<semaphore_mem>>) src(%arg8 : memref<80x128xf32, #tpu.memory_space<vmem>>) dst(%dma_wait3A_442 : memref<10240x128xf32, #tpu.memory_space<vmem_shared>>)
      %mul3A_443 = arith.constant 2 : i32
      %mul3A_444 = arith.muli %mul3A_443, %scan3A_406 : i32
      %add3A_445 = arith.constant 2 : i32
      %add3A_446 = arith.addi %mul3A_444, %add3A_445 : i32
      %mul3A_447 = arith.constant 80 : i32
      %mul3A_448 = arith.muli %add3A_446, %mul3A_447 : i32
      %dma_start3A_449 = tpu.memref_slice %arg6[%mul3A_448] : memref<10000xi32, #tpu.memory_space<vmem>> -> memref<80xi32, #tpu.memory_space<vmem>>
      %dma_start3A_450 = arith.constant 0 : i32
      %dma_start3A_451 = arith.constant 0 : i32
      %dma_start3A_452 = tpu.memref_slice %arg2[%dma_start3A_450, %dma_start3A_451] : memref<10240x128xf32, #tpu.memory_space<hbm>> -> memref<10240x128xf32, #tpu.memory_space<hbm>>
      tpu.enqueue_indirect_dma source(%dma_start3A_452 : memref<10240x128xf32, #tpu.memory_space<hbm>>) target(%arg8 : memref<80x128xf32, #tpu.memory_space<vmem>>) offsets(%dma_start3A_449 : memref<80xi32, #tpu.memory_space<vmem>>) semaphore(%arg11 : memref<!tpu.dma_semaphore, #tpu.memory_space<semaphore_mem>>)
      %mul3A_453 = arith.constant 2 : i32
      %mul3A_454 = arith.muli %mul3A_453, %scan3A_406 : i32
      %add3A_455 = arith.constant 1 : i32
      %add3A_456 = arith.addi %mul3A_454, %add3A_455 : i32
      %mul3A_457 = arith.constant 80 : i32
      %mul3A_458 = arith.muli %add3A_456, %mul3A_457 : i32
      %dma_wait3A_459 = tpu.memref_slice %arg6[%mul3A_458] : memref<10000xi32, #tpu.memory_space<vmem>> -> memref<80xi32, #tpu.memory_space<vmem>>
      %dma_wait3A_460 = arith.constant 0 : i32
      %dma_wait3A_461 = arith.constant 0 : i32
      %dma_wait3A_462 = tpu.memref_slice %arg2[%dma_wait3A_460, %dma_wait3A_461] : memref<10240x128xf32, #tpu.memory_space<hbm>> -> memref<10240x128xf32, #tpu.memory_space<hbm>>
      tpu.wait_indirect_dma semaphore(%arg12 : memref<!tpu.dma_semaphore, #tpu.memory_space<semaphore_mem>>) src(%dma_wait3A_462 : memref<10240x128xf32, #tpu.memory_space<hbm>>) dst(%arg9 : memref<80x128xf32, #tpu.memory_space<vmem>>)
      %mul3A_463 = arith.constant 2 : i32
      %mul3A_464 = arith.muli %mul3A_463, %scan3A_406 : i32
      %add3A_465 = arith.constant 1 : i32
      %add3A_466 = arith.addi %mul3A_464, %add3A_465 : i32
      %dma_start3A_467 = arith.constant 0 : i32
      %dma_start3A_468 = tpu.memref_slice %arg7[%add3A_466, %dma_start3A_467] : memref<125x80xi32, #tpu.memory_space<vmem>> -> memref<1x80xi32, #tpu.memory_space<vmem>>
      %dma_start3A_469 = tpu.memref_squeeze %dma_start3A_468 : memref<1x80xi32, #tpu.memory_space<vmem>> -> memref<80xi32, #tpu.memory_space<vmem>>
      %dma_start3A_470 = arith.constant 0 : i32
      %dma_start3A_471 = arith.constant 0 : i32
      %dma_start3A_472 = tpu.memref_slice %arg10[%dma_start3A_470, %dma_start3A_471] : memref<10240x128xf32, #tpu.memory_space<vmem_shared>> -> memref<10240x128xf32, #tpu.memory_space<vmem_shared>>
      tpu.enqueue_indirect_dma source(%arg9 : memref<80x128xf32, #tpu.memory_space<vmem>>) target(%dma_start3A_472 : memref<10240x128xf32, #tpu.memory_space<vmem_shared>>) offsets(%dma_start3A_469 : memref<80xi32, #tpu.memory_space<vmem>>) semaphore(%arg14 : memref<!tpu.dma_semaphore, #tpu.memory_space<semaphore_mem>>) {add = true}
    }
    %scan3A_168 = arith.constant 62 : i32
    %dma_wait3A_169 = arith.constant 9920 : i32
    %dma_wait3A_170 = tpu.memref_slice %arg6[%dma_wait3A_169] : memref<10000xi32, #tpu.memory_space<vmem>> -> memref<80xi32, #tpu.memory_space<vmem>>
    %dma_wait3A_171 = arith.constant 0 : i32
    %dma_wait3A_172 = arith.constant 0 : i32
    %dma_wait3A_173 = tpu.memref_slice %arg2[%dma_wait3A_171, %dma_wait3A_172] : memref<10240x128xf32, #tpu.memory_space<hbm>> -> memref<10240x128xf32, #tpu.memory_space<hbm>>
    tpu.wait_indirect_dma semaphore(%arg11 : memref<!tpu.dma_semaphore, #tpu.memory_space<semaphore_mem>>) src(%dma_wait3A_173 : memref<10240x128xf32, #tpu.memory_space<hbm>>) dst(%arg8 : memref<80x128xf32, #tpu.memory_space<vmem>>)
    %dma_wait3A_174 = arith.constant 123 : i32
    %dma_wait3A_175 = arith.constant 0 : i32
    %dma_wait3A_176 = tpu.memref_slice %arg7[%dma_wait3A_174, %dma_wait3A_175] : memref<125x80xi32, #tpu.memory_space<vmem>> -> memref<1x80xi32, #tpu.memory_space<vmem>>
    %dma_wait3A_177 = tpu.memref_squeeze %dma_wait3A_176 : memref<1x80xi32, #tpu.memory_space<vmem>> -> memref<80xi32, #tpu.memory_space<vmem>>
    %dma_wait3A_178 = arith.constant 0 : i32
    %dma_wait3A_179 = arith.constant 0 : i32
    %dma_wait3A_180 = tpu.memref_slice %arg10[%dma_wait3A_178, %dma_wait3A_179] : memref<10240x128xf32, #tpu.memory_space<vmem_shared>> -> memref<10240x128xf32, #tpu.memory_space<vmem_shared>>
    tpu.wait_indirect_dma semaphore(%arg14 : memref<!tpu.dma_semaphore, #tpu.memory_space<semaphore_mem>>) src(%arg9 : memref<80x128xf32, #tpu.memory_space<vmem>>) dst(%dma_wait3A_180 : memref<10240x128xf32, #tpu.memory_space<vmem_shared>>)
    %run_scoped3A = arith.constant 124 : i32
    "tpu.region"() ({
      %run_scoped3A_406 = tpu.sem_alloc : memref<!tpu.dma_semaphore, #tpu.memory_space<semaphore_mem>>
      %dma_start3A_407 = arith.constant 0 : i32
      %dma_start3A_408 = tpu.memref_slice %arg7[%run_scoped3A, %dma_start3A_407] : memref<125x80xi32, #tpu.memory_space<vmem>> -> memref<1x80xi32, #tpu.memory_space<vmem>>
      %dma_start3A_409 = tpu.memref_squeeze %dma_start3A_408 : memref<1x80xi32, #tpu.memory_space<vmem>> -> memref<80xi32, #tpu.memory_space<vmem>>
      %dma_start3A_410 = arith.constant 0 : i32
      %dma_start3A_411 = arith.constant 0 : i32
      %dma_start3A_412 = tpu.memref_slice %arg10[%dma_start3A_410, %dma_start3A_411] : memref<10240x128xf32, #tpu.memory_space<vmem_shared>> -> memref<10240x128xf32, #tpu.memory_space<vmem_shared>>
      tpu.enqueue_indirect_dma source(%arg8 : memref<80x128xf32, #tpu.memory_space<vmem>>) target(%dma_start3A_412 : memref<10240x128xf32, #tpu.memory_space<vmem_shared>>) offsets(%dma_start3A_409 : memref<80xi32, #tpu.memory_space<vmem>>) semaphore(%run_scoped3A_406 : memref<!tpu.dma_semaphore, #tpu.memory_space<semaphore_mem>>) {add = true}
      %dma_wait3A_413 = arith.constant 0 : i32
      %dma_wait3A_414 = tpu.memref_slice %arg7[%run_scoped3A, %dma_wait3A_413] : memref<125x80xi32, #tpu.memory_space<vmem>> -> memref<1x80xi32, #tpu.memory_space<vmem>>
      %dma_wait3A_415 = tpu.memref_squeeze %dma_wait3A_414 : memref<1x80xi32, #tpu.memory_space<vmem>> -> memref<80xi32, #tpu.memory_space<vmem>>
      %dma_wait3A_416 = arith.constant 0 : i32
      %dma_wait3A_417 = arith.constant 0 : i32
      %dma_wait3A_418 = tpu.memref_slice %arg10[%dma_wait3A_416, %dma_wait3A_417] : memref<10240x128xf32, #tpu.memory_space<vmem_shared>> -> memref<10240x128xf32, #tpu.memory_space<vmem_shared>>
      tpu.wait_indirect_dma semaphore(%run_scoped3A_406 : memref<!tpu.dma_semaphore, #tpu.memory_space<semaphore_mem>>) src(%arg8 : memref<80x128xf32, #tpu.memory_space<vmem>>) dst(%dma_wait3A_418 : memref<10240x128xf32, #tpu.memory_space<vmem_shared>>)
      tpu.yield
    }) : () -> ()
    %barrier3A_181 = arith.constant 0 : index
    tpu.barrier barrier_id(%barrier3A_181)
    %mul3A_182 = arith.constant 640 : i32
    %mul3A_183 = arith.muli %arg1, %mul3A_182 : i32
    %add3A_184 = arith.constant 0 : i32
    %add3A_185 = arith.addi %mul3A_183, %add3A_184 : i32
    %dma_start3A_186 = arith.constant 0 : i32
    %dma_start3A_187 = tpu.memref_slice %arg10[%add3A_185, %dma_start3A_186] : memref<10240x128xf32, #tpu.memory_space<vmem_shared>> -> memref<80x128xf32, #tpu.memory_space<vmem_shared>>
    %dma_start3A_188 = arith.constant 0 : i32
    %dma_start3A_189 = tpu.memref_slice %arg10[%add3A_185, %dma_start3A_188] : memref<10240x128xf32, #tpu.memory_space<vmem_shared>> -> memref<80x128xf32, #tpu.memory_space<vmem_shared>>
    tpu.enqueue_dma source(%dma_start3A_189 : memref<80x128xf32, #tpu.memory_space<vmem_shared>>) target(%arg8 : memref<80x128xf32, #tpu.memory_space<vmem>>) target_semaphore(%arg11 : memref<!tpu.dma_semaphore, #tpu.memory_space<semaphore_mem>>)
    %dma_wait3A_190 = arith.constant 0 : i32
    %dma_wait3A_191 = tpu.memref_slice %arg10[%add3A_185, %dma_wait3A_190] : memref<10240x128xf32, #tpu.memory_space<vmem_shared>> -> memref<80x128xf32, #tpu.memory_space<vmem_shared>>
    %dma_wait3A_192 = arith.constant 0 : i32
    %dma_wait3A_193 = tpu.memref_slice %arg10[%add3A_185, %dma_wait3A_192] : memref<10240x128xf32, #tpu.memory_space<vmem_shared>> -> memref<80x128xf32, #tpu.memory_space<vmem_shared>>
    tpu.wait_dma2 semaphore(%arg11 : memref<!tpu.dma_semaphore, #tpu.memory_space<semaphore_mem>>) src(%dma_wait3A_193 : memref<80x128xf32, #tpu.memory_space<vmem_shared>>) dst(%arg8 : memref<80x128xf32, #tpu.memory_space<vmem>>)
    %dma_start3A_194 = arith.constant 0 : i32
    %dma_start3A_195 = tpu.memref_slice %arg5[%arg0, %add3A_185, %dma_start3A_194] : memref<2x10240x128xf32, #tpu.memory_space<hbm>> -> memref<1x80x128xf32, #tpu.memory_space<hbm>>
    %dma_start3A_196 = tpu.memref_squeeze %dma_start3A_195 : memref<1x80x128xf32, #tpu.memory_space<hbm>> -> memref<80x128xf32, #tpu.memory_space<hbm>>
    %dma_start3A_197 = arith.constant 0 : i32
    %dma_start3A_198 = tpu.memref_slice %arg5[%arg0, %add3A_185, %dma_start3A_197] : memref<2x10240x128xf32, #tpu.memory_space<hbm>> -> memref<1x80x128xf32, #tpu.memory_space<hbm>>
    %dma_start3A_199 = tpu.memref_squeeze %dma_start3A_198 : memref<1x80x128xf32, #tpu.memory_space<hbm>> -> memref<80x128xf32, #tpu.memory_space<hbm>>
    tpu.enqueue_dma source(%arg8 : memref<80x128xf32, #tpu.memory_space<vmem>>) target(%dma_start3A_199 : memref<80x128xf32, #tpu.memory_space<hbm>>) target_semaphore(%arg13 : memref<!tpu.dma_semaphore, #tpu.memory_space<semaphore_mem>>)
    %mul3A_200 = arith.constant 640 : i32
    %mul3A_201 = arith.muli %arg1, %mul3A_200 : i32
    %add3A_202 = arith.constant 80 : i32
    %add3A_203 = arith.addi %mul3A_201, %add3A_202 : i32
    %dma_start3A_204 = arith.constant 0 : i32
    %dma_start3A_205 = tpu.memref_slice %arg10[%add3A_203, %dma_start3A_204] : memref<10240x128xf32, #tpu.memory_space<vmem_shared>> -> memref<80x128xf32, #tpu.memory_space<vmem_shared>>
    %dma_start3A_206 = arith.constant 0 : i32
    %dma_start3A_207 = tpu.memref_slice %arg10[%add3A_203, %dma_start3A_206] : memref<10240x128xf32, #tpu.memory_space<vmem_shared>> -> memref<80x128xf32, #tpu.memory_space<vmem_shared>>
    tpu.enqueue_dma source(%dma_start3A_207 : memref<80x128xf32, #tpu.memory_space<vmem_shared>>) target(%arg9 : memref<80x128xf32, #tpu.memory_space<vmem>>) target_semaphore(%arg12 : memref<!tpu.dma_semaphore, #tpu.memory_space<semaphore_mem>>)
    %dma_wait3A_208 = arith.constant 0 : i32
    %dma_wait3A_209 = tpu.memref_slice %arg10[%add3A_203, %dma_wait3A_208] : memref<10240x128xf32, #tpu.memory_space<vmem_shared>> -> memref<80x128xf32, #tpu.memory_space<vmem_shared>>
    %dma_wait3A_210 = arith.constant 0 : i32
    %dma_wait3A_211 = tpu.memref_slice %arg10[%add3A_203, %dma_wait3A_210] : memref<10240x128xf32, #tpu.memory_space<vmem_shared>> -> memref<80x128xf32, #tpu.memory_space<vmem_shared>>
    tpu.wait_dma2 semaphore(%arg12 : memref<!tpu.dma_semaphore, #tpu.memory_space<semaphore_mem>>) src(%dma_wait3A_211 : memref<80x128xf32, #tpu.memory_space<vmem_shared>>) dst(%arg9 : memref<80x128xf32, #tpu.memory_space<vmem>>)
    %dma_start3A_212 = arith.constant 0 : i32
    %dma_start3A_213 = tpu.memref_slice %arg5[%arg0, %add3A_203, %dma_start3A_212] : memref<2x10240x128xf32, #tpu.memory_space<hbm>> -> memref<1x80x128xf32, #tpu.memory_space<hbm>>
    %dma_start3A_214 = tpu.memref_squeeze %dma_start3A_213 : memref<1x80x128xf32, #tpu.memory_space<hbm>> -> memref<80x128xf32, #tpu.memory_space<hbm>>
    %dma_start3A_215 = arith.constant 0 : i32
    %dma_start3A_216 = tpu.memref_slice %arg5[%arg0, %add3A_203, %dma_start3A_215] : memref<2x10240x128xf32, #tpu.memory_space<hbm>> -> memref<1x80x128xf32, #tpu.memory_space<hbm>>
    %dma_start3A_217 = tpu.memref_squeeze %dma_start3A_216 : memref<1x80x128xf32, #tpu.memory_space<hbm>> -> memref<80x128xf32, #tpu.memory_space<hbm>>
    tpu.enqueue_dma source(%arg9 : memref<80x128xf32, #tpu.memory_space<vmem>>) target(%dma_start3A_217 : memref<80x128xf32, #tpu.memory_space<hbm>>) target_semaphore(%arg14 : memref<!tpu.dma_semaphore, #tpu.memory_space<semaphore_mem>>)
    %mul3A_218 = arith.constant 640 : i32
    %mul3A_219 = arith.muli %arg1, %mul3A_218 : i32
    %add3A_220 = arith.constant 160 : i32
    %add3A_221 = arith.addi %mul3A_219, %add3A_220 : i32
    %mul3A_222 = arith.constant 640 : i32
    %mul3A_223 = arith.muli %arg1, %mul3A_222 : i32
    %add3A_224 = arith.constant 0 : i32
    %add3A_225 = arith.addi %mul3A_223, %add3A_224 : i32
    %dma_wait3A_226 = arith.constant 0 : i32
    %dma_wait3A_227 = tpu.memref_slice %arg5[%arg0, %add3A_225, %dma_wait3A_226] : memref<2x10240x128xf32, #tpu.memory_space<hbm>> -> memref<1x80x128xf32, #tpu.memory_space<hbm>>
    %dma_wait3A_228 = tpu.memref_squeeze %dma_wait3A_227 : memref<1x80x128xf32, #tpu.memory_space<hbm>> -> memref<80x128xf32, #tpu.memory_space<hbm>>
    %dma_wait3A_229 = arith.constant 0 : i32
    %dma_wait3A_230 = tpu.memref_slice %arg5[%arg0, %add3A_225, %dma_wait3A_229] : memref<2x10240x128xf32, #tpu.memory_space<hbm>> -> memref<1x80x128xf32, #tpu.memory_space<hbm>>
    %dma_wait3A_231 = tpu.memref_squeeze %dma_wait3A_230 : memref<1x80x128xf32, #tpu.memory_space<hbm>> -> memref<80x128xf32, #tpu.memory_space<hbm>>
    tpu.wait_dma2 semaphore(%arg13 : memref<!tpu.dma_semaphore, #tpu.memory_space<semaphore_mem>>) src(%arg8 : memref<80x128xf32, #tpu.memory_space<vmem>>) dst(%dma_wait3A_231 : memref<80x128xf32, #tpu.memory_space<hbm>>)
    %dma_start3A_232 = arith.constant 0 : i32
    %dma_start3A_233 = tpu.memref_slice %arg10[%add3A_221, %dma_start3A_232] : memref<10240x128xf32, #tpu.memory_space<vmem_shared>> -> memref<80x128xf32, #tpu.memory_space<vmem_shared>>
    %dma_start3A_234 = arith.constant 0 : i32
    %dma_start3A_235 = tpu.memref_slice %arg10[%add3A_221, %dma_start3A_234] : memref<10240x128xf32, #tpu.memory_space<vmem_shared>> -> memref<80x128xf32, #tpu.memory_space<vmem_shared>>
    tpu.enqueue_dma source(%dma_start3A_235 : memref<80x128xf32, #tpu.memory_space<vmem_shared>>) target(%arg8 : memref<80x128xf32, #tpu.memory_space<vmem>>) target_semaphore(%arg11 : memref<!tpu.dma_semaphore, #tpu.memory_space<semaphore_mem>>)
    %dma_wait3A_236 = arith.constant 0 : i32
    %dma_wait3A_237 = tpu.memref_slice %arg10[%add3A_221, %dma_wait3A_236] : memref<10240x128xf32, #tpu.memory_space<vmem_shared>> -> memref<80x128xf32, #tpu.memory_space<vmem_shared>>
    %dma_wait3A_238 = arith.constant 0 : i32
    %dma_wait3A_239 = tpu.memref_slice %arg10[%add3A_221, %dma_wait3A_238] : memref<10240x128xf32, #tpu.memory_space<vmem_shared>> -> memref<80x128xf32, #tpu.memory_space<vmem_shared>>
    tpu.wait_dma2 semaphore(%arg11 : memref<!tpu.dma_semaphore, #tpu.memory_space<semaphore_mem>>) src(%dma_wait3A_239 : memref<80x128xf32, #tpu.memory_space<vmem_shared>>) dst(%arg8 : memref<80x128xf32, #tpu.memory_space<vmem>>)
    %dma_start3A_240 = arith.constant 0 : i32
    %dma_start3A_241 = tpu.memref_slice %arg5[%arg0, %add3A_221, %dma_start3A_240] : memref<2x10240x128xf32, #tpu.memory_space<hbm>> -> memref<1x80x128xf32, #tpu.memory_space<hbm>>
    %dma_start3A_242 = tpu.memref_squeeze %dma_start3A_241 : memref<1x80x128xf32, #tpu.memory_space<hbm>> -> memref<80x128xf32, #tpu.memory_space<hbm>>
    %dma_start3A_243 = arith.constant 0 : i32
    %dma_start3A_244 = tpu.memref_slice %arg5[%arg0, %add3A_221, %dma_start3A_243] : memref<2x10240x128xf32, #tpu.memory_space<hbm>> -> memref<1x80x128xf32, #tpu.memory_space<hbm>>
    %dma_start3A_245 = tpu.memref_squeeze %dma_start3A_244 : memref<1x80x128xf32, #tpu.memory_space<hbm>> -> memref<80x128xf32, #tpu.memory_space<hbm>>
    tpu.enqueue_dma source(%arg8 : memref<80x128xf32, #tpu.memory_space<vmem>>) target(%dma_start3A_245 : memref<80x128xf32, #tpu.memory_space<hbm>>) target_semaphore(%arg13 : memref<!tpu.dma_semaphore, #tpu.memory_space<semaphore_mem>>)
    %mul3A_246 = arith.constant 640 : i32
    %mul3A_247 = arith.muli %arg1, %mul3A_246 : i32
    %add3A_248 = arith.constant 240 : i32
    %add3A_249 = arith.addi %mul3A_247, %add3A_248 : i32
    %mul3A_250 = arith.constant 640 : i32
    %mul3A_251 = arith.muli %arg1, %mul3A_250 : i32
    %add3A_252 = arith.constant 80 : i32
    %add3A_253 = arith.addi %mul3A_251, %add3A_252 : i32
    %dma_wait3A_254 = arith.constant 0 : i32
    %dma_wait3A_255 = tpu.memref_slice %arg5[%arg0, %add3A_253, %dma_wait3A_254] : memref<2x10240x128xf32, #tpu.memory_space<hbm>> -> memref<1x80x128xf32, #tpu.memory_space<hbm>>
    %dma_wait3A_256 = tpu.memref_squeeze %dma_wait3A_255 : memref<1x80x128xf32, #tpu.memory_space<hbm>> -> memref<80x128xf32, #tpu.memory_space<hbm>>
    %dma_wait3A_257 = arith.constant 0 : i32
    %dma_wait3A_258 = tpu.memref_slice %arg5[%arg0, %add3A_253, %dma_wait3A_257] : memref<2x10240x128xf32, #tpu.memory_space<hbm>> -> memref<1x80x128xf32, #tpu.memory_space<hbm>>
    %dma_wait3A_259 = tpu.memref_squeeze %dma_wait3A_258 : memref<1x80x128xf32, #tpu.memory_space<hbm>> -> memref<80x128xf32, #tpu.memory_space<hbm>>
    tpu.wait_dma2 semaphore(%arg14 : memref<!tpu.dma_semaphore, #tpu.memory_space<semaphore_mem>>) src(%arg9 : memref<80x128xf32, #tpu.memory_space<vmem>>) dst(%dma_wait3A_259 : memref<80x128xf32, #tpu.memory_space<hbm>>)
    %dma_start3A_260 = arith.constant 0 : i32
    %dma_start3A_261 = tpu.memref_slice %arg10[%add3A_249, %dma_start3A_260] : memref<10240x128xf32, #tpu.memory_space<vmem_shared>> -> memref<80x128xf32, #tpu.memory_space<vmem_shared>>
    %dma_start3A_262 = arith.constant 0 : i32
    %dma_start3A_263 = tpu.memref_slice %arg10[%add3A_249, %dma_start3A_262] : memref<10240x128xf32, #tpu.memory_space<vmem_shared>> -> memref<80x128xf32, #tpu.memory_space<vmem_shared>>
    tpu.enqueue_dma source(%dma_start3A_263 : memref<80x128xf32, #tpu.memory_space<vmem_shared>>) target(%arg9 : memref<80x128xf32, #tpu.memory_space<vmem>>) target_semaphore(%arg12 : memref<!tpu.dma_semaphore, #tpu.memory_space<semaphore_mem>>)
    %dma_wait3A_264 = arith.constant 0 : i32
    %dma_wait3A_265 = tpu.memref_slice %arg10[%add3A_249, %dma_wait3A_264] : memref<10240x128xf32, #tpu.memory_space<vmem_shared>> -> memref<80x128xf32, #tpu.memory_space<vmem_shared>>
    %dma_wait3A_266 = arith.constant 0 : i32
    %dma_wait3A_267 = tpu.memref_slice %arg10[%add3A_249, %dma_wait3A_266] : memref<10240x128xf32, #tpu.memory_space<vmem_shared>> -> memref<80x128xf32, #tpu.memory_space<vmem_shared>>
    tpu.wait_dma2 semaphore(%arg12 : memref<!tpu.dma_semaphore, #tpu.memory_space<semaphore_mem>>) src(%dma_wait3A_267 : memref<80x128xf32, #tpu.memory_space<vmem_shared>>) dst(%arg9 : memref<80x128xf32, #tpu.memory_space<vmem>>)
    %dma_start3A_268 = arith.constant 0 : i32
    %dma_start3A_269 = tpu.memref_slice %arg5[%arg0, %add3A_249, %dma_start3A_268] : memref<2x10240x128xf32, #tpu.memory_space<hbm>> -> memref<1x80x128xf32, #tpu.memory_space<hbm>>
    %dma_start3A_270 = tpu.memref_squeeze %dma_start3A_269 : memref<1x80x128xf32, #tpu.memory_space<hbm>> -> memref<80x128xf32, #tpu.memory_space<hbm>>
    %dma_start3A_271 = arith.constant 0 : i32
    %dma_start3A_272 = tpu.memref_slice %arg5[%arg0, %add3A_249, %dma_start3A_271] : memref<2x10240x128xf32, #tpu.memory_space<hbm>> -> memref<1x80x128xf32, #tpu.memory_space<hbm>>
    %dma_start3A_273 = tpu.memref_squeeze %dma_start3A_272 : memref<1x80x128xf32, #tpu.memory_space<hbm>> -> memref<80x128xf32, #tpu.memory_space<hbm>>
    tpu.enqueue_dma source(%arg9 : memref<80x128xf32, #tpu.memory_space<vmem>>) target(%dma_start3A_273 : memref<80x128xf32, #tpu.memory_space<hbm>>) target_semaphore(%arg14 : memref<!tpu.dma_semaphore, #tpu.memory_space<semaphore_mem>>)
    %mul3A_274 = arith.constant 640 : i32
    %mul3A_275 = arith.muli %arg1, %mul3A_274 : i32
    %add3A_276 = arith.constant 320 : i32
    %add3A_277 = arith.addi %mul3A_275, %add3A_276 : i32
    %mul3A_278 = arith.constant 640 : i32
    %mul3A_279 = arith.muli %arg1, %mul3A_278 : i32
    %add3A_280 = arith.constant 160 : i32
    %add3A_281 = arith.addi %mul3A_279, %add3A_280 : i32
    %dma_wait3A_282 = arith.constant 0 : i32
    %dma_wait3A_283 = tpu.memref_slice %arg5[%arg0, %add3A_281, %dma_wait3A_282] : memref<2x10240x128xf32, #tpu.memory_space<hbm>> -> memref<1x80x128xf32, #tpu.memory_space<hbm>>
    %dma_wait3A_284 = tpu.memref_squeeze %dma_wait3A_283 : memref<1x80x128xf32, #tpu.memory_space<hbm>> -> memref<80x128xf32, #tpu.memory_space<hbm>>
    %dma_wait3A_285 = arith.constant 0 : i32
    %dma_wait3A_286 = tpu.memref_slice %arg5[%arg0, %add3A_281, %dma_wait3A_285] : memref<2x10240x128xf32, #tpu.memory_space<hbm>> -> memref<1x80x128xf32, #tpu.memory_space<hbm>>
    %dma_wait3A_287 = tpu.memref_squeeze %dma_wait3A_286 : memref<1x80x128xf32, #tpu.memory_space<hbm>> -> memref<80x128xf32, #tpu.memory_space<hbm>>
    tpu.wait_dma2 semaphore(%arg13 : memref<!tpu.dma_semaphore, #tpu.memory_space<semaphore_mem>>) src(%arg8 : memref<80x128xf32, #tpu.memory_space<vmem>>) dst(%dma_wait3A_287 : memref<80x128xf32, #tpu.memory_space<hbm>>)
    %dma_start3A_288 = arith.constant 0 : i32
    %dma_start3A_289 = tpu.memref_slice %arg10[%add3A_277, %dma_start3A_288] : memref<10240x128xf32, #tpu.memory_space<vmem_shared>> -> memref<80x128xf32, #tpu.memory_space<vmem_shared>>
    %dma_start3A_290 = arith.constant 0 : i32
    %dma_start3A_291 = tpu.memref_slice %arg10[%add3A_277, %dma_start3A_290] : memref<10240x128xf32, #tpu.memory_space<vmem_shared>> -> memref<80x128xf32, #tpu.memory_space<vmem_shared>>
    tpu.enqueue_dma source(%dma_start3A_291 : memref<80x128xf32, #tpu.memory_space<vmem_shared>>) target(%arg8 : memref<80x128xf32, #tpu.memory_space<vmem>>) target_semaphore(%arg11 : memref<!tpu.dma_semaphore, #tpu.memory_space<semaphore_mem>>)
    %dma_wait3A_292 = arith.constant 0 : i32
    %dma_wait3A_293 = tpu.memref_slice %arg10[%add3A_277, %dma_wait3A_292] : memref<10240x128xf32, #tpu.memory_space<vmem_shared>> -> memref<80x128xf32, #tpu.memory_space<vmem_shared>>
    %dma_wait3A_294 = arith.constant 0 : i32
    %dma_wait3A_295 = tpu.memref_slice %arg10[%add3A_277, %dma_wait3A_294] : memref<10240x128xf32, #tpu.memory_space<vmem_shared>> -> memref<80x128xf32, #tpu.memory_space<vmem_shared>>
    tpu.wait_dma2 semaphore(%arg11 : memref<!tpu.dma_semaphore, #tpu.memory_space<semaphore_mem>>) src(%dma_wait3A_295 : memref<80x128xf32, #tpu.memory_space<vmem_shared>>) dst(%arg8 : memref<80x128xf32, #tpu.memory_space<vmem>>)
    %dma_start3A_296 = arith.constant 0 : i32
    %dma_start3A_297 = tpu.memref_slice %arg5[%arg0, %add3A_277, %dma_start3A_296] : memref<2x10240x128xf32, #tpu.memory_space<hbm>> -> memref<1x80x128xf32, #tpu.memory_space<hbm>>
    %dma_start3A_298 = tpu.memref_squeeze %dma_start3A_297 : memref<1x80x128xf32, #tpu.memory_space<hbm>> -> memref<80x128xf32, #tpu.memory_space<hbm>>
    %dma_start3A_299 = arith.constant 0 : i32
    %dma_start3A_300 = tpu.memref_slice %arg5[%arg0, %add3A_277, %dma_start3A_299] : memref<2x10240x128xf32, #tpu.memory_space<hbm>> -> memref<1x80x128xf32, #tpu.memory_space<hbm>>
    %dma_start3A_301 = tpu.memref_squeeze %dma_start3A_300 : memref<1x80x128xf32, #tpu.memory_space<hbm>> -> memref<80x128xf32, #tpu.memory_space<hbm>>
    tpu.enqueue_dma source(%arg8 : memref<80x128xf32, #tpu.memory_space<vmem>>) target(%dma_start3A_301 : memref<80x128xf32, #tpu.memory_space<hbm>>) target_semaphore(%arg13 : memref<!tpu.dma_semaphore, #tpu.memory_space<semaphore_mem>>)
    %mul3A_302 = arith.constant 640 : i32
    %mul3A_303 = arith.muli %arg1, %mul3A_302 : i32
    %add3A_304 = arith.constant 400 : i32
    %add3A_305 = arith.addi %mul3A_303, %add3A_304 : i32
    %mul3A_306 = arith.constant 640 : i32
    %mul3A_307 = arith.muli %arg1, %mul3A_306 : i32
    %add3A_308 = arith.constant 240 : i32
    %add3A_309 = arith.addi %mul3A_307, %add3A_308 : i32
    %dma_wait3A_310 = arith.constant 0 : i32
    %dma_wait3A_311 = tpu.memref_slice %arg5[%arg0, %add3A_309, %dma_wait3A_310] : memref<2x10240x128xf32, #tpu.memory_space<hbm>> -> memref<1x80x128xf32, #tpu.memory_space<hbm>>
    %dma_wait3A_312 = tpu.memref_squeeze %dma_wait3A_311 : memref<1x80x128xf32, #tpu.memory_space<hbm>> -> memref<80x128xf32, #tpu.memory_space<hbm>>
    %dma_wait3A_313 = arith.constant 0 : i32
    %dma_wait3A_314 = tpu.memref_slice %arg5[%arg0, %add3A_309, %dma_wait3A_313] : memref<2x10240x128xf32, #tpu.memory_space<hbm>> -> memref<1x80x128xf32, #tpu.memory_space<hbm>>
    %dma_wait3A_315 = tpu.memref_squeeze %dma_wait3A_314 : memref<1x80x128xf32, #tpu.memory_space<hbm>> -> memref<80x128xf32, #tpu.memory_space<hbm>>
    tpu.wait_dma2 semaphore(%arg14 : memref<!tpu.dma_semaphore, #tpu.memory_space<semaphore_mem>>) src(%arg9 : memref<80x128xf32, #tpu.memory_space<vmem>>) dst(%dma_wait3A_315 : memref<80x128xf32, #tpu.memory_space<hbm>>)
    %dma_start3A_316 = arith.constant 0 : i32
    %dma_start3A_317 = tpu.memref_slice %arg10[%add3A_305, %dma_start3A_316] : memref<10240x128xf32, #tpu.memory_space<vmem_shared>> -> memref<80x128xf32, #tpu.memory_space<vmem_shared>>
    %dma_start3A_318 = arith.constant 0 : i32
    %dma_start3A_319 = tpu.memref_slice %arg10[%add3A_305, %dma_start3A_318] : memref<10240x128xf32, #tpu.memory_space<vmem_shared>> -> memref<80x128xf32, #tpu.memory_space<vmem_shared>>
    tpu.enqueue_dma source(%dma_start3A_319 : memref<80x128xf32, #tpu.memory_space<vmem_shared>>) target(%arg9 : memref<80x128xf32, #tpu.memory_space<vmem>>) target_semaphore(%arg12 : memref<!tpu.dma_semaphore, #tpu.memory_space<semaphore_mem>>)
    %dma_wait3A_320 = arith.constant 0 : i32
    %dma_wait3A_321 = tpu.memref_slice %arg10[%add3A_305, %dma_wait3A_320] : memref<10240x128xf32, #tpu.memory_space<vmem_shared>> -> memref<80x128xf32, #tpu.memory_space<vmem_shared>>
    %dma_wait3A_322 = arith.constant 0 : i32
    %dma_wait3A_323 = tpu.memref_slice %arg10[%add3A_305, %dma_wait3A_322] : memref<10240x128xf32, #tpu.memory_space<vmem_shared>> -> memref<80x128xf32, #tpu.memory_space<vmem_shared>>
    tpu.wait_dma2 semaphore(%arg12 : memref<!tpu.dma_semaphore, #tpu.memory_space<semaphore_mem>>) src(%dma_wait3A_323 : memref<80x128xf32, #tpu.memory_space<vmem_shared>>) dst(%arg9 : memref<80x128xf32, #tpu.memory_space<vmem>>)
    %dma_start3A_324 = arith.constant 0 : i32
    %dma_start3A_325 = tpu.memref_slice %arg5[%arg0, %add3A_305, %dma_start3A_324] : memref<2x10240x128xf32, #tpu.memory_space<hbm>> -> memref<1x80x128xf32, #tpu.memory_space<hbm>>
    %dma_start3A_326 = tpu.memref_squeeze %dma_start3A_325 : memref<1x80x128xf32, #tpu.memory_space<hbm>> -> memref<80x128xf32, #tpu.memory_space<hbm>>
    %dma_start3A_327 = arith.constant 0 : i32
    %dma_start3A_328 = tpu.memref_slice %arg5[%arg0, %add3A_305, %dma_start3A_327] : memref<2x10240x128xf32, #tpu.memory_space<hbm>> -> memref<1x80x128xf32, #tpu.memory_space<hbm>>
    %dma_start3A_329 = tpu.memref_squeeze %dma_start3A_328 : memref<1x80x128xf32, #tpu.memory_space<hbm>> -> memref<80x128xf32, #tpu.memory_space<hbm>>
    tpu.enqueue_dma source(%arg9 : memref<80x128xf32, #tpu.memory_space<vmem>>) target(%dma_start3A_329 : memref<80x128xf32, #tpu.memory_space<hbm>>) target_semaphore(%arg14 : memref<!tpu.dma_semaphore, #tpu.memory_space<semaphore_mem>>)
    %mul3A_330 = arith.constant 640 : i32
    %mul3A_331 = arith.muli %arg1, %mul3A_330 : i32
    %add3A_332 = arith.constant 480 : i32
    %add3A_333 = arith.addi %mul3A_331, %add3A_332 : i32
    %mul3A_334 = arith.constant 640 : i32
    %mul3A_335 = arith.muli %arg1, %mul3A_334 : i32
    %add3A_336 = arith.constant 320 : i32
    %add3A_337 = arith.addi %mul3A_335, %add3A_336 : i32
    %dma_wait3A_338 = arith.constant 0 : i32
    %dma_wait3A_339 = tpu.memref_slice %arg5[%arg0, %add3A_337, %dma_wait3A_338] : memref<2x10240x128xf32, #tpu.memory_space<hbm>> -> memref<1x80x128xf32, #tpu.memory_space<hbm>>
    %dma_wait3A_340 = tpu.memref_squeeze %dma_wait3A_339 : memref<1x80x128xf32, #tpu.memory_space<hbm>> -> memref<80x128xf32, #tpu.memory_space<hbm>>
    %dma_wait3A_341 = arith.constant 0 : i32
    %dma_wait3A_342 = tpu.memref_slice %arg5[%arg0, %add3A_337, %dma_wait3A_341] : memref<2x10240x128xf32, #tpu.memory_space<hbm>> -> memref<1x80x128xf32, #tpu.memory_space<hbm>>
    %dma_wait3A_343 = tpu.memref_squeeze %dma_wait3A_342 : memref<1x80x128xf32, #tpu.memory_space<hbm>> -> memref<80x128xf32, #tpu.memory_space<hbm>>
    tpu.wait_dma2 semaphore(%arg13 : memref<!tpu.dma_semaphore, #tpu.memory_space<semaphore_mem>>) src(%arg8 : memref<80x128xf32, #tpu.memory_space<vmem>>) dst(%dma_wait3A_343 : memref<80x128xf32, #tpu.memory_space<hbm>>)
    %dma_start3A_344 = arith.constant 0 : i32
    %dma_start3A_345 = tpu.memref_slice %arg10[%add3A_333, %dma_start3A_344] : memref<10240x128xf32, #tpu.memory_space<vmem_shared>> -> memref<80x128xf32, #tpu.memory_space<vmem_shared>>
    %dma_start3A_346 = arith.constant 0 : i32
    %dma_start3A_347 = tpu.memref_slice %arg10[%add3A_333, %dma_start3A_346] : memref<10240x128xf32, #tpu.memory_space<vmem_shared>> -> memref<80x128xf32, #tpu.memory_space<vmem_shared>>
    tpu.enqueue_dma source(%dma_start3A_347 : memref<80x128xf32, #tpu.memory_space<vmem_shared>>) target(%arg8 : memref<80x128xf32, #tpu.memory_space<vmem>>) target_semaphore(%arg11 : memref<!tpu.dma_semaphore, #tpu.memory_space<semaphore_mem>>)
    %dma_wait3A_348 = arith.constant 0 : i32
    %dma_wait3A_349 = tpu.memref_slice %arg10[%add3A_333, %dma_wait3A_348] : memref<10240x128xf32, #tpu.memory_space<vmem_shared>> -> memref<80x128xf32, #tpu.memory_space<vmem_shared>>
    %dma_wait3A_350 = arith.constant 0 : i32
    %dma_wait3A_351 = tpu.memref_slice %arg10[%add3A_333, %dma_wait3A_350] : memref<10240x128xf32, #tpu.memory_space<vmem_shared>> -> memref<80x128xf32, #tpu.memory_space<vmem_shared>>
    tpu.wait_dma2 semaphore(%arg11 : memref<!tpu.dma_semaphore, #tpu.memory_space<semaphore_mem>>) src(%dma_wait3A_351 : memref<80x128xf32, #tpu.memory_space<vmem_shared>>) dst(%arg8 : memref<80x128xf32, #tpu.memory_space<vmem>>)
    %dma_start3A_352 = arith.constant 0 : i32
    %dma_start3A_353 = tpu.memref_slice %arg5[%arg0, %add3A_333, %dma_start3A_352] : memref<2x10240x128xf32, #tpu.memory_space<hbm>> -> memref<1x80x128xf32, #tpu.memory_space<hbm>>
    %dma_start3A_354 = tpu.memref_squeeze %dma_start3A_353 : memref<1x80x128xf32, #tpu.memory_space<hbm>> -> memref<80x128xf32, #tpu.memory_space<hbm>>
    %dma_start3A_355 = arith.constant 0 : i32
    %dma_start3A_356 = tpu.memref_slice %arg5[%arg0, %add3A_333, %dma_start3A_355] : memref<2x10240x128xf32, #tpu.memory_space<hbm>> -> memref<1x80x128xf32, #tpu.memory_space<hbm>>
    %dma_start3A_357 = tpu.memref_squeeze %dma_start3A_356 : memref<1x80x128xf32, #tpu.memory_space<hbm>> -> memref<80x128xf32, #tpu.memory_space<hbm>>
    tpu.enqueue_dma source(%arg8 : memref<80x128xf32, #tpu.memory_space<vmem>>) target(%dma_start3A_357 : memref<80x128xf32, #tpu.memory_space<hbm>>) target_semaphore(%arg13 : memref<!tpu.dma_semaphore, #tpu.memory_space<semaphore_mem>>)
    %mul3A_358 = arith.constant 640 : i32
    %mul3A_359 = arith.muli %arg1, %mul3A_358 : i32
    %add3A_360 = arith.constant 560 : i32
    %add3A_361 = arith.addi %mul3A_359, %add3A_360 : i32
    %mul3A_362 = arith.constant 640 : i32
    %mul3A_363 = arith.muli %arg1, %mul3A_362 : i32
    %add3A_364 = arith.constant 400 : i32
    %add3A_365 = arith.addi %mul3A_363, %add3A_364 : i32
    %dma_wait3A_366 = arith.constant 0 : i32
    %dma_wait3A_367 = tpu.memref_slice %arg5[%arg0, %add3A_365, %dma_wait3A_366] : memref<2x10240x128xf32, #tpu.memory_space<hbm>> -> memref<1x80x128xf32, #tpu.memory_space<hbm>>
    %dma_wait3A_368 = tpu.memref_squeeze %dma_wait3A_367 : memref<1x80x128xf32, #tpu.memory_space<hbm>> -> memref<80x128xf32, #tpu.memory_space<hbm>>
    %dma_wait3A_369 = arith.constant 0 : i32
    %dma_wait3A_370 = tpu.memref_slice %arg5[%arg0, %add3A_365, %dma_wait3A_369] : memref<2x10240x128xf32, #tpu.memory_space<hbm>> -> memref<1x80x128xf32, #tpu.memory_space<hbm>>
    %dma_wait3A_371 = tpu.memref_squeeze %dma_wait3A_370 : memref<1x80x128xf32, #tpu.memory_space<hbm>> -> memref<80x128xf32, #tpu.memory_space<hbm>>
    tpu.wait_dma2 semaphore(%arg14 : memref<!tpu.dma_semaphore, #tpu.memory_space<semaphore_mem>>) src(%arg9 : memref<80x128xf32, #tpu.memory_space<vmem>>) dst(%dma_wait3A_371 : memref<80x128xf32, #tpu.memory_space<hbm>>)
    %dma_start3A_372 = arith.constant 0 : i32
    %dma_start3A_373 = tpu.memref_slice %arg10[%add3A_361, %dma_start3A_372] : memref<10240x128xf32, #tpu.memory_space<vmem_shared>> -> memref<80x128xf32, #tpu.memory_space<vmem_shared>>
    %dma_start3A_374 = arith.constant 0 : i32
    %dma_start3A_375 = tpu.memref_slice %arg10[%add3A_361, %dma_start3A_374] : memref<10240x128xf32, #tpu.memory_space<vmem_shared>> -> memref<80x128xf32, #tpu.memory_space<vmem_shared>>
    tpu.enqueue_dma source(%dma_start3A_375 : memref<80x128xf32, #tpu.memory_space<vmem_shared>>) target(%arg9 : memref<80x128xf32, #tpu.memory_space<vmem>>) target_semaphore(%arg12 : memref<!tpu.dma_semaphore, #tpu.memory_space<semaphore_mem>>)
    %dma_wait3A_376 = arith.constant 0 : i32
    %dma_wait3A_377 = tpu.memref_slice %arg10[%add3A_361, %dma_wait3A_376] : memref<10240x128xf32, #tpu.memory_space<vmem_shared>> -> memref<80x128xf32, #tpu.memory_space<vmem_shared>>
    %dma_wait3A_378 = arith.constant 0 : i32
    %dma_wait3A_379 = tpu.memref_slice %arg10[%add3A_361, %dma_wait3A_378] : memref<10240x128xf32, #tpu.memory_space<vmem_shared>> -> memref<80x128xf32, #tpu.memory_space<vmem_shared>>
    tpu.wait_dma2 semaphore(%arg12 : memref<!tpu.dma_semaphore, #tpu.memory_space<semaphore_mem>>) src(%dma_wait3A_379 : memref<80x128xf32, #tpu.memory_space<vmem_shared>>) dst(%arg9 : memref<80x128xf32, #tpu.memory_space<vmem>>)
    %dma_start3A_380 = arith.constant 0 : i32
    %dma_start3A_381 = tpu.memref_slice %arg5[%arg0, %add3A_361, %dma_start3A_380] : memref<2x10240x128xf32, #tpu.memory_space<hbm>> -> memref<1x80x128xf32, #tpu.memory_space<hbm>>
    %dma_start3A_382 = tpu.memref_squeeze %dma_start3A_381 : memref<1x80x128xf32, #tpu.memory_space<hbm>> -> memref<80x128xf32, #tpu.memory_space<hbm>>
    %dma_start3A_383 = arith.constant 0 : i32
    %dma_start3A_384 = tpu.memref_slice %arg5[%arg0, %add3A_361, %dma_start3A_383] : memref<2x10240x128xf32, #tpu.memory_space<hbm>> -> memref<1x80x128xf32, #tpu.memory_space<hbm>>
    %dma_start3A_385 = tpu.memref_squeeze %dma_start3A_384 : memref<1x80x128xf32, #tpu.memory_space<hbm>> -> memref<80x128xf32, #tpu.memory_space<hbm>>
    tpu.enqueue_dma source(%arg9 : memref<80x128xf32, #tpu.memory_space<vmem>>) target(%dma_start3A_385 : memref<80x128xf32, #tpu.memory_space<hbm>>) target_semaphore(%arg14 : memref<!tpu.dma_semaphore, #tpu.memory_space<semaphore_mem>>)
    %mul3A_386 = arith.constant 640 : i32
    %mul3A_387 = arith.muli %arg1, %mul3A_386 : i32
    %add3A_388 = arith.constant 480 : i32
    %add3A_389 = arith.addi %mul3A_387, %add3A_388 : i32
    %dma_wait3A_390 = arith.constant 0 : i32
    %dma_wait3A_391 = tpu.memref_slice %arg5[%arg0, %add3A_389, %dma_wait3A_390] : memref<2x10240x128xf32, #tpu.memory_space<hbm>> -> memref<1x80x128xf32, #tpu.memory_space<hbm>>
    %dma_wait3A_392 = tpu.memref_squeeze %dma_wait3A_391 : memref<1x80x128xf32, #tpu.memory_space<hbm>> -> memref<80x128xf32, #tpu.memory_space<hbm>>
    %dma_wait3A_393 = arith.constant 0 : i32
    %dma_wait3A_394 = tpu.memref_slice %arg5[%arg0, %add3A_389, %dma_wait3A_393] : memref<2x10240x128xf32, #tpu.memory_space<hbm>> -> memref<1x80x128xf32, #tpu.memory_space<hbm>>
    %dma_wait3A_395 = tpu.memref_squeeze %dma_wait3A_394 : memref<1x80x128xf32, #tpu.memory_space<hbm>> -> memref<80x128xf32, #tpu.memory_space<hbm>>
    tpu.wait_dma2 semaphore(%arg13 : memref<!tpu.dma_semaphore, #tpu.memory_space<semaphore_mem>>) src(%arg8 : memref<80x128xf32, #tpu.memory_space<vmem>>) dst(%dma_wait3A_395 : memref<80x128xf32, #tpu.memory_space<hbm>>)
    %mul3A_396 = arith.constant 640 : i32
    %mul3A_397 = arith.muli %arg1, %mul3A_396 : i32
    %add3A_398 = arith.constant 560 : i32
    %add3A_399 = arith.addi %mul3A_397, %add3A_398 : i32
    %dma_wait3A_400 = arith.constant 0 : i32
    %dma_wait3A_401 = tpu.memref_slice %arg5[%arg0, %add3A_399, %dma_wait3A_400] : memref<2x10240x128xf32, #tpu.memory_space<hbm>> -> memref<1x80x128xf32, #tpu.memory_space<hbm>>
    %dma_wait3A_402 = tpu.memref_squeeze %dma_wait3A_401 : memref<1x80x128xf32, #tpu.memory_space<hbm>> -> memref<80x128xf32, #tpu.memory_space<hbm>>
    %dma_wait3A_403 = arith.constant 0 : i32
    %dma_wait3A_404 = tpu.memref_slice %arg5[%arg0, %add3A_399, %dma_wait3A_403] : memref<2x10240x128xf32, #tpu.memory_space<hbm>> -> memref<1x80x128xf32, #tpu.memory_space<hbm>>
    %dma_wait3A_405 = tpu.memref_squeeze %dma_wait3A_404 : memref<1x80x128xf32, #tpu.memory_space<hbm>> -> memref<80x128xf32, #tpu.memory_space<hbm>>
    tpu.wait_dma2 semaphore(%arg14 : memref<!tpu.dma_semaphore, #tpu.memory_space<semaphore_mem>>) src(%arg9 : memref<80x128xf32, #tpu.memory_space<vmem>>) dst(%dma_wait3A_405 : memref<80x128xf32, #tpu.memory_space<hbm>>)
    return
  }
}

#map = affine_map<(d0, d1) -> (0, 0, 0, 0)>
#map1 = affine_map<(d0, d1) -> (0, 0)>
module attributes {stable_mosaic.version = 14 : i64} {
  func.func @_sc_count(%arg0: i32, %arg1: i32, %arg2: memref<2x16x125x80xi32, #tpu.memory_space<hbm>>, %arg3: memref<2x10240xf32, #tpu.memory_space<hbm>>, %arg4: memref<125x80xi32, #tpu.memory_space<vmem>>, %arg5: memref<80xf32, #tpu.memory_space<vmem>>, %arg6: memref<640xf32, #tpu.memory_space<vmem>>, %arg7: memref<10240xf32, #tpu.memory_space<vmem_shared>>, %arg8: memref<!tpu.dma_semaphore, #tpu.memory_space<semaphore_mem>>) attributes {dimension_semantics = [#tpu.dimension_semantics<core_parallel>, #tpu.dimension_semantics<subcore_parallel>], iteration_bounds = array<i64: 2, 16>, scalar_prefetch = 0 : i64, scratch_operands = 5 : i64, tpu.core_type = #tpu.core_type<sc_vector_subcore>, window_params = [{transform_indices = #map}, {transform_indices = #map1}]} {
    %scan3A = arith.constant 0 : i32
    %scan3A_0 = arith.constant 0 : i32
    %scan3A_1 = arith.constant 40 : i32
    %scan3A_2 = arith.addi %scan3A_0, %scan3A_1 : i32
    %scan3A_3 = arith.constant 1 : i32
    scf.for %scan3A_46 = %scan3A_0 to %scan3A_2 step %scan3A_3  : i32 {
      %broadcast_in_dim3A = arith.constant 0.000000e+00 : f32
      %broadcast_in_dim3A_47 = vector.broadcast %broadcast_in_dim3A : f32 to vector<16xf32>
      %mul3A_48 = arith.constant 16 : i32
      %mul3A_49 = arith.muli %scan3A_46, %mul3A_48 : i32
      %swap3A = arith.index_cast %mul3A_49 : i32 to index
      %swap3A_50 = tpu.vector_load %arg6[%swap3A] {strides = array<i32>} : memref<640xf32, #tpu.memory_space<vmem>>, vector<16xf32>,
      %swap3A_51 = vector.shape_cast %swap3A_50 : vector<16xf32> to vector<16xf32>
      %swap3A_52 = vector.shape_cast %broadcast_in_dim3A_47 : vector<16xf32> to vector<16xf32>
      tpu.vector_store %arg6[%swap3A], %swap3A_52 {strides = array<i32>} : memref<640xf32, #tpu.memory_space<vmem>>, vector<16xf32>,
    }
    %scan3A_4 = arith.constant 40 : i32
    %scan3A_5 = arith.constant 0 : i32
    %scan3A_6 = arith.constant 0 : i32
    %scan3A_7 = arith.constant 5 : i32
    %scan3A_8 = arith.addi %scan3A_6, %scan3A_7 : i32
    %scan3A_9 = arith.constant 1 : i32
    scf.for %scan3A_46 = %scan3A_6 to %scan3A_8 step %scan3A_9  : i32 {
      %broadcast_in_dim3A = arith.constant 1.000000e+00 : f32
      %broadcast_in_dim3A_47 = vector.broadcast %broadcast_in_dim3A : f32 to vector<16xf32>
      %mul3A_48 = arith.constant 16 : i32
      %mul3A_49 = arith.muli %scan3A_46, %mul3A_48 : i32
      %swap3A = arith.index_cast %mul3A_49 : i32 to index
      %swap3A_50 = tpu.vector_load %arg5[%swap3A] {strides = array<i32>} : memref<80xf32, #tpu.memory_space<vmem>>, vector<16xf32>,
      %swap3A_51 = vector.shape_cast %swap3A_50 : vector<16xf32> to vector<16xf32>
      %swap3A_52 = vector.shape_cast %broadcast_in_dim3A_47 : vector<16xf32> to vector<16xf32>
      tpu.vector_store %arg5[%swap3A], %swap3A_52 {strides = array<i32>} : memref<80xf32, #tpu.memory_space<vmem>>, vector<16xf32>,
    }
    %scan3A_10 = arith.constant 5 : i32
    %mul3A = arith.constant 640 : i32
    %mul3A_11 = arith.muli %arg1, %mul3A : i32
    "tpu.region"() ({
      %run_scoped3A = tpu.sem_alloc : memref<!tpu.dma_semaphore, #tpu.memory_space<semaphore_mem>>
      %dma_start3A = tpu.memref_slice %arg7[%mul3A_11] : memref<10240xf32, #tpu.memory_space<vmem_shared>> -> memref<640xf32, #tpu.memory_space<vmem_shared>>
      %dma_start3A_46 = tpu.memref_slice %arg7[%mul3A_11] : memref<10240xf32, #tpu.memory_space<vmem_shared>> -> memref<640xf32, #tpu.memory_space<vmem_shared>>
      tpu.enqueue_dma source(%arg6 : memref<640xf32, #tpu.memory_space<vmem>>) target(%dma_start3A_46 : memref<640xf32, #tpu.memory_space<vmem_shared>>) target_semaphore(%run_scoped3A : memref<!tpu.dma_semaphore, #tpu.memory_space<semaphore_mem>>)
      %dma_wait3A_47 = tpu.memref_slice %arg7[%mul3A_11] : memref<10240xf32, #tpu.memory_space<vmem_shared>> -> memref<640xf32, #tpu.memory_space<vmem_shared>>
      %dma_wait3A_48 = tpu.memref_slice %arg7[%mul3A_11] : memref<10240xf32, #tpu.memory_space<vmem_shared>> -> memref<640xf32, #tpu.memory_space<vmem_shared>>
      tpu.wait_dma2 semaphore(%run_scoped3A : memref<!tpu.dma_semaphore, #tpu.memory_space<semaphore_mem>>) src(%arg6 : memref<640xf32, #tpu.memory_space<vmem>>) dst(%dma_wait3A_48 : memref<640xf32, #tpu.memory_space<vmem_shared>>)
      tpu.yield
    }) : () -> ()
    %barrier3A = arith.constant 0 : index
    tpu.barrier barrier_id(%barrier3A)
    "tpu.region"() ({
      %run_scoped3A = tpu.sem_alloc : memref<!tpu.dma_semaphore, #tpu.memory_space<semaphore_mem>>
      %dma_start3A = arith.constant 0 : i32
      %dma_start3A_46 = arith.constant 0 : i32
      %dma_start3A_47 = tpu.memref_slice %arg2[%arg0, %arg1, %dma_start3A, %dma_start3A_46] : memref<2x16x125x80xi32, #tpu.memory_space<hbm>> -> memref<1x1x125x80xi32, #tpu.memory_space<hbm>>
      %dma_start3A_48 = tpu.memref_squeeze %dma_start3A_47 : memref<1x1x125x80xi32, #tpu.memory_space<hbm>> -> memref<125x80xi32, #tpu.memory_space<hbm>>
      %dma_start3A_49 = arith.constant 0 : i32
      %dma_start3A_50 = arith.constant 0 : i32
      %dma_start3A_51 = tpu.memref_slice %arg2[%arg0, %arg1, %dma_start3A_49, %dma_start3A_50] : memref<2x16x125x80xi32, #tpu.memory_space<hbm>> -> memref<1x1x125x80xi32, #tpu.memory_space<hbm>>
      %dma_start3A_52 = tpu.memref_squeeze %dma_start3A_51 : memref<1x1x125x80xi32, #tpu.memory_space<hbm>> -> memref<125x80xi32, #tpu.memory_space<hbm>>
      tpu.enqueue_dma source(%dma_start3A_52 : memref<125x80xi32, #tpu.memory_space<hbm>>) target(%arg4 : memref<125x80xi32, #tpu.memory_space<vmem>>) target_semaphore(%run_scoped3A : memref<!tpu.dma_semaphore, #tpu.memory_space<semaphore_mem>>)
      %dma_wait3A_53 = arith.constant 0 : i32
      %dma_wait3A_54 = arith.constant 0 : i32
      %dma_wait3A_55 = tpu.memref_slice %arg2[%arg0, %arg1, %dma_wait3A_53, %dma_wait3A_54] : memref<2x16x125x80xi32, #tpu.memory_space<hbm>> -> memref<1x1x125x80xi32, #tpu.memory_space<hbm>>
      %dma_wait3A_56 = tpu.memref_squeeze %dma_wait3A_55 : memref<1x1x125x80xi32, #tpu.memory_space<hbm>> -> memref<125x80xi32, #tpu.memory_space<hbm>>
      %dma_wait3A_57 = arith.constant 0 : i32
      %dma_wait3A_58 = arith.constant 0 : i32
      %dma_wait3A_59 = tpu.memref_slice %arg2[%arg0, %arg1, %dma_wait3A_57, %dma_wait3A_58] : memref<2x16x125x80xi32, #tpu.memory_space<hbm>> -> memref<1x1x125x80xi32, #tpu.memory_space<hbm>>
      %dma_wait3A_60 = tpu.memref_squeeze %dma_wait3A_59 : memref<1x1x125x80xi32, #tpu.memory_space<hbm>> -> memref<125x80xi32, #tpu.memory_space<hbm>>
      tpu.wait_dma2 semaphore(%run_scoped3A : memref<!tpu.dma_semaphore, #tpu.memory_space<semaphore_mem>>) src(%dma_wait3A_60 : memref<125x80xi32, #tpu.memory_space<hbm>>) dst(%arg4 : memref<125x80xi32, #tpu.memory_space<vmem>>)
      tpu.yield
    }) : () -> ()
    %scan3A_12 = arith.constant 0 : i32
    %scan3A_13 = arith.constant 0 : i32
    %scan3A_14 = arith.constant 125 : i32
    %scan3A_15 = arith.addi %scan3A_13, %scan3A_14 : i32
    %scan3A_16 = arith.constant 1 : i32
    scf.for %scan3A_46 = %scan3A_13 to %scan3A_15 step %scan3A_16  : i32 {
      %dma_start3A = arith.constant 0 : i32
      %dma_start3A_47 = tpu.memref_slice %arg4[%scan3A_46, %dma_start3A] : memref<125x80xi32, #tpu.memory_space<vmem>> -> memref<1x80xi32, #tpu.memory_space<vmem>>
      %dma_start3A_48 = tpu.memref_squeeze %dma_start3A_47 : memref<1x80xi32, #tpu.memory_space<vmem>> -> memref<80xi32, #tpu.memory_space<vmem>>
      %dma_start3A_49 = arith.constant 0 : i32
      %dma_start3A_50 = tpu.memref_slice %arg7[%dma_start3A_49] : memref<10240xf32, #tpu.memory_space<vmem_shared>> -> memref<10240xf32, #tpu.memory_space<vmem_shared>>
      tpu.enqueue_indirect_dma source(%arg5 : memref<80xf32, #tpu.memory_space<vmem>>) target(%dma_start3A_50 : memref<10240xf32, #tpu.memory_space<vmem_shared>>) offsets(%dma_start3A_48 : memref<80xi32, #tpu.memory_space<vmem>>) semaphore(%arg8 : memref<!tpu.dma_semaphore, #tpu.memory_space<semaphore_mem>>) {add = true}
      %ge3A = arith.constant 4 : i32
      %ge3A_51 = arith.cmpi sge, %scan3A_46, %ge3A : i32
      %convert_element_type3A = arith.extui %ge3A_51 : i1 to i32
      %cond3A = arith.constant 0 : i32
      %cond3A_52 = arith.cmpi ne, %convert_element_type3A, %cond3A : i32
      scf.if %cond3A_52 {
        %dma_wait3A_53 = arith.constant 0 : i32
        %dma_wait3A_54 = arith.constant 0 : i32
        %dma_wait3A_55 = tpu.memref_slice %arg4[%dma_wait3A_53, %dma_wait3A_54] : memref<125x80xi32, #tpu.memory_space<vmem>> -> memref<1x80xi32, #tpu.memory_space<vmem>>
        %dma_wait3A_56 = tpu.memref_squeeze %dma_wait3A_55 : memref<1x80xi32, #tpu.memory_space<vmem>> -> memref<80xi32, #tpu.memory_space<vmem>>
        %dma_wait3A_57 = arith.constant 0 : i32
        %dma_wait3A_58 = tpu.memref_slice %arg7[%dma_wait3A_57] : memref<10240xf32, #tpu.memory_space<vmem_shared>> -> memref<10240xf32, #tpu.memory_space<vmem_shared>>
        tpu.wait_indirect_dma semaphore(%arg8 : memref<!tpu.dma_semaphore, #tpu.memory_space<semaphore_mem>>) src(%arg5 : memref<80xf32, #tpu.memory_space<vmem>>) dst(%dma_wait3A_58 : memref<10240xf32, #tpu.memory_space<vmem_shared>>)
      } else {
      }
    }
    %scan3A_17 = arith.constant 125 : i32
    %dma_wait3A = arith.constant 0 : i32
    %dma_wait3A_18 = arith.constant 0 : i32
    %dma_wait3A_19 = tpu.memref_slice %arg4[%dma_wait3A, %dma_wait3A_18] : memref<125x80xi32, #tpu.memory_space<vmem>> -> memref<1x80xi32, #tpu.memory_space<vmem>>
    %dma_wait3A_20 = tpu.memref_squeeze %dma_wait3A_19 : memref<1x80xi32, #tpu.memory_space<vmem>> -> memref<80xi32, #tpu.memory_space<vmem>>
    %dma_wait3A_21 = arith.constant 0 : i32
    %dma_wait3A_22 = tpu.memref_slice %arg7[%dma_wait3A_21] : memref<10240xf32, #tpu.memory_space<vmem_shared>> -> memref<10240xf32, #tpu.memory_space<vmem_shared>>
    tpu.wait_indirect_dma semaphore(%arg8 : memref<!tpu.dma_semaphore, #tpu.memory_space<semaphore_mem>>) src(%arg5 : memref<80xf32, #tpu.memory_space<vmem>>) dst(%dma_wait3A_22 : memref<10240xf32, #tpu.memory_space<vmem_shared>>)
    %dma_wait3A_23 = arith.constant 0 : i32
    %dma_wait3A_24 = arith.constant 0 : i32
    %dma_wait3A_25 = tpu.memref_slice %arg4[%dma_wait3A_23, %dma_wait3A_24] : memref<125x80xi32, #tpu.memory_space<vmem>> -> memref<1x80xi32, #tpu.memory_space<vmem>>
    %dma_wait3A_26 = tpu.memref_squeeze %dma_wait3A_25 : memref<1x80xi32, #tpu.memory_space<vmem>> -> memref<80xi32, #tpu.memory_space<vmem>>
    %dma_wait3A_27 = arith.constant 0 : i32
    %dma_wait3A_28 = tpu.memref_slice %arg7[%dma_wait3A_27] : memref<10240xf32, #tpu.memory_space<vmem_shared>> -> memref<10240xf32, #tpu.memory_space<vmem_shared>>
    tpu.wait_indirect_dma semaphore(%arg8 : memref<!tpu.dma_semaphore, #tpu.memory_space<semaphore_mem>>) src(%arg5 : memref<80xf32, #tpu.memory_space<vmem>>) dst(%dma_wait3A_28 : memref<10240xf32, #tpu.memory_space<vmem_shared>>)
    %dma_wait3A_29 = arith.constant 0 : i32
    %dma_wait3A_30 = arith.constant 0 : i32
    %dma_wait3A_31 = tpu.memref_slice %arg4[%dma_wait3A_29, %dma_wait3A_30] : memref<125x80xi32, #tpu.memory_space<vmem>> -> memref<1x80xi32, #tpu.memory_space<vmem>>
    %dma_wait3A_32 = tpu.memref_squeeze %dma_wait3A_31 : memref<1x80xi32, #tpu.memory_space<vmem>> -> memref<80xi32, #tpu.memory_space<vmem>>
    %dma_wait3A_33 = arith.constant 0 : i32
    %dma_wait3A_34 = tpu.memref_slice %arg7[%dma_wait3A_33] : memref<10240xf32, #tpu.memory_space<vmem_shared>> -> memref<10240xf32, #tpu.memory_space<vmem_shared>>
    tpu.wait_indirect_dma semaphore(%arg8 : memref<!tpu.dma_semaphore, #tpu.memory_space<semaphore_mem>>) src(%arg5 : memref<80xf32, #tpu.memory_space<vmem>>) dst(%dma_wait3A_34 : memref<10240xf32, #tpu.memory_space<vmem_shared>>)
    %dma_wait3A_35 = arith.constant 0 : i32
    %dma_wait3A_36 = arith.constant 0 : i32
    %dma_wait3A_37 = tpu.memref_slice %arg4[%dma_wait3A_35, %dma_wait3A_36] : memref<125x80xi32, #tpu.memory_space<vmem>> -> memref<1x80xi32, #tpu.memory_space<vmem>>
    %dma_wait3A_38 = tpu.memref_squeeze %dma_wait3A_37 : memref<1x80xi32, #tpu.memory_space<vmem>> -> memref<80xi32, #tpu.memory_space<vmem>>
    %dma_wait3A_39 = arith.constant 0 : i32
    %dma_wait3A_40 = tpu.memref_slice %arg7[%dma_wait3A_39] : memref<10240xf32, #tpu.memory_space<vmem_shared>> -> memref<10240xf32, #tpu.memory_space<vmem_shared>>
    tpu.wait_indirect_dma semaphore(%arg8 : memref<!tpu.dma_semaphore, #tpu.memory_space<semaphore_mem>>) src(%arg5 : memref<80xf32, #tpu.memory_space<vmem>>) dst(%dma_wait3A_40 : memref<10240xf32, #tpu.memory_space<vmem_shared>>)
    %barrier3A_41 = arith.constant 0 : index
    tpu.barrier barrier_id(%barrier3A_41)
    %mul3A_42 = arith.constant 640 : i32
    %mul3A_43 = arith.muli %arg1, %mul3A_42 : i32
    "tpu.region"() ({
      %run_scoped3A = tpu.sem_alloc : memref<!tpu.dma_semaphore, #tpu.memory_space<semaphore_mem>>
      %dma_start3A = tpu.memref_slice %arg7[%mul3A_43] : memref<10240xf32, #tpu.memory_space<vmem_shared>> -> memref<640xf32, #tpu.memory_space<vmem_shared>>
      %dma_start3A_46 = tpu.memref_slice %arg7[%mul3A_43] : memref<10240xf32, #tpu.memory_space<vmem_shared>> -> memref<640xf32, #tpu.memory_space<vmem_shared>>
      tpu.enqueue_dma source(%dma_start3A_46 : memref<640xf32, #tpu.memory_space<vmem_shared>>) target(%arg6 : memref<640xf32, #tpu.memory_space<vmem>>) target_semaphore(%run_scoped3A : memref<!tpu.dma_semaphore, #tpu.memory_space<semaphore_mem>>)
      %dma_wait3A_47 = tpu.memref_slice %arg7[%mul3A_43] : memref<10240xf32, #tpu.memory_space<vmem_shared>> -> memref<640xf32, #tpu.memory_space<vmem_shared>>
      %dma_wait3A_48 = tpu.memref_slice %arg7[%mul3A_43] : memref<10240xf32, #tpu.memory_space<vmem_shared>> -> memref<640xf32, #tpu.memory_space<vmem_shared>>
      tpu.wait_dma2 semaphore(%run_scoped3A : memref<!tpu.dma_semaphore, #tpu.memory_space<semaphore_mem>>) src(%dma_wait3A_48 : memref<640xf32, #tpu.memory_space<vmem_shared>>) dst(%arg6 : memref<640xf32, #tpu.memory_space<vmem>>)
      tpu.yield
    }) : () -> ()
    %mul3A_44 = arith.constant 640 : i32
    %mul3A_45 = arith.muli %arg1, %mul3A_44 : i32
    "tpu.region"() ({
      %run_scoped3A = tpu.sem_alloc : memref<!tpu.dma_semaphore, #tpu.memory_space<semaphore_mem>>
      %dma_start3A = tpu.memref_slice %arg3[%arg0, %mul3A_45] : memref<2x10240xf32, #tpu.memory_space<hbm>> -> memref<1x640xf32, #tpu.memory_space<hbm>>
      %dma_start3A_46 = tpu.memref_squeeze %dma_start3A : memref<1x640xf32, #tpu.memory_space<hbm>> -> memref<640xf32, #tpu.memory_space<hbm>>
      %dma_start3A_47 = tpu.memref_slice %arg3[%arg0, %mul3A_45] : memref<2x10240xf32, #tpu.memory_space<hbm>> -> memref<1x640xf32, #tpu.memory_space<hbm>>
      %dma_start3A_48 = tpu.memref_squeeze %dma_start3A_47 : memref<1x640xf32, #tpu.memory_space<hbm>> -> memref<640xf32, #tpu.memory_space<hbm>>
      tpu.enqueue_dma source(%arg6 : memref<640xf32, #tpu.memory_space<vmem>>) target(%dma_start3A_48 : memref<640xf32, #tpu.memory_space<hbm>>) target_semaphore(%run_scoped3A : memref<!tpu.dma_semaphore, #tpu.memory_space<semaphore_mem>>)
      %dma_wait3A_49 = tpu.memref_slice %arg3[%arg0, %mul3A_45] : memref<2x10240xf32, #tpu.memory_space<hbm>> -> memref<1x640xf32, #tpu.memory_space<hbm>>
      %dma_wait3A_50 = tpu.memref_squeeze %dma_wait3A_49 : memref<1x640xf32, #tpu.memory_space<hbm>> -> memref<640xf32, #tpu.memory_space<hbm>>
      %dma_wait3A_51 = tpu.memref_slice %arg3[%arg0, %mul3A_45] : memref<2x10240xf32, #tpu.memory_space<hbm>> -> memref<1x640xf32, #tpu.memory_space<hbm>>
      %dma_wait3A_52 = tpu.memref_squeeze %dma_wait3A_51 : memref<1x640xf32, #tpu.memory_space<hbm>> -> memref<640xf32, #tpu.memory_space<hbm>>
      tpu.wait_dma2 semaphore(%run_scoped3A : memref<!tpu.dma_semaphore, #tpu.memory_space<semaphore_mem>>) src(%arg6 : memref<640xf32, #tpu.memory_space<vmem>>) dst(%dma_wait3A_52 : memref<640xf32, #tpu.memory_space<hbm>>)
      tpu.yield
    }) : () -> ()
    return
  }
}

module attributes {stable_mosaic.version = 14 : i64} {
  func.func @_tc_a_body(%arg0: i32, %arg1: memref<2048x128xf32, #tpu.memory_space<vmem>>, %arg2: memref<128x128xf32, #tpu.memory_space<vmem>>, %arg3: memref<2048x1xf32, #tpu.memory_space<vmem>>, %arg4: memref<2048x1xf32, #tpu.memory_space<vmem>>, %arg5: memref<2048x128xf32, #tpu.memory_space<vmem>>, %arg6: memref<2048x1xf32, #tpu.memory_space<vmem>>) attributes {dimension_semantics = [#tpu.dimension_semantics<arbitrary>], iteration_bounds = array<i64: 5>, scalar_prefetch = 0 : i64, scratch_operands = 0 : i64, tpu.core_type = #tpu.core_type<tc>, window_params = [{transform_indices = @transform_0, window_bounds = array<i64: 2048, 128>}, {pipeline_mode = #tpu.pipeline_mode<synchronous>, transform_indices = @transform_1, window_bounds = array<i64: 128, 128>}, {transform_indices = @transform_2, window_bounds = array<i64: 2048, 1>}, {transform_indices = @transform_3, window_bounds = array<i64: 2048, 1>}, {transform_indices = @transform_4, window_bounds = array<i64: 2048, 128>}, {transform_indices = @transform_5, window_bounds = array<i64: 2048, 1>}]} {
    %get3A = arith.constant 0 : index
    %get3A_0 = arith.constant 0 : index
    %get3A_1 = vector.load %arg3[%get3A, %get3A_0] : memref<2048x1xf32, #tpu.memory_space<vmem>>, vector<2048x1xf32>
    %add3A = arith.constant 1.000000e+00 : f32
    %add3A_2 = vector.broadcast %add3A : f32 to vector<2048x1xf32>
    %add3A_3 = arith.addf %add3A_2, %get3A_1 : vector<2048x1xf32>
    %get3A_4 = arith.constant 0 : index
    %get3A_5 = arith.constant 0 : index
    %get3A_6 = vector.load %arg4[%get3A_4, %get3A_5] : memref<2048x1xf32, #tpu.memory_space<vmem>>, vector<2048x1xf32>
    %add3A_7 = arith.addf %add3A_3, %get3A_6 : vector<2048x1xf32>
    %rsqrt3A = math.rsqrt %add3A_7 : vector<2048x1xf32>
    %swap3A = arith.constant 0 : index
    %swap3A_8 = arith.constant 0 : index
    %swap3A_9 = vector.load %arg6[%swap3A, %swap3A_8] : memref<2048x1xf32, #tpu.memory_space<vmem>>, vector<2048x1xf32>
    tpu.vector_store %arg6[%swap3A, %swap3A_8], %rsqrt3A {strides = array<i32>} : memref<2048x1xf32, #tpu.memory_space<vmem>>, vector<2048x1xf32>,
    %get3A_10 = arith.constant 0 : index
    %get3A_11 = arith.constant 0 : index
    %get3A_12 = vector.load %arg1[%get3A_10, %get3A_11] : memref<2048x128xf32, #tpu.memory_space<vmem>>, vector<2048x128xf32>
    %get3A_13 = arith.constant 0 : index
    %get3A_14 = arith.constant 0 : index
    %get3A_15 = vector.load %arg2[%get3A_13, %get3A_14] : memref<128x128xf32, #tpu.memory_space<vmem>>, vector<128x128xf32>
    %dot_general3A = arith.constant dense<0.000000e+00> : vector<2048x128xf32>
    %dot_general3A_16 = tpu.matmul %get3A_12, %get3A_15, %dot_general3A {dimension_numbers = #tpu.dot_dimension_numbers<[1], [0], [0], [1], [0, 0, 1, 1], [], []>, transpose_lhs_hint = false} : vector<2048x128xf32>, vector<128x128xf32>, vector<2048x128xf32> -> vector<2048x128xf32>
    %mul3A = vector.broadcast %rsqrt3A : vector<2048x1xf32> to vector<2048x128xf32>
    %mul3A_17 = arith.mulf %dot_general3A_16, %mul3A : vector<2048x128xf32>
    %swap3A_18 = arith.constant 0 : index
    %swap3A_19 = arith.constant 0 : index
    %swap3A_20 = vector.load %arg5[%swap3A_18, %swap3A_19] : memref<2048x128xf32, #tpu.memory_space<vmem>>, vector<2048x128xf32>
    tpu.vector_store %arg5[%swap3A_18, %swap3A_19], %mul3A_17 {strides = array<i32>} : memref<2048x128xf32, #tpu.memory_space<vmem>>, vector<2048x128xf32>,
    return
  }
  func.func @transform_0(%arg0: i32) -> (i32, i32) {
    %c0_i32 = arith.constant 0 : i32
    %c0_i32_0 = arith.constant 0 : i32
    return %arg0, %c0_i32 : i32, i32
  }
  func.func @transform_1(%arg0: i32) -> (i32, i32) {
    %c0_i32 = arith.constant 0 : i32
    %c0_i32_0 = arith.constant 0 : i32
    %c0_i32_1 = arith.constant 0 : i32
    return %c0_i32, %c0_i32_0 : i32, i32
  }
  func.func @transform_2(%arg0: i32) -> (i32, i32) {
    %c0_i32 = arith.constant 0 : i32
    %c0_i32_0 = arith.constant 0 : i32
    return %arg0, %c0_i32 : i32, i32
  }
  func.func @transform_3(%arg0: i32) -> (i32, i32) {
    %c0_i32 = arith.constant 0 : i32
    %c0_i32_0 = arith.constant 0 : i32
    return %arg0, %c0_i32 : i32, i32
  }
  func.func @transform_4(%arg0: i32) -> (i32, i32) {
    %c0_i32 = arith.constant 0 : i32
    %c0_i32_0 = arith.constant 0 : i32
    return %arg0, %c0_i32 : i32, i32
  }
  func.func @transform_5(%arg0: i32) -> (i32, i32) {
    %c0_i32 = arith.constant 0 : i32
    %c0_i32_0 = arith.constant 0 : i32
    return %arg0, %c0_i32 : i32, i32
  }
}

module attributes {stable_mosaic.version = 14 : i64} {
  func.func @_tc_b_body(%arg0: i32, %arg1: memref<1x2048x128xf32, #tpu.memory_space<vmem>>, %arg2: memref<1x2048x128xf32, #tpu.memory_space<vmem>>, %arg3: memref<2048x128xf32, #tpu.memory_space<vmem>>, %arg4: memref<2048x1xf32, #tpu.memory_space<vmem>>, %arg5: memref<128xf32, #tpu.memory_space<vmem>>, %arg6: memref<2048x128xf32, #tpu.memory_space<vmem>>) attributes {dimension_semantics = [#tpu.dimension_semantics<arbitrary>], iteration_bounds = array<i64: 5>, scalar_prefetch = 0 : i64, scratch_operands = 0 : i64, tpu.core_type = #tpu.core_type<tc>, window_params = [{transform_indices = @transform_0, window_bounds = array<i64: 1, 2048, 128>}, {transform_indices = @transform_1, window_bounds = array<i64: 1, 2048, 128>}, {transform_indices = @transform_2, window_bounds = array<i64: 2048, 128>}, {transform_indices = @transform_3, window_bounds = array<i64: 2048, 1>}, {pipeline_mode = #tpu.pipeline_mode<synchronous>, transform_indices = @transform_4, window_bounds = array<i64: 128>}, {transform_indices = @transform_5, window_bounds = array<i64: 2048, 128>}]} {
    %get3A = arith.constant 0 : index
    %get3A_0 = arith.constant 0 : index
    %get3A_1 = arith.constant 0 : index
    %get3A_2 = vector.load %arg1[%get3A, %get3A_0, %get3A_1] : memref<1x2048x128xf32, #tpu.memory_space<vmem>>, vector<1x2048x128xf32>
    %get3A_3 = vector.shape_cast %get3A_2 : vector<1x2048x128xf32> to vector<2048x128xf32>
    %get3A_4 = arith.constant 0 : index
    %get3A_5 = arith.constant 0 : index
    %get3A_6 = arith.constant 0 : index
    %get3A_7 = vector.load %arg2[%get3A_4, %get3A_5, %get3A_6] : memref<1x2048x128xf32, #tpu.memory_space<vmem>>, vector<1x2048x128xf32>
    %get3A_8 = vector.shape_cast %get3A_7 : vector<1x2048x128xf32> to vector<2048x128xf32>
    %add3A = arith.addf %get3A_3, %get3A_8 : vector<2048x128xf32>
    %get3A_9 = arith.constant 0 : index
    %get3A_10 = arith.constant 0 : index
    %get3A_11 = vector.load %arg3[%get3A_9, %get3A_10] : memref<2048x128xf32, #tpu.memory_space<vmem>>, vector<2048x128xf32>
    %add3A_12 = arith.addf %add3A, %get3A_11 : vector<2048x128xf32>
    %get3A_13 = arith.constant 0 : index
    %get3A_14 = arith.constant 0 : index
    %get3A_15 = vector.load %arg4[%get3A_13, %get3A_14] : memref<2048x1xf32, #tpu.memory_space<vmem>>, vector<2048x1xf32>
    %mul3A = vector.broadcast %get3A_15 : vector<2048x1xf32> to vector<2048x128xf32>
    %mul3A_16 = arith.mulf %add3A_12, %mul3A : vector<2048x128xf32>
    %get3A_17 = arith.constant 0 : index
    %get3A_18 = vector.load %arg5[%get3A_17] : memref<128xf32, #tpu.memory_space<vmem>>, vector<128xf32>
    %broadcast_in_dim3A = vector.shape_cast %get3A_18 : vector<128xf32> to vector<1x128xf32>
    %add3A_19 = vector.broadcast %broadcast_in_dim3A : vector<1x128xf32> to vector<2048x128xf32>
    %add3A_20 = arith.addf %mul3A_16, %add3A_19 : vector<2048x128xf32>
    %max3A = arith.constant 0.000000e+00 : f32
    %max3A_21 = vector.broadcast %max3A : f32 to vector<2048x128xf32>
    %max3A_22 = arith.maximumf %add3A_20, %max3A_21 : vector<2048x128xf32>
    %get3A_23 = arith.constant 0 : index
    %get3A_24 = arith.constant 0 : index
    %get3A_25 = vector.load %arg4[%get3A_23, %get3A_24] : memref<2048x1xf32, #tpu.memory_space<vmem>>, vector<2048x1xf32>
    %mul3A_26 = vector.broadcast %get3A_25 : vector<2048x1xf32> to vector<2048x128xf32>
    %mul3A_27 = arith.mulf %max3A_22, %mul3A_26 : vector<2048x128xf32>
    %swap3A = arith.constant 0 : index
    %swap3A_28 = arith.constant 0 : index
    %swap3A_29 = vector.load %arg6[%swap3A, %swap3A_28] : memref<2048x128xf32, #tpu.memory_space<vmem>>, vector<2048x128xf32>
    tpu.vector_store %arg6[%swap3A, %swap3A_28], %mul3A_27 {strides = array<i32>} : memref<2048x128xf32, #tpu.memory_space<vmem>>, vector<2048x128xf32>,
    return
  }
  func.func @transform_0(%arg0: i32) -> (i32, i32, i32) {
    %c0_i32 = arith.constant 0 : i32
    %c0_i32_0 = arith.constant 0 : i32
    %c0_i32_1 = arith.constant 0 : i32
    return %c0_i32, %arg0, %c0_i32_0 : i32, i32, i32
  }
  func.func @transform_1(%arg0: i32) -> (i32, i32, i32) {
    %c1_i32 = arith.constant 1 : i32
    %c0_i32 = arith.constant 0 : i32
    %c0_i32_0 = arith.constant 0 : i32
    return %c1_i32, %arg0, %c0_i32 : i32, i32, i32
  }
  func.func @transform_2(%arg0: i32) -> (i32, i32) {
    %c0_i32 = arith.constant 0 : i32
    %c0_i32_0 = arith.constant 0 : i32
    return %arg0, %c0_i32 : i32, i32
  }
  func.func @transform_3(%arg0: i32) -> (i32, i32) {
    %c0_i32 = arith.constant 0 : i32
    %c0_i32_0 = arith.constant 0 : i32
    return %arg0, %c0_i32 : i32, i32
  }
  func.func @transform_4(%arg0: i32) -> i32 {
    %c0_i32 = arith.constant 0 : i32
    %c0_i32_0 = arith.constant 0 : i32
    return %c0_i32 : i32
  }
  func.func @transform_5(%arg0: i32) -> (i32, i32) {
    %c0_i32 = arith.constant 0 : i32
    %c0_i32_0 = arith.constant 0 : i32
    return %arg0, %c0_i32 : i32, i32
  }
}

module attributes {stable_mosaic.version = 14 : i64} {
  func.func @_tc_c_body(%arg0: i32, %arg1: memref<1x2048x128xf32, #tpu.memory_space<vmem>>, %arg2: memref<1x2048x128xf32, #tpu.memory_space<vmem>>, %arg3: memref<2048x128xf32, #tpu.memory_space<vmem>>, %arg4: memref<2048x1xf32, #tpu.memory_space<vmem>>, %arg5: memref<128x7xf32, #tpu.memory_space<vmem>>, %arg6: memref<7xf32, #tpu.memory_space<vmem>>, %arg7: memref<2048x7xf32, #tpu.memory_space<vmem>>) attributes {dimension_semantics = [#tpu.dimension_semantics<arbitrary>], iteration_bounds = array<i64: 5>, scalar_prefetch = 0 : i64, scratch_operands = 0 : i64, tpu.core_type = #tpu.core_type<tc>, window_params = [{transform_indices = @transform_0, window_bounds = array<i64: 1, 2048, 128>}, {transform_indices = @transform_1, window_bounds = array<i64: 1, 2048, 128>}, {transform_indices = @transform_2, window_bounds = array<i64: 2048, 128>}, {transform_indices = @transform_3, window_bounds = array<i64: 2048, 1>}, {pipeline_mode = #tpu.pipeline_mode<synchronous>, transform_indices = @transform_4, window_bounds = array<i64: 128, 7>}, {pipeline_mode = #tpu.pipeline_mode<synchronous>, transform_indices = @transform_5, window_bounds = array<i64: 7>}, {transform_indices = @transform_6, window_bounds = array<i64: 2048, 7>}]} {
    %get3A = arith.constant 0 : index
    %get3A_0 = arith.constant 0 : index
    %get3A_1 = arith.constant 0 : index
    %get3A_2 = vector.load %arg1[%get3A, %get3A_0, %get3A_1] : memref<1x2048x128xf32, #tpu.memory_space<vmem>>, vector<1x2048x128xf32>
    %get3A_3 = vector.shape_cast %get3A_2 : vector<1x2048x128xf32> to vector<2048x128xf32>
    %get3A_4 = arith.constant 0 : index
    %get3A_5 = arith.constant 0 : index
    %get3A_6 = arith.constant 0 : index
    %get3A_7 = vector.load %arg2[%get3A_4, %get3A_5, %get3A_6] : memref<1x2048x128xf32, #tpu.memory_space<vmem>>, vector<1x2048x128xf32>
    %get3A_8 = vector.shape_cast %get3A_7 : vector<1x2048x128xf32> to vector<2048x128xf32>
    %add3A = arith.addf %get3A_3, %get3A_8 : vector<2048x128xf32>
    %get3A_9 = arith.constant 0 : index
    %get3A_10 = arith.constant 0 : index
    %get3A_11 = vector.load %arg3[%get3A_9, %get3A_10] : memref<2048x128xf32, #tpu.memory_space<vmem>>, vector<2048x128xf32>
    %add3A_12 = arith.addf %add3A, %get3A_11 : vector<2048x128xf32>
    %get3A_13 = arith.constant 0 : index
    %get3A_14 = arith.constant 0 : index
    %get3A_15 = vector.load %arg4[%get3A_13, %get3A_14] : memref<2048x1xf32, #tpu.memory_space<vmem>>, vector<2048x1xf32>
    %mul3A = vector.broadcast %get3A_15 : vector<2048x1xf32> to vector<2048x128xf32>
    %mul3A_16 = arith.mulf %add3A_12, %mul3A : vector<2048x128xf32>
    %get3A_17 = arith.constant 0 : index
    %get3A_18 = arith.constant 0 : index
    %get3A_19 = vector.load %arg5[%get3A_17, %get3A_18] : memref<128x7xf32, #tpu.memory_space<vmem>>, vector<128x7xf32>
    %dot_general3A = arith.constant dense<0.000000e+00> : vector<2048x7xf32>
    %dot_general3A_20 = tpu.matmul %mul3A_16, %get3A_19, %dot_general3A {dimension_numbers = #tpu.dot_dimension_numbers<[1], [0], [0], [1], [0, 0, 1, 1], [], []>, transpose_lhs_hint = false} : vector<2048x128xf32>, vector<128x7xf32>, vector<2048x7xf32> -> vector<2048x7xf32>
    %get3A_21 = arith.constant 0 : index
    %get3A_22 = vector.load %arg6[%get3A_21] : memref<7xf32, #tpu.memory_space<vmem>>, vector<7xf32>
    %broadcast_in_dim3A = vector.shape_cast %get3A_22 : vector<7xf32> to vector<1x7xf32>
    %add3A_23 = vector.broadcast %broadcast_in_dim3A : vector<1x7xf32> to vector<2048x7xf32>
    %add3A_24 = arith.addf %dot_general3A_20, %add3A_23 : vector<2048x7xf32>
    %swap3A = arith.constant 0 : index
    %swap3A_25 = arith.constant 0 : index
    %swap3A_26 = vector.load %arg7[%swap3A, %swap3A_25] : memref<2048x7xf32, #tpu.memory_space<vmem>>, vector<2048x7xf32>
    tpu.vector_store %arg7[%swap3A, %swap3A_25], %add3A_24 {strides = array<i32>} : memref<2048x7xf32, #tpu.memory_space<vmem>>, vector<2048x7xf32>,
    return
  }
  func.func @transform_0(%arg0: i32) -> (i32, i32, i32) {
    %c0_i32 = arith.constant 0 : i32
    %c0_i32_0 = arith.constant 0 : i32
    %c0_i32_1 = arith.constant 0 : i32
    return %c0_i32, %arg0, %c0_i32_0 : i32, i32, i32
  }
  func.func @transform_1(%arg0: i32) -> (i32, i32, i32) {
    %c1_i32 = arith.constant 1 : i32
    %c0_i32 = arith.constant 0 : i32
    %c0_i32_0 = arith.constant 0 : i32
    return %c1_i32, %arg0, %c0_i32 : i32, i32, i32
  }
  func.func @transform_2(%arg0: i32) -> (i32, i32) {
    %c0_i32 = arith.constant 0 : i32
    %c0_i32_0 = arith.constant 0 : i32
    return %arg0, %c0_i32 : i32, i32
  }
  func.func @transform_3(%arg0: i32) -> (i32, i32) {
    %c0_i32 = arith.constant 0 : i32
    %c0_i32_0 = arith.constant 0 : i32
    return %arg0, %c0_i32 : i32, i32
  }
  func.func @transform_4(%arg0: i32) -> (i32, i32) {
    %c0_i32 = arith.constant 0 : i32
    %c0_i32_0 = arith.constant 0 : i32
    %c0_i32_1 = arith.constant 0 : i32
    return %c0_i32, %c0_i32_0 : i32, i32
  }
  func.func @transform_5(%arg0: i32) -> i32 {
    %c0_i32 = arith.constant 0 : i32
    %c0_i32_0 = arith.constant 0 : i32
    return %c0_i32 : i32
  }
  func.func @transform_6(%arg0: i32) -> (i32, i32) {
    %c0_i32 = arith.constant 0 : i32
    %c0_i32_0 = arith.constant 0 : i32
    return %arg0, %c0_i32 : i32, i32
  }
}

</mosaic_0001>

<sc_bundles>
// kernel: kernel.11.cloned.1.call-start
scs
__scs_entry_jumppad:
0x0: {  	(pc) =	sbr.rel $0x88, $3  }
0x1: {  	(tag) =	ssettag $0x0;
	lr =	simm.s32 $0x1  }
0x2: {  	[smem:$0x3F9B] =	sst lr;
	_ =	strace $0xD0000000  }
0x3: {  	_ = 	snop  }
0x4: {  	_ = 	snop  }
0x5: {  	_ = 	snop  }
0x6: {  	_ = 	snop  }
0x7: {  	_ = 	snop  }
__scs_overlays_trampoline_lowered:
0x8: {  	[smem:$0x3FAA] =	sst s0  }
0x9: {  	[smem:$0x3FAB] =	sst s1  }
0xa: {  	[smem:$0x3FAC] =	sst s2  }
0xb: {  	[smem:$0x3FAD] =	sst s3  }
0xc: {  	[smem:$0x3FAE] =	sst s4  }
0xd: {  	[smem:$0x3FAF] =	sst s5  }
0xe: {  	[smem:$0x3FB0] =	sst s6  }
0xf: {  	[smem:$0x3FB1] =	sst s7  }
0x10: {  	[smem:$0x3FB2] =	sst s8  }
0x11: {  	[smem:$0x3FB3] =	sst s9;
	s0 =	simm.s32 @!p0 $0x0  }
0x12: {  	s1 =	sld [smem:$0x3F99];
	s0 =	simm.s32 @p0 $0x1  }
0x13: {  	[smem:$0x3FB4] =	sst s0;
	s0 =	simm.s32 @!p1 $0x0  }
0x14: {  	s2 =	sld [smem:$0x3F98];
	s0 =	simm.s32 @p1 $0x1  }
0x15: {  	[smem:$0x3FB5] =	sst s0;
	s0 =	simm.s32 @!p2 $0x0  }
0x16: {  	s3 =	sld [smem:$0x3FDB];
	s0 =	simm.s32 @p2 $0x1  }
0x17: {  	s4 =	simm.s32 $0x1BF5;
	[smem:$0x3FB7] =	sst s0  }
0x18: {  	s0 =	sld [smem:$0x3F9A];
	_ =	swait.ge [sflag:s4], $0x0  }
0x19: {  	s7 =	sld [smem:$0x3F9B]  }
0x1a: {  	s8 =	sadd.s32 $0xFFFFE003, lr  }
0x1b: {  	s9 =	sadd.s32 $0xFFFFFEF7, lr;
	s5 =	simm.s32 $0xFFFFFFFF;
	p2 =	slt.u32 s8, $0xFFFFF086  }
0x1c: {  	p1 =	slt.u32 s9, $0xF7A;
	s5 =	simm.s32 @!p2 $0x0  }
0x1d: {  	s5 =	simm.s32 @p1 $0x1;
	p0 =	seq.s32 s7, s2  }
0x1e: {  	s7 =	smul.u32 @!p0 $0xF7A, s2;
	p2 =	seq.s32 @!p0 s5, $0x0  }
0x1f: {  	s9 =	smul.u32 $0xF7A, s1;
	s8 =	simm.s32 @!p0 $0x1BF5;
	p2 =	por !p2, p0  }
0x20: {  	[sflag:s8] =	ssyncset.s32 @!p0 $0xFFFFF086;
	s6 =	sadd.s32 @!p0 s3, s7;
	s7 =	simm.s32 @!p0 $0x108  }
0x21: {  	s3 =	sadd.s32 s3, s9;
	s6 =	sadd.s32 @!p0 $0x88, s6;
	s7 =	simm.s32 @p2 $0x1082  }
0x22: {  	[simem:s7], [sflag:s8] =	dma.local @!p0 [hbm:s6], $0xF7A  }
0x23: {  	s9 =	sor.u32 $0xD0000000, s2;
	s6 =	simm.s32 $0x108;
	_ =	swait.ge @!p0 [sflag:s8], $0x0  }
0x24: {  	s3 =	sadd.s32 $0x88, s3;
	s6 =	simm.s32 @!p1 $0x1082;
	[sflag:s4] =	ssyncset.s32 $0xFFFFF086  }
0x25: {  	[simem:s6], [sflag:s4] =	dma.local [hbm:s3], $0xF7A  }
0x26: {  	[smem:$0x3F9B] =	sst s1;
	(tag) =	ssettag s2;
	_ =	strace s9  }
0x27: {  	s1 =	sld [smem:$0x3FAB]  }
0x28: {  	s2 =	sld [smem:$0x3FAC]  }
0x29: {  	s4 =	sld [smem:$0x3FAE]  }
0x2a: {  	p0 =	seq.s32 s5, $0x0;
	s5 =	sld [smem:$0x3FAF]  }
0x2b: {  	s6 =	sld [smem:$0x3FB0]  }
0x2c: {  	s7 =	sld [smem:$0x3FB1]  }
0x2d: {  	s3 =	simm.s32 $0x108;
	s8 =	sld [smem:$0x3FB2]  }
0x2e: {  	s3 =	simm.s32 @!p0 $0x1082;
	s9 =	sld [smem:$0x3FB3]  }
0x2f: {  	lr =	sadd.s32 s0, s3;
	s0 =	sld [smem:$0x3FAA]  }
0x30: {  	s3 =	sld [smem:$0x3FAD]  }
0x31: {  	[smem:$0x3FB6] =	sst s10  }
0x32: {  	s10 =	sld [smem:$0x3FB4];
	_ =	sdelay $0x3  }
0x33: {  	p0 =	seq.s32 s10, $0x1;
	s10 =	sld [smem:$0x3FB6];
	_ =	sdelay $0x3  }
0x34: {  	[smem:$0x3FB6] =	sst s10  }
0x35: {  	s10 =	sld [smem:$0x3FB5];
	_ =	sdelay $0x3  }
0x36: {  	p1 =	seq.s32 s10, $0x1;
	s10 =	sld [smem:$0x3FB6];
	_ =	sdelay $0x3  }
0x37: {  	[smem:$0x3FB6] =	sst s10  }
0x38: {  	s10 =	sld [smem:$0x3FB7]  }
0x39: {  	_ = 	snop;
	(pc) =	sbr.ind lr, $3  }
0x3a: {  	_ = 	snop  }
0x3b: {  	_ = 	snop  }
0x3c: {  	p2 =	seq.s32 s10, $0x1;
	s10 =	sld [smem:$0x3FB6]  }
0x3d: {  	_ =	shalt  }
0x3e: {  	_ =	shalt  }
0x3f: {  	_ =	shalt  }
0x40: {  	_ =	shalt  }
0x41: {  	_ =	shalt  }
0x42: {  	_ =	shalt  }
0x43: {  	_ =	shalt  }
0x44: {  	_ =	shalt  }
0x45: {  	_ =	shalt  }
0x46: {  	_ =	shalt  }
0x47: {  	_ =	shalt  }
0x48: {  	_ =	shalt  }
0x49: {  	_ =	shalt  }
0x4a: {  	_ =	shalt  }
0x4b: {  	_ =	shalt  }
0x4c: {  	_ =	shalt  }
0x4d: {  	_ =	shalt  }
0x4e: {  	_ =	shalt  }
0x4f: {  	_ =	shalt  }
0x50: {  	_ =	shalt  }
0x51: {  	_ =	shalt  }
0x52: {  	_ =	shalt  }
0x53: {  	_ =	shalt  }
0x54: {  	_ =	shalt  }
0x55: {  	_ =	shalt  }
0x56: {  	_ =	shalt  }
0x57: {  	_ =	shalt  }
0x58: {  	_ =	shalt  }
0x59: {  	_ =	shalt  }
0x5a: {  	_ =	shalt  }
0x5b: {  	_ =	shalt  }
0x5c: {  	_ =	shalt  }
0x5d: {  	_ =	shalt  }
0x5e: {  	_ =	shalt  }
0x5f: {  	_ =	shalt  }
0x60: {  	_ =	shalt  }
0x61: {  	_ =	shalt  }
0x62: {  	_ =	shalt  }
0x63: {  	_ =	shalt  }
0x64: {  	_ =	shalt  }
0x65: {  	_ =	shalt  }
0x66: {  	_ =	shalt  }
0x67: {  	_ =	shalt  }
0x68: {  	_ =	shalt  }
0x69: {  	_ =	shalt  }
0x6a: {  	_ =	shalt  }
0x6b: {  	_ =	shalt  }
0x6c: {  	_ =	shalt  }
0x6d: {  	_ =	shalt  }
0x6e: {  	_ =	shalt  }
0x6f: {  	_ =	shalt  }
0x70: {  	_ =	shalt  }
0x71: {  	_ =	shalt  }
0x72: {  	_ =	shalt  }
0x73: {  	_ =	shalt  }
0x74: {  	_ =	shalt  }
0x75: {  	_ =	shalt  }
0x76: {  	_ =	shalt  }
0x77: {  	_ =	shalt  }
0x78: {  	_ =	shalt  }
0x79: {  	_ =	shalt  }
0x7a: {  	_ =	shalt  }
0x7b: {  	_ =	shalt  }
0x7c: {  	_ =	shalt  }
0x7d: {  	_ =	shalt  }
0x7e: {  	_ =	shalt  }
0x7f: {  	_ =	shalt  }
0x80: {  	_ =	shalt  }
0x81: {  	_ =	shalt  }
0x82: {  	_ =	shalt  }
0x83: {  	_ =	shalt  }
0x84: {  	_ =	shalt  }
0x85: {  	_ =	shalt  }
0x86: {  	_ =	shalt  }
0x87: {  	_ =	shalt  }
.Lfunc_end0:
.L_simem_size_0:
called_computation.1_lowered:
.L_overlay_start_0:
0x88: {  	s2 =	sld [smem:$0x3FD9]  }
0x89: {  	s3 =	sld [smem:$0x3FFE];
	_ =	sdelay $0x1  }
0x8a: {  	s1 =	srdreg.scid  }
0x8b: {  	s0 =	sand.u32 $0x1, s1  }
0x8c: {  	s16 =	sshll.u32 s0, $0xA;
	s2 =	sadd.s32 s3, s2  }
0x8d: {  	s2 =	sadd.s32 s2, s16  }
0x8e: {  	[smem:$0x3FC2] =	sst s2  }
0x8f: {  	_ = 	snop  }
0x90: {  	(tm) =	ssettm $0x1  }
0x91: {  	s17 =	sld [smem:$0x3FFB];
	_ =	sdelay $0x3  }
0x92: {  	_ =	strace s17  }
0x93: {  	s2 =	sld [smem:$0x3FFC];
	_ =	sdelay $0x3  }
0x94: {  	_ =	strace s2  }
0x95: {  	s2 =	sld [smem:$0x3FFD];
	_ =	sdelay $0x3  }
0x96: {  	_ =	strace s2  }
0x97: {  	_ =	strace $0x8FFFFFFF  }
0x98: {  	s18 =	sld [smem:$0x3FDB];
	_ =	sdelay $0x1  }
0x99: {  	s19 =	simm.s32 $_scs_section_size  }
0x9a: {  	s4 =	simm.s32 $_size__tile_overlayer_lowered;
	s5 =	simm.s32 $_tile_overlayer_lowered  }
0x9b: {  	s22 =	simm.s32 $0x1BFF;
	s21 =	sshll.u32 s5, $0x1;
	s2 =	sadd.s32 s19, s18  }
0x9c: {  	s6 =	simm.s32 $0x0;
	s20 =	sshll.u32 s4, $0x1;
	s4 =	sadd.s32 s21, s2  }
0x9d: {  	[timem:s6], [sflag:s22] =	dma.local [hbm:s4], s20  }
0x9e: {  	_ =	swait.ge [sflag:s22], s20  }
0x9f: {  	s3 =	ssub.s32 $0x0, s20;
	[sflag:s22] =	ssyncset.done $0x0  }
0xa0: {  	[sflag:s22] =	ssyncadd.s32 s3;
	_ =	sdelay $0x1  }
0xa1: {  	s23 =	simm.s32 $0x1B8B  }
0xa2: {  	_ =	swait.ge [sflag:s23], $0x1  }
0xa3: {  	[sflag:s23] =	ssyncset.done $0x0  }
0xa4: {  	s25 =	simm.s32 $0x1B8E;
	s24 =	sld [smem:$0x3FFE];
	[sflag:s23] =	ssyncadd.s32 $0xFFFFFFFF  }
0xa5: {  	s26 =	simm.s32 $execute0_lowered;
	[smem:$0x3FD2] =	sst s25  }
0xa6: {  	s4 =	sshll.u32 s26, $0x1;
	_ =	strace $0x80000049;
	[dreg:$0x1] =	wrdreg $0xFFFFFFFF  }
0xa7: {  	s28 =	simm.s32 $_size_execute0_lowered;
	s2 =	sadd.s32 s2, s4;
	[dreg:$0x0] =	wrdreg $0x0  }
0xa8: {  	s4 =	sshll.u32 s28, $0x1;
	[dreg:$0x2] =	wrdreg s2  }
0xa9: {  	[dreg:$0x3] =	wrdreg s4  }
0xaa: {  	[dreg:$0x4] =	wrdreg $0xC0  }
0xab: {  	_ =	task [dreg:s6], $0x5FFFF  }
0xac: {  	[dreg:$0x1] =	wrdreg $0xFFFFFFFF  }
0xad: {  	[dreg:$0x0] =	wrdreg $0x60  }
0xae: {  	[dreg:$0x2] =	wrdreg s24  }
0xaf: {  	[dreg:$0x3] =	wrdreg $0xB7800  }
0xb0: {  	[dreg:$0x4] =	wrdreg $0x9  }
0xb1: {  	_ =	task.clear_ibuf [dreg:s6], $0x5FFFF;
	_ =	strace $0x90000049  }
0xb2: {  	s29 =	simm.s32 $0x9;
	_ =	strace $0x8000004B  }
0xb3: {  	_ =	swait.ge [sflag:s29], $0x1  }
0xb4: {  	[sflag:s29] =	ssyncadd.s32 $0xFFFFFFFF  }
0xb5: {  	_ =	strace $0x9000004B  }
0xb6: {  	_ =	sfence  }
0xb7: {  	s30 =	sld [smem:$0x0];
	_ =	sdelay $0x2  }
0xb8: {  	s31 =	sshll.u32 s1, $0xD;
	s1 =	sshrl.u32 s1, $0x2  }
0xb9: {  	s3 =	sand.u32 $0x4000, s31;
	s1 =	sadd.s32 s1, s30  }
0xba: {  	s0 =	sor.u32 s3, s0;
	s1 =	sshll.u32 s1, $0x11  }
0xbb: {  	s0 =	sor.u32 s1, s0  }
0xbc: {  	s0 =	sadd.s32 $0x8F2B, s0  }
0xbd: {  	[sflag:s0] =	ssyncadd.remote.s32 $0x1  }
0xbe: {  	_ =	sfence.sel $0xFFFF  }
0xbf: {  	[dreg:$0x0] =	wrdreg $0xFFFFFFFF;
	(pc) =	sbr.abs _section_cstart, $3  }
0xc0: {  	[dreg:$0x1] =	wrdreg $0xFFFFFFFF  }
0xc1: {  	_ =	task.clear_ibuf [dreg:s6], $0x2FFFF;
	_ =	strace $0x9FFFFFFF  }
0xc2: {  	(tm) =	ssettm $0x7FFFFFFF  }
0xc3: {  	_ =	shalt  }
tec
execute0_lowered:
.L_overlay_start_1:
0x0: {  	(tag) =	ssettag $0x1  }
0x1: {  	s0 =	srdreg.scid  }
0x2: {  	s10 =	stileid.u32;
	s1 =	rddreg [dreg:$0x0]  }
0x3: {  	s2 =	rddreg [dreg:$0x1];
	s28 =	simm.s32 $0x6780;
	s29 =	simm.s32 $0x3  }
0x4: {  	s30 =	simm.s32 $0x1;
	s31 =	simm.s32 $0x2;
	s9 =	smul.u32 $0x50000, s10  }
0x5: {  	s0 =	sand.u32 $0x1, s0;
	s3 =	sshrl.u32 s10, $0x3;
	s14 =	smul.u32 $0x14000, s10  }
0x6: {  	s6 =	sshll.u32 s10, $0x7;
	s21 =	sshll.u32 s10, $0xB;
	s4 =	smul.u32 $0x27800, s0  }
0x7: {  	s5 =	smul.u32 $0x13C00, s3;
	s3 =	simm.s32 $0x0;
	s20 =	sand.u32 $0x380, s6  }
0x8: {  	s6 =	sadd.s32 s21, s1;
	s7 =	ssub.s32 $0x2, s0;
	s22 =	sshll.u32 s0, $0xF  }
0x9: {  	s0 =	smul.u32 $0x140000, s0;
	[smem:$0x7FF] =	sst s3;
	s8 =	sshrl.u32 s7, $0x1  }
0xa: {  	s23 =	sadd.s32 s22, s6;
	s24 =	sshrl.u32 s9, $0x2;
	s25 =	sor.u32 $0x2800, s14  }
0xb: {  	s26 =	sadd.s32 $0x5000, s14;
	s16 =	sadd.s32 $0x7800, s14;
	s17 =	sadd.s32 $0xA000, s14  }
0xc: {  	s21 =	sadd.s32 $0xF000, s14;
	s22 =	sadd.s32 $0x11800, s14;
	s4 =	sadd.s32 s4, s5  }
0xd: {  	_ =	strace $0x8000004A;
	s15 =	ssub.s32 s7, s8;
	s7 =	sadd.s32 s24, s2  }
0xe: {  	s8 =	sadd.s32 s25, s2;
	s9 =	sadd.s32 s26, s2;
	s10 =	sadd.s32 s16, s2  }
0xf: {  	s11 =	sadd.s32 s17, s2;
	s13 =	sadd.s32 s21, s2;
	s18 =	sadd.s32 s14, s0  }
0x10: {  	s6 =	sadd.s32 s0, s26;
	s16 =	sadd.s32 s0, s16;
	s5 =	sor.u32 s20, s4  }
0x11: {  	s4 =	sadd.s32 $0x1C400, s1;
	s20 =	sadd.s32 $0xC800, s14;
	s5 =	sshrl.u32 s5, $0x3  }
0x12: {  	s14 =	sadd.s32 s22, s2;
	s18 =	sshrl.u32 s18, $0x3;
	s5 =	sadd.s32 s5, s1  }
0x13: {  	s19 =	sshrl.u32 s16, $0x3;
	s1 =	sadd.s32 $0x44400, s1;
	s5 =	sadd.s32 $0x12600, s5  }
0x14: {  	s12 =	sadd.s32 s20, s2;
	s18 =	sadd.s32 s1, s18;
	[dreg:$0x3] =	wrdreg s5  }
0x15: {  	s24 =	sadd.s32 s0, s20;
	s5 =	sadd.s32 $0x2600, s23;
	[dreg:$0x5] =	wrdreg s18  }
0x16: {  	s18 =	sadd.s32 s0, s17;
	[dreg:$0x4] =	wrdreg s5;
	s5 =	sadd.s32 s0, s25  }
0x17: {  	s23 =	sshrl.u32 s18, $0x3;
	s18 =	sadd.s32 s1, s19;
	s25 =	sadd.s32 s0, s21  }
0x18: {  	s0 =	sadd.s32 s0, s22;
	s5 =	sshrl.u32 s5, $0x3;
	s19 =	sadd.s32 s1, s23  }
0x19: {  	s26 =	sshrl.u32 s25, $0x3;
	s0 =	sshrl.u32 s0, $0x3;
	s23 =	smax.u32 s15, $0x1  }
0x1a: {  	s25 =	simm.s32 $0x5;
	s5 =	sadd.s32 s1, s5;
	s21 =	sadd.s32 s1, s26  }
0x1b: {  	s22 =	sadd.s32 s1, s0;
	[dreg:$0x6] =	wrdreg s5;
	s5 =	sshrl.u32 s6, $0x3  }
0x1c: {  	s26 =	simm.s32 $0x2780;
	s0 =	simm.s32 $0x8F80;
	s5 =	sadd.s32 s1, s5  }
0x1d: {  	[dreg:$0x7] =	wrdreg s5;
	s5 =	sshrl.u32 s24, $0x3;
	s24 =	simm.s32 $0x4  }
0x1e: {  	v0 =	vimm.f32 $0.0e+00;
	s20 =	sadd.s32 s1, s5;
	s1 =	simm.s32 $0x50;
	s5 =	simm.s32 $0x0  }
.LBB2_1:
0x1f: {  	s6 =	rddreg [dreg:$0x3];
	s15 =	simm.s32 $0x80;
	s16 =	simm.s32 $0x400  }
0x20: {  	[tilespmem:s3], [sflag:$0x1] =	stream.strided.gather [hbm4b:s6+s15], $0x2780, s16, s15, $0x38;
	[tilespmem:$0x1F780] =	vst v63  }
0x21: {  	s17 =	rddreg [dreg:$0x4];
	s15 =	sand.u32 $0xFE00, s3  }
0x22: {  	[tilespmem:s26], [sflag:$0x2] =	stream.linear.gather [hbm4b:s17+s3], $0x3E80, $0x38;
	[tilespmem:$0x1F780] =	vst v63  }
0x23: {  	s16 =	sand.u32 $0x70, s3;
	s17 =	sshrl.u32 s15, $0x2  }
0x24: {  	s6 =	simm.s32 $0x40;
	s15 =	simm.s32 $0x0;
	s16 =	sor.u32 s16, s17  }
.LBB2_2:
0x25: {  	p0 =	sne.s32 s6, $0x9FC0  }
0x26: {  	[tilespmem:s16+$0x6780] =	vst v0;
	s15 =	sadd.s32 $0x10, s15;
	s16 =	smov.u32 s6;
	s6 =	sadd.s32 $0x40, s6  }
.Ltmp0:
0x27: {  	(pc) =	sbr.rel @p0 .LBB2_2-.Ltmp0, $4  }
0x28: {  	_ = 	snop  }
0x29: {  	s16 =	sand.u32 $0xFE00, s16  }
0x2a: {  	s17 =	sand.u32 $0x70, s15;
	s16 =	sshrl.u32 s16, $0x2  }
0x2b: {  	s16 =	sor.u32 s17, s16  }
0x2c: {  	[tilespmem:s16+$0x6780] =	vst v0  }
0x2d: {  	[spmem:s7] =	stream.linear.scatter [tilespmem:s28], [sflag:$0x3], $0x2800, $0x38;
	[tilespmem:$0x1F780] =	vst v63  }
0x2e: {  	_ = 	snop  }
0x2f: {  	[spmem:s8] =	stream.linear.scatter [tilespmem:s28], [sflag:$0x3], $0x2800, $0x38;
	[tilespmem:$0x1F780] =	vst v63  }
0x30: {  	_ = 	snop  }
0x31: {  	[spmem:s9] =	stream.linear.scatter [tilespmem:s28], [sflag:$0x3], $0x2800, $0x38;
	[tilespmem:$0x1F780] =	vst v63  }
0x32: {  	_ = 	snop  }
0x33: {  	[spmem:s10] =	stream.linear.scatter [tilespmem:s28], [sflag:$0x3], $0x2800, $0x38;
	[tilespmem:$0x1F780] =	vst v63  }
0x34: {  	_ = 	snop  }
0x35: {  	[spmem:s11] =	stream.linear.scatter [tilespmem:s28], [sflag:$0x3], $0x2800, $0x38;
	[tilespmem:$0x1F780] =	vst v63  }
0x36: {  	_ = 	snop  }
0x37: {  	[spmem:s12] =	stream.linear.scatter [tilespmem:s28], [sflag:$0x3], $0x2800, $0x38;
	[tilespmem:$0x1F780] =	vst v63  }
0x38: {  	_ = 	snop  }
0x39: {  	[spmem:s13] =	stream.linear.scatter [tilespmem:s28], [sflag:$0x3], $0x2800, $0x38;
	[tilespmem:$0x1F780] =	vst v63  }
0x3a: {  	_ = 	snop  }
0x3b: {  	[spmem:s14] =	stream.linear.scatter [tilespmem:s28], [sflag:$0x3], $0x2800, $0x38;
	[tilespmem:$0x1F780] =	vst v63  }
0x3c: {  	_ =	swait.ge [sflag:s29], $0x2800  }
0x3d: {  	[sflag:s29] =	ssyncset.done $0x0  }
0x3e: {  	[sflag:s29] =	ssyncadd.s32 $0xFFFFD800  }
0x3f: {  	_ =	swait.ge [sflag:s29], $0x2800  }
0x40: {  	[sflag:s29] =	ssyncset.done $0x0  }
0x41: {  	[sflag:s29] =	ssyncadd.s32 $0xFFFFD800  }
0x42: {  	_ =	swait.ge [sflag:s29], $0x2800  }
0x43: {  	[sflag:s29] =	ssyncset.done $0x0  }
0x44: {  	[sflag:s29] =	ssyncadd.s32 $0xFFFFD800  }
0x45: {  	_ =	swait.ge [sflag:s29], $0x2800  }
0x46: {  	[sflag:s29] =	ssyncset.done $0x0  }
0x47: {  	[sflag:s29] =	ssyncadd.s32 $0xFFFFD800  }
0x48: {  	_ =	swait.ge [sflag:s29], $0x2800  }
0x49: {  	[sflag:s29] =	ssyncset.done $0x0  }
0x4a: {  	[sflag:s29] =	ssyncadd.s32 $0xFFFFD800  }
0x4b: {  	_ =	swait.ge [sflag:s29], $0x2800  }
0x4c: {  	[sflag:s29] =	ssyncset.done $0x0  }
0x4d: {  	[sflag:s29] =	ssyncadd.s32 $0xFFFFD800  }
0x4e: {  	_ =	swait.ge [sflag:s29], $0x2800  }
0x4f: {  	[sflag:s29] =	ssyncset.done $0x0  }
0x50: {  	[sflag:s29] =	ssyncadd.s32 $0xFFFFD800  }
0x51: {  	_ =	swait.ge [sflag:s29], $0x2800  }
0x52: {  	[sflag:s29] =	ssyncset.done $0x0  }
0x53: {  	[sflag:s29] =	ssyncadd.s32 $0xFFFFD800  }
0x54: {  	_ =	swait.ge [sflag:s30], $0x2780  }
0x55: {  	[sflag:s30] =	ssyncset.done $0x0  }
0x56: {  	[sflag:s30] =	ssyncadd.s32 $0xFFFFD880  }
0x57: {  	_ =	swait.ge [sflag:s31], $0x3E80  }
0x58: {  	[sflag:s31] =	ssyncset.done $0x0  }
0x59: {  	[sflag:s31] =	ssyncadd.s32 $0xFFFFC180  }
0x5a: {  	[bflag:$0x0] =	sbarrier.arrive $0xFFFF  }
0x5b: {  	[tilespmem:s28], [sflag:$0x1] =	stream.indirect.gather [hbm4b:s4+s1], $0x80, s3, s1, $0xb8;
	[tilespmem:$0x1F780] =	vst v63  }
0x5c: {  	_ =	swait.ge [sflag:s30], $0x2800  }
0x5d: {  	[sflag:s30] =	ssyncset.done $0x0  }
0x5e: {  	[sflag:s30] =	ssyncadd.s32 $0xFFFFD800  }
0x5f: {  	[spmem:s2] =	stream.indirect.scatter.add.f32 [tilespmem:s28], [sflag:$0x3], $0x80, s26, s1, $0xb8;
	[tilespmem:$0x1F780] =	vst v63  }
0x60: {  	_ = 	snop  }
0x61: {  	[tilespmem:s0], [sflag:$0x2] =	stream.indirect.gather [hbm4b:s4+s1], $0x80, s1, s1, $0xb8;
	[tilespmem:$0x1F780] =	vst v63  }
0x62: {  	_ =	swait.ge [sflag:s29], $0x2800  }
0x63: {  	[sflag:s29] =	ssyncset.done $0x0  }
0x64: {  	s6 =	simm.s32 $0xA0;
	[sflag:s29] =	ssyncadd.s32 $0xFFFFD800  }
0x65: {  	[tilespmem:s28], [sflag:$0x1] =	stream.indirect.gather [hbm4b:s4+s1], $0x80, s6, s1, $0xb8;
	[tilespmem:$0x1F780] =	vst v63  }
0x66: {  	_ =	swait.ge [sflag:s31], $0x2800  }
0x67: {  	[sflag:s31] =	ssyncset.done $0x0  }
0x68: {  	s17 =	simm.s32 $0x2800;
	[sflag:s31] =	ssyncadd.s32 $0xFFFFD800  }
0x69: {  	[spmem:s2] =	stream.indirect.scatter.add.f32 [tilespmem:s0], [sflag:$0x4], $0x80, s17, s1, $0xb8;
	[tilespmem:$0x1F780] =	vst v63  }
0x6a: {  	_ =	swait.ge [sflag:s30], $0x2800  }
0x6b: {  	[sflag:s30] =	ssyncset.done $0x0  }
0x6c: {  	s15 =	simm.s32 $0x2880;
	[sflag:s30] =	ssyncadd.s32 $0xFFFFD800  }
0x6d: {  	[spmem:s2] =	stream.indirect.scatter.add.f32 [tilespmem:s28], [sflag:$0x3], $0x80, s15, s1, $0xb8;
	[tilespmem:$0x1F780] =	vst v63  }
0x6e: {  	_ =	swait.ge [sflag:s24], $0x2800  }
0x6f: {  	[sflag:s24] =	ssyncset.done $0x0  }
0x70: {  	s16 =	simm.s32 $0xF0;
	[sflag:s24] =	ssyncadd.s32 $0xFFFFD800  }
0x71: {  	[tilespmem:s0], [sflag:$0x2] =	stream.indirect.gather [hbm4b:s4+s1], $0x80, s16, s1, $0xb8;
	[tilespmem:$0x1F780] =	vst v63  }
0x72: {  	_ =	swait.ge [sflag:s29], $0x2800  }
0x73: {  	[sflag:s29] =	ssyncset.done $0x0  }
0x74: {  	s17 =	simm.s32 $0x140;
	[sflag:s29] =	ssyncadd.s32 $0xFFFFD800  }
0x75: {  	[tilespmem:s28], [sflag:$0x1] =	stream.indirect.gather [hbm4b:s4+s1], $0x80, s17, s1, $0xb8;
	[tilespmem:$0x1F780] =	vst v63  }
0x76: {  	_ =	swait.ge [sflag:s31], $0x2800  }
0x77: {  	s6 =	simm.s32 $0xFFFF6A00;
	[sflag:s31] =	ssyncset.done $0x0  }
0x78: {  	s15 =	simm.s32 $0x2980;
	s16 =	simm.s32 $0x2900;
	[sflag:s31] =	ssyncadd.s32 $0xFFFFD800  }
.LBB2_4:
0x79: {  	[spmem:s2] =	stream.indirect.scatter.add.f32 [tilespmem:s0], [sflag:$0x4], $0x80, s16, s1, $0xb8;
	[tilespmem:$0x1F780] =	vst v63  }
0x7a: {  	s16 =	smov.u32 s6  }
0x7b: {  	p0 =	sne.s32 s6, $0xFFFFFD80;
	s6 =	sadd.s32 $0x280, s6;
	_ =	swait.ge [sflag:s30], $0x2800  }
0x7c: {  	[sflag:s30] =	ssyncset.done $0x0  }
0x7d: {  	[sflag:s30] =	ssyncadd.s32 $0xFFFFD800  }
0x7e: {  	[spmem:s2] =	stream.indirect.scatter.add.f32 [tilespmem:s28], [sflag:$0x3], $0x80, s15, s1, $0xb8;
	[tilespmem:$0x1F780] =	vst v63  }
0x7f: {  	_ =	swait.ge [sflag:s24], $0x2800  }
0x80: {  	s16 =	sshra.s32 s16, $0x2;
	[sflag:s24] =	ssyncset.done $0x0  }
0x81: {  	s17 =	sadd.s32 $0x2710, s16;
	[sflag:s24] =	ssyncadd.s32 $0xFFFFD800  }
0x82: {  	[tilespmem:s0], [sflag:$0x2] =	stream.indirect.gather [hbm4b:s4+s1], $0x80, s17, s1, $0xb8;
	[tilespmem:$0x1F780] =	vst v63  }
0x83: {  	_ =	swait.ge [sflag:s29], $0x2800  }
0x84: {  	[sflag:s29] =	ssyncset.done $0x0  }
.Ltmp1:
0x85: {  	s16 =	sadd.s32 $0x2760, s16;
	[sflag:s29] =	ssyncadd.s32 $0xFFFFD800;
	(pc) =	sbr.rel @p0 .LBB2_4-.Ltmp1, $4  }
0x86: {  	[tilespmem:s28], [sflag:$0x1] =	stream.indirect.gather [hbm4b:s4+s1], $0x80, s16, s1, $0xb8;
	[tilespmem:$0x1F780] =	vst v63  }
0x87: {  	_ =	swait.ge [sflag:s31], $0x2800  }
0x88: {  	[sflag:s31] =	ssyncset.done $0x0  }
0x89: {  	s16 =	sadd.s32 $0x80, s15;
	s15 =	sadd.s32 $0x100, s15;
	[sflag:s31] =	ssyncadd.s32 $0xFFFFD800  }
0x8a: {  	[spmem:s2] =	stream.indirect.scatter.add.f32 [tilespmem:s0], [sflag:$0x4], $0x80, s16, s1, $0xb8;
	[tilespmem:$0x1F780] =	vst v63  }
0x8b: {  	_ =	swait.ge [sflag:s30], $0x2800  }
0x8c: {  	[sflag:s30] =	ssyncset.done $0x0  }
0x8d: {  	[sflag:s30] =	ssyncadd.s32 $0xFFFFD800  }
0x8e: {  	_ =	swait.ge [sflag:s24], $0x2800  }
0x8f: {  	[sflag:s24] =	ssyncset.done $0x0  }
0x90: {  	s6 =	simm.s32 $0x6580;
	[sflag:s24] =	ssyncadd.s32 $0xFFFFD800  }
0x91: {  	[spmem:s2] =	stream.indirect.scatter.add.f32 [tilespmem:s28], [sflag:$0x5], $0x80, s6, s1, $0xb8;
	[tilespmem:$0x1F780] =	vst v63  }
0x92: {  	_ =	swait.ge [sflag:s25], $0x2800  }
0x93: {  	[sflag:s25] =	ssyncset.done $0x0  }
0x94: {  	[sflag:s25] =	ssyncadd.s32 $0xFFFFD800  }
0x95: {  	[bflag:$0x0] =	sbarrier.arrive $0xFFFF  }
0x96: {  	[tilespmem:s28], [sflag:$0x1] =	stream.linear.gather [spmem:s7], $0x2800, $0x38;
	[tilespmem:$0x1F780] =	vst v63  }
0x97: {  	_ =	swait.ge [sflag:s30], $0x2800  }
0x98: {  	[sflag:s30] =	ssyncset.done $0x0  }
0x99: {  	s15 =	rddreg [dreg:$0x5];
	[sflag:s30] =	ssyncadd.s32 $0xFFFFD800  }
0x9a: {  	[hbm4b:s15+s3] =	stream.linear.scatter [tilespmem:s28], [sflag:$0x3], $0x2800, $0x38;
	[tilespmem:$0x1F780] =	vst v63  }
0x9b: {  	_ = 	snop  }
0x9c: {  	[tilespmem:s0], [sflag:$0x2] =	stream.linear.gather [spmem:s8], $0x2800, $0x38;
	[tilespmem:$0x1F780] =	vst v63  }
0x9d: {  	_ =	swait.ge [sflag:s31], $0x2800  }
0x9e: {  	[sflag:s31] =	ssyncset.done $0x0  }
0x9f: {  	s16 =	rddreg [dreg:$0x6];
	[sflag:s31] =	ssyncadd.s32 $0xFFFFD800  }
0xa0: {  	[hbm4b:s16+s3] =	stream.linear.scatter [tilespmem:s0], [sflag:$0x4], $0x2800, $0x38;
	[tilespmem:$0x1F780] =	vst v63  }
0xa1: {  	_ =	swait.ge [sflag:s29], $0x2800  }
0xa2: {  	[sflag:s29] =	ssyncset.done $0x0  }
0xa3: {  	[sflag:s29] =	ssyncadd.s32 $0xFFFFD800  }
0xa4: {  	[tilespmem:s28], [sflag:$0x1] =	stream.linear.gather [spmem:s9], $0x2800, $0x38;
	[tilespmem:$0x1F780] =	vst v63  }
0xa5: {  	_ =	swait.ge [sflag:s30], $0x2800  }
0xa6: {  	[sflag:s30] =	ssyncset.done $0x0  }
0xa7: {  	s17 =	rddreg [dreg:$0x7];
	[sflag:s30] =	ssyncadd.s32 $0xFFFFD800  }
0xa8: {  	[hbm4b:s17+s3] =	stream.linear.scatter [tilespmem:s28], [sflag:$0x3], $0x2800, $0x38;
	[tilespmem:$0x1F780] =	vst v63  }
0xa9: {  	_ =	swait.ge [sflag:s24], $0x2800  }
0xaa: {  	[sflag:s24] =	ssyncset.done $0x0  }
0xab: {  	[sflag:s24] =	ssyncadd.s32 $0xFFFFD800  }
0xac: {  	[tilespmem:s0], [sflag:$0x2] =	stream.linear.gather [spmem:s10], $0x2800, $0x38;
	[tilespmem:$0x1F780] =	vst v63  }
0xad: {  	_ =	swait.ge [sflag:s31], $0x2800  }
0xae: {  	[sflag:s31] =	ssyncset.done $0x0  }
0xaf: {  	[sflag:s31] =	ssyncadd.s32 $0xFFFFD800  }
0xb0: {  	[hbm4b:s18+s3] =	stream.linear.scatter [tilespmem:s0], [sflag:$0x4], $0x2800, $0x38;
	[tilespmem:$0x1F780] =	vst v63  }
0xb1: {  	_ =	swait.ge [sflag:s29], $0x2800  }
0xb2: {  	[sflag:s29] =	ssyncset.done $0x0  }
0xb3: {  	[sflag:s29] =	ssyncadd.s32 $0xFFFFD800  }
0xb4: {  	[tilespmem:s28], [sflag:$0x1] =	stream.linear.gather [spmem:s11], $0x2800, $0x38;
	[tilespmem:$0x1F780] =	vst v63  }
0xb5: {  	_ =	swait.ge [sflag:s30], $0x2800  }
0xb6: {  	[sflag:s30] =	ssyncset.done $0x0  }
0xb7: {  	[sflag:s30] =	ssyncadd.s32 $0xFFFFD800  }
0xb8: {  	[hbm4b:s19+s3] =	stream.linear.scatter [tilespmem:s28], [sflag:$0x3], $0x2800, $0x38;
	[tilespmem:$0x1F780] =	vst v63  }
0xb9: {  	_ =	swait.ge [sflag:s24], $0x2800  }
0xba: {  	[sflag:s24] =	ssyncset.done $0x0  }
0xbb: {  	[sflag:s24] =	ssyncadd.s32 $0xFFFFD800  }
0xbc: {  	[tilespmem:s0], [sflag:$0x2] =	stream.linear.gather [spmem:s12], $0x2800, $0x38;
	[tilespmem:$0x1F780] =	vst v63  }
0xbd: {  	_ =	swait.ge [sflag:s31], $0x2800  }
0xbe: {  	[sflag:s31] =	ssyncset.done $0x0  }
0xbf: {  	[sflag:s31] =	ssyncadd.s32 $0xFFFFD800  }
0xc0: {  	[hbm4b:s20+s3] =	stream.linear.scatter [tilespmem:s0], [sflag:$0x4], $0x2800, $0x38;
	[tilespmem:$0x1F780] =	vst v63  }
0xc1: {  	_ =	swait.ge [sflag:s29], $0x2800  }
0xc2: {  	[sflag:s29] =	ssyncset.done $0x0  }
0xc3: {  	[sflag:s29] =	ssyncadd.s32 $0xFFFFD800  }
0xc4: {  	[tilespmem:s28], [sflag:$0x1] =	stream.linear.gather [spmem:s13], $0x2800, $0x38;
	[tilespmem:$0x1F780] =	vst v63  }
0xc5: {  	_ =	swait.ge [sflag:s30], $0x2800  }
0xc6: {  	[sflag:s30] =	ssyncset.done $0x0  }
0xc7: {  	[sflag:s30] =	ssyncadd.s32 $0xFFFFD800  }
0xc8: {  	[hbm4b:s21+s3] =	stream.linear.scatter [tilespmem:s28], [sflag:$0x3], $0x2800, $0x38;
	[tilespmem:$0x1F780] =	vst v63  }
0xc9: {  	_ =	swait.ge [sflag:s24], $0x2800  }
0xca: {  	[sflag:s24] =	ssyncset.done $0x0  }
0xcb: {  	[sflag:s24] =	ssyncadd.s32 $0xFFFFD800  }
0xcc: {  	[tilespmem:s0], [sflag:$0x2] =	stream.linear.gather [spmem:s14], $0x2800, $0x38;
	[tilespmem:$0x1F780] =	vst v63  }
0xcd: {  	_ =	swait.ge [sflag:s31], $0x2800  }
0xce: {  	[sflag:s31] =	ssyncset.done $0x0  }
0xcf: {  	s5 =	sadd.s32 $0x1, s5;
	[sflag:s31] =	ssyncadd.s32 $0xFFFFD800  }
0xd0: {  	[hbm4b:s22+s3] =	stream.linear.scatter [tilespmem:s0], [sflag:$0x4], $0x2800, $0x38;
	[tilespmem:$0x1F780] =	vst v63  }
0xd1: {  	p0 =	sne.s32 s5, s23;
	_ =	swait.ge [sflag:s29], $0x2800  }
.Ltmp2:
0xd2: {  	[sflag:s29] =	ssyncset.done $0x0;
	(pc) =	sbr.rel @p0 .LBB2_1-.Ltmp2, $4  }
0xd3: {  	[sflag:s29] =	ssyncadd.s32 $0xFFFFD800  }
0xd4: {  	_ =	swait.ge [sflag:s24], $0x2800  }
0xd5: {  	[sflag:s24] =	ssyncset.done $0x0  }
0xd6: {  	[sflag:s24] =	ssyncadd.s32 $0xFFFFD800  }
0xd7: {  	_ =	sfence.sel $0x180000  }
0xd8: {  	[bflag:$0x0] =	sbarrier.arrive $0xFFFF  }
0xd9: {  	_ =	strace $0x9000004A  }
0xda: {  	s0 =	stileid.u32;
	[bflag:$0x2] =	sbarrier.arrive $0xFFFF  }
0xdb: {  	p0 =	sne.s32 s0, $0x0;
	s0 =	rddreg [dreg:$0x2]  }
0xdc: {  	s0 =	sadd.s32 @!p0 $0x100000, s0  }
0xdd: {  	[sflag:s0] =	ssyncadd.tile.s32 @!p0 $0x1;
	_ =	shalt  }
.Lfunc_end2:
_tile_overlayer_lowered:
.L_overlay_start_2:
0xde: {  	(tag) =	ssettag $0x2  }
0xdf: {  	s0 =	rddreg [dreg:$0x0];
	s2 =	stileid.u32  }
0xe0: {  	s1 =	rddreg [dreg:$0x1];
	p0 =	sne.s32 s2, $0x0  }
0xe1: {  	s3 =	rddreg [dreg:$0x2];
	[bflag:$0x3] =	sbarrier.arrive $0xFFFF;
	s2 =	simm.s32 @!p0 $0x1C05  }
0xe2: {  	[timem:s3], [sflag:s2] =	dma.local @!p0 [hbm:s0], s1  }
0xe3: {  	s0 =	simm.s32 @!p0 $0x5  }
0xe4: {  	_ =	swait.ge @!p0 [sflag:s0], s1  }
0xe5: {  	s1 =	ssub.s32 @!p0 $0x0, s1;
	[sflag:s0] =	ssyncset.done @!p0 $0x0  }
0xe6: {  	[sflag:s0] =	ssyncadd.s32 @!p0 s1  }
0xe7: {  	[bflag:$0x3] =	sbarrier.arrive $0xFFFF  }
0xe8: {  	_ =	shalt  }

// kernel: kernel.14.cloned.1.call-start
scs
__scs_entry_jumppad:
0x0: {  	(pc) =	sbr.rel $0x88, $3  }
0x1: {  	(tag) =	ssettag $0x0;
	lr =	simm.s32 $0x1  }
0x2: {  	[smem:$0x3F9B] =	sst lr;
	_ =	strace $0xD0000000  }
0x3: {  	_ = 	snop  }
0x4: {  	_ = 	snop  }
0x5: {  	_ = 	snop  }
0x6: {  	_ = 	snop  }
0x7: {  	_ = 	snop  }
__scs_overlays_trampoline_lowered:
0x8: {  	[smem:$0x3FAA] =	sst s0  }
0x9: {  	[smem:$0x3FAB] =	sst s1  }
0xa: {  	[smem:$0x3FAC] =	sst s2  }
0xb: {  	[smem:$0x3FAD] =	sst s3  }
0xc: {  	[smem:$0x3FAE] =	sst s4  }
0xd: {  	[smem:$0x3FAF] =	sst s5  }
0xe: {  	[smem:$0x3FB0] =	sst s6  }
0xf: {  	[smem:$0x3FB1] =	sst s7  }
0x10: {  	[smem:$0x3FB2] =	sst s8  }
0x11: {  	[smem:$0x3FB3] =	sst s9;
	s0 =	simm.s32 @!p0 $0x0  }
0x12: {  	s1 =	sld [smem:$0x3F99];
	s0 =	simm.s32 @p0 $0x1  }
0x13: {  	[smem:$0x3FB4] =	sst s0;
	s0 =	simm.s32 @!p1 $0x0  }
0x14: {  	s2 =	sld [smem:$0x3F98];
	s0 =	simm.s32 @p1 $0x1  }
0x15: {  	[smem:$0x3FB5] =	sst s0;
	s0 =	simm.s32 @!p2 $0x0  }
0x16: {  	s3 =	sld [smem:$0x3FDB];
	s0 =	simm.s32 @p2 $0x1  }
0x17: {  	s4 =	simm.s32 $0x1BF5;
	[smem:$0x3FB7] =	sst s0  }
0x18: {  	s0 =	sld [smem:$0x3F9A];
	_ =	swait.ge [sflag:s4], $0x0  }
0x19: {  	s7 =	sld [smem:$0x3F9B]  }
0x1a: {  	s8 =	sadd.s32 $0xFFFFE003, lr  }
0x1b: {  	s9 =	sadd.s32 $0xFFFFFEF7, lr;
	s5 =	simm.s32 $0xFFFFFFFF;
	p2 =	slt.u32 s8, $0xFFFFF086  }
0x1c: {  	p1 =	slt.u32 s9, $0xF7A;
	s5 =	simm.s32 @!p2 $0x0  }
0x1d: {  	s5 =	simm.s32 @p1 $0x1;
	p0 =	seq.s32 s7, s2  }
0x1e: {  	s7 =	smul.u32 @!p0 $0xF7A, s2;
	p2 =	seq.s32 @!p0 s5, $0x0  }
0x1f: {  	s9 =	smul.u32 $0xF7A, s1;
	s8 =	simm.s32 @!p0 $0x1BF5;
	p2 =	por !p2, p0  }
0x20: {  	[sflag:s8] =	ssyncset.s32 @!p0 $0xFFFFF086;
	s6 =	sadd.s32 @!p0 s3, s7;
	s7 =	simm.s32 @!p0 $0x108  }
0x21: {  	s3 =	sadd.s32 s3, s9;
	s6 =	sadd.s32 @!p0 $0x88, s6;
	s7 =	simm.s32 @p2 $0x1082  }
0x22: {  	[simem:s7], [sflag:s8] =	dma.local @!p0 [hbm:s6], $0xF7A  }
0x23: {  	s9 =	sor.u32 $0xD0000000, s2;
	s6 =	simm.s32 $0x108;
	_ =	swait.ge @!p0 [sflag:s8], $0x0  }
0x24: {  	s3 =	sadd.s32 $0x88, s3;
	s6 =	simm.s32 @!p1 $0x1082;
	[sflag:s4] =	ssyncset.s32 $0xFFFFF086  }
0x25: {  	[simem:s6], [sflag:s4] =	dma.local [hbm:s3], $0xF7A  }
0x26: {  	[smem:$0x3F9B] =	sst s1;
	(tag) =	ssettag s2;
	_ =	strace s9  }
0x27: {  	s1 =	sld [smem:$0x3FAB]  }
0x28: {  	s2 =	sld [smem:$0x3FAC]  }
0x29: {  	s4 =	sld [smem:$0x3FAE]  }
0x2a: {  	p0 =	seq.s32 s5, $0x0;
	s5 =	sld [smem:$0x3FAF]  }
0x2b: {  	s6 =	sld [smem:$0x3FB0]  }
0x2c: {  	s7 =	sld [smem:$0x3FB1]  }
0x2d: {  	s3 =	simm.s32 $0x108;
	s8 =	sld [smem:$0x3FB2]  }
0x2e: {  	s3 =	simm.s32 @!p0 $0x1082;
	s9 =	sld [smem:$0x3FB3]  }
0x2f: {  	lr =	sadd.s32 s0, s3;
	s0 =	sld [smem:$0x3FAA]  }
0x30: {  	s3 =	sld [smem:$0x3FAD]  }
0x31: {  	[smem:$0x3FB6] =	sst s10  }
0x32: {  	s10 =	sld [smem:$0x3FB4];
	_ =	sdelay $0x3  }
0x33: {  	p0 =	seq.s32 s10, $0x1;
	s10 =	sld [smem:$0x3FB6];
	_ =	sdelay $0x3  }
0x34: {  	[smem:$0x3FB6] =	sst s10  }
0x35: {  	s10 =	sld [smem:$0x3FB5];
	_ =	sdelay $0x3  }
0x36: {  	p1 =	seq.s32 s10, $0x1;
	s10 =	sld [smem:$0x3FB6];
	_ =	sdelay $0x3  }
0x37: {  	[smem:$0x3FB6] =	sst s10  }
0x38: {  	s10 =	sld [smem:$0x3FB7]  }
0x39: {  	_ = 	snop;
	(pc) =	sbr.ind lr, $3  }
0x3a: {  	_ = 	snop  }
0x3b: {  	_ = 	snop  }
0x3c: {  	p2 =	seq.s32 s10, $0x1;
	s10 =	sld [smem:$0x3FB6]  }
0x3d: {  	_ =	shalt  }
0x3e: {  	_ =	shalt  }
0x3f: {  	_ =	shalt  }
0x40: {  	_ =	shalt  }
0x41: {  	_ =	shalt  }
0x42: {  	_ =	shalt  }
0x43: {  	_ =	shalt  }
0x44: {  	_ =	shalt  }
0x45: {  	_ =	shalt  }
0x46: {  	_ =	shalt  }
0x47: {  	_ =	shalt  }
0x48: {  	_ =	shalt  }
0x49: {  	_ =	shalt  }
0x4a: {  	_ =	shalt  }
0x4b: {  	_ =	shalt  }
0x4c: {  	_ =	shalt  }
0x4d: {  	_ =	shalt  }
0x4e: {  	_ =	shalt  }
0x4f: {  	_ =	shalt  }
0x50: {  	_ =	shalt  }
0x51: {  	_ =	shalt  }
0x52: {  	_ =	shalt  }
0x53: {  	_ =	shalt  }
0x54: {  	_ =	shalt  }
0x55: {  	_ =	shalt  }
0x56: {  	_ =	shalt  }
0x57: {  	_ =	shalt  }
0x58: {  	_ =	shalt  }
0x59: {  	_ =	shalt  }
0x5a: {  	_ =	shalt  }
0x5b: {  	_ =	shalt  }
0x5c: {  	_ =	shalt  }
0x5d: {  	_ =	shalt  }
0x5e: {  	_ =	shalt  }
0x5f: {  	_ =	shalt  }
0x60: {  	_ =	shalt  }
0x61: {  	_ =	shalt  }
0x62: {  	_ =	shalt  }
0x63: {  	_ =	shalt  }
0x64: {  	_ =	shalt  }
0x65: {  	_ =	shalt  }
0x66: {  	_ =	shalt  }
0x67: {  	_ =	shalt  }
0x68: {  	_ =	shalt  }
0x69: {  	_ =	shalt  }
0x6a: {  	_ =	shalt  }
0x6b: {  	_ =	shalt  }
0x6c: {  	_ =	shalt  }
0x6d: {  	_ =	shalt  }
0x6e: {  	_ =	shalt  }
0x6f: {  	_ =	shalt  }
0x70: {  	_ =	shalt  }
0x71: {  	_ =	shalt  }
0x72: {  	_ =	shalt  }
0x73: {  	_ =	shalt  }
0x74: {  	_ =	shalt  }
0x75: {  	_ =	shalt  }
0x76: {  	_ =	shalt  }
0x77: {  	_ =	shalt  }
0x78: {  	_ =	shalt  }
0x79: {  	_ =	shalt  }
0x7a: {  	_ =	shalt  }
0x7b: {  	_ =	shalt  }
0x7c: {  	_ =	shalt  }
0x7d: {  	_ =	shalt  }
0x7e: {  	_ =	shalt  }
0x7f: {  	_ =	shalt  }
0x80: {  	_ =	shalt  }
0x81: {  	_ =	shalt  }
0x82: {  	_ =	shalt  }
0x83: {  	_ =	shalt  }
0x84: {  	_ =	shalt  }
0x85: {  	_ =	shalt  }
0x86: {  	_ =	shalt  }
0x87: {  	_ =	shalt  }
.Lfunc_end0:
.L_simem_size_0:
called_computation.2_lowered:
.L_overlay_start_0:
0x88: {  	s2 =	sld [smem:$0x3FD9]  }
0x89: {  	s3 =	sld [smem:$0x3FFE];
	_ =	sdelay $0x1  }
0x8a: {  	s1 =	srdreg.scid  }
0x8b: {  	s0 =	sand.u32 $0x1, s1  }
0x8c: {  	s16 =	sshll.u32 s0, $0xA;
	s2 =	sadd.s32 s3, s2  }
0x8d: {  	s2 =	sadd.s32 s2, s16  }
0x8e: {  	[smem:$0x3FC2] =	sst s2  }
0x8f: {  	_ = 	snop  }
0x90: {  	(tm) =	ssettm $0x1  }
0x91: {  	s17 =	sld [smem:$0x3FFB];
	_ =	sdelay $0x3  }
0x92: {  	_ =	strace s17  }
0x93: {  	s2 =	sld [smem:$0x3FFC];
	_ =	sdelay $0x3  }
0x94: {  	_ =	strace s2  }
0x95: {  	s2 =	sld [smem:$0x3FFD];
	_ =	sdelay $0x3  }
0x96: {  	_ =	strace s2  }
0x97: {  	_ =	strace $0x8FFFFFFF  }
0x98: {  	s18 =	sld [smem:$0x3FDB];
	_ =	sdelay $0x1  }
0x99: {  	s19 =	simm.s32 $_scs_section_size  }
0x9a: {  	s4 =	simm.s32 $_size__tile_overlayer_lowered;
	s5 =	simm.s32 $_tile_overlayer_lowered  }
0x9b: {  	s22 =	simm.s32 $0x1BFF;
	s21 =	sshll.u32 s5, $0x1;
	s2 =	sadd.s32 s19, s18  }
0x9c: {  	s6 =	simm.s32 $0x0;
	s20 =	sshll.u32 s4, $0x1;
	s4 =	sadd.s32 s21, s2  }
0x9d: {  	[timem:s6], [sflag:s22] =	dma.local [hbm:s4], s20  }
0x9e: {  	_ =	swait.ge [sflag:s22], s20  }
0x9f: {  	s3 =	ssub.s32 $0x0, s20;
	[sflag:s22] =	ssyncset.done $0x0  }
0xa0: {  	[sflag:s22] =	ssyncadd.s32 s3;
	_ =	sdelay $0x1  }
0xa1: {  	s23 =	simm.s32 $0x1B8B  }
0xa2: {  	_ =	swait.ge [sflag:s23], $0x1  }
0xa3: {  	[sflag:s23] =	ssyncset.done $0x0  }
0xa4: {  	s25 =	simm.s32 $0x1B8E;
	s24 =	sld [smem:$0x3FFE];
	[sflag:s23] =	ssyncadd.s32 $0xFFFFFFFF  }
0xa5: {  	s26 =	simm.s32 $execute0_lowered;
	[smem:$0x3FD2] =	sst s25  }
0xa6: {  	s4 =	sshll.u32 s26, $0x1;
	_ =	strace $0x8000004C;
	[dreg:$0x1] =	wrdreg $0xFFFFFFFF  }
0xa7: {  	s28 =	simm.s32 $_size_execute0_lowered;
	s2 =	sadd.s32 s2, s4;
	[dreg:$0x0] =	wrdreg $0x0  }
0xa8: {  	s4 =	sshll.u32 s28, $0x1;
	[dreg:$0x2] =	wrdreg s2  }
0xa9: {  	[dreg:$0x3] =	wrdreg s4  }
0xaa: {  	[dreg:$0x4] =	wrdreg $0xC0  }
0xab: {  	_ =	task [dreg:s6], $0x5FFFF  }
0xac: {  	[dreg:$0x1] =	wrdreg $0xFFFFFFFF  }
0xad: {  	[dreg:$0x0] =	wrdreg $0x60  }
0xae: {  	[dreg:$0x2] =	wrdreg s24  }
0xaf: {  	[dreg:$0x3] =	wrdreg $0xB7800  }
0xb0: {  	[dreg:$0x4] =	wrdreg $0x9  }
0xb1: {  	_ =	task.clear_ibuf [dreg:s6], $0x5FFFF;
	_ =	strace $0x9000004C  }
0xb2: {  	s29 =	simm.s32 $0x9;
	_ =	strace $0x8000004E  }
0xb3: {  	_ =	swait.ge [sflag:s29], $0x1  }
0xb4: {  	[sflag:s29] =	ssyncadd.s32 $0xFFFFFFFF  }
0xb5: {  	_ =	strace $0x9000004E  }
0xb6: {  	_ =	sfence  }
0xb7: {  	s30 =	sld [smem:$0x0];
	_ =	sdelay $0x2  }
0xb8: {  	s31 =	sshll.u32 s1, $0xD;
	s1 =	sshrl.u32 s1, $0x2  }
0xb9: {  	s3 =	sand.u32 $0x4000, s31;
	s1 =	sadd.s32 s1, s30  }
0xba: {  	s0 =	sor.u32 s3, s0;
	s1 =	sshll.u32 s1, $0x11  }
0xbb: {  	s0 =	sor.u32 s1, s0  }
0xbc: {  	s0 =	sadd.s32 $0x8F2B, s0  }
0xbd: {  	[sflag:s0] =	ssyncadd.remote.s32 $0x1  }
0xbe: {  	_ =	sfence.sel $0xFFFF  }
0xbf: {  	[dreg:$0x0] =	wrdreg $0xFFFFFFFF;
	(pc) =	sbr.abs _section_cstart, $3  }
0xc0: {  	[dreg:$0x1] =	wrdreg $0xFFFFFFFF  }
0xc1: {  	_ =	task.clear_ibuf [dreg:s6], $0x2FFFF;
	_ =	strace $0x9FFFFFFF  }
0xc2: {  	(tm) =	ssettm $0x7FFFFFFF  }
0xc3: {  	_ =	shalt  }
tec
execute0_lowered:
.L_overlay_start_1:
0x0: {  	(tag) =	ssettag $0x1  }
0x1: {  	s0 =	srdreg.scid  }
0x2: {  	s10 =	stileid.u32;
	s1 =	rddreg [dreg:$0x0]  }
0x3: {  	s2 =	rddreg [dreg:$0x1];
	s28 =	simm.s32 $0x6780;
	s29 =	simm.s32 $0x3  }
0x4: {  	s30 =	simm.s32 $0x1;
	s31 =	simm.s32 $0x2;
	s9 =	smul.u32 $0x50000, s10  }
0x5: {  	s0 =	sand.u32 $0x1, s0;
	s3 =	sshrl.u32 s10, $0x3;
	s14 =	smul.u32 $0x14000, s10  }
0x6: {  	s6 =	sshll.u32 s10, $0x7;
	s21 =	sshll.u32 s10, $0xB;
	s4 =	smul.u32 $0x27800, s0  }
0x7: {  	s5 =	smul.u32 $0x13C00, s3;
	s3 =	simm.s32 $0x0;
	s20 =	sand.u32 $0x380, s6  }
0x8: {  	s6 =	sadd.s32 s21, s1;
	s7 =	ssub.s32 $0x2, s0;
	s22 =	sshll.u32 s0, $0xF  }
0x9: {  	s0 =	smul.u32 $0x140000, s0;
	[smem:$0x7FF] =	sst s3;
	s8 =	sshrl.u32 s7, $0x1  }
0xa: {  	s23 =	sadd.s32 s22, s6;
	s24 =	sshrl.u32 s9, $0x2;
	s25 =	sor.u32 $0x2800, s14  }
0xb: {  	s26 =	sadd.s32 $0x5000, s14;
	s16 =	sadd.s32 $0x7800, s14;
	s17 =	sadd.s32 $0xA000, s14  }
0xc: {  	s21 =	sadd.s32 $0xF000, s14;
	s22 =	sadd.s32 $0x11800, s14;
	s4 =	sadd.s32 s4, s5  }
0xd: {  	_ =	strace $0x8000004D;
	s15 =	ssub.s32 s7, s8;
	s7 =	sadd.s32 s24, s2  }
0xe: {  	s8 =	sadd.s32 s25, s2;
	s9 =	sadd.s32 s26, s2;
	s10 =	sadd.s32 s16, s2  }
0xf: {  	s11 =	sadd.s32 s17, s2;
	s13 =	sadd.s32 s21, s2;
	s18 =	sadd.s32 s14, s0  }
0x10: {  	s6 =	sadd.s32 s0, s26;
	s16 =	sadd.s32 s0, s16;
	s5 =	sor.u32 s20, s4  }
0x11: {  	s4 =	sadd.s32 $0x1C400, s1;
	s20 =	sadd.s32 $0xC800, s14;
	s5 =	sshrl.u32 s5, $0x3  }
0x12: {  	s14 =	sadd.s32 s22, s2;
	s18 =	sshrl.u32 s18, $0x3;
	s5 =	sadd.s32 s5, s1  }
0x13: {  	s19 =	sshrl.u32 s16, $0x3;
	s1 =	sadd.s32 $0x44400, s1;
	s5 =	sadd.s32 $0x12600, s5  }
0x14: {  	s12 =	sadd.s32 s20, s2;
	s18 =	sadd.s32 s1, s18;
	[dreg:$0x3] =	wrdreg s5  }
0x15: {  	s24 =	sadd.s32 s0, s20;
	s5 =	sadd.s32 $0x2600, s23;
	[dreg:$0x5] =	wrdreg s18  }
0x16: {  	s18 =	sadd.s32 s0, s17;
	[dreg:$0x4] =	wrdreg s5;
	s5 =	sadd.s32 s0, s25  }
0x17: {  	s23 =	sshrl.u32 s18, $0x3;
	s18 =	sadd.s32 s1, s19;
	s25 =	sadd.s32 s0, s21  }
0x18: {  	s0 =	sadd.s32 s0, s22;
	s5 =	sshrl.u32 s5, $0x3;
	s19 =	sadd.s32 s1, s23  }
0x19: {  	s26 =	sshrl.u32 s25, $0x3;
	s0 =	sshrl.u32 s0, $0x3;
	s23 =	smax.u32 s15, $0x1  }
0x1a: {  	s25 =	simm.s32 $0x5;
	s5 =	sadd.s32 s1, s5;
	s21 =	sadd.s32 s1, s26  }
0x1b: {  	s22 =	sadd.s32 s1, s0;
	[dreg:$0x6] =	wrdreg s5;
	s5 =	sshrl.u32 s6, $0x3  }
0x1c: {  	s26 =	simm.s32 $0x2780;
	s0 =	simm.s32 $0x8F80;
	s5 =	sadd.s32 s1, s5  }
0x1d: {  	[dreg:$0x7] =	wrdreg s5;
	s5 =	sshrl.u32 s24, $0x3;
	s24 =	simm.s32 $0x4  }
0x1e: {  	v0 =	vimm.f32 $0.0e+00;
	s20 =	sadd.s32 s1, s5;
	s1 =	simm.s32 $0x50;
	s5 =	simm.s32 $0x0  }
.LBB2_1:
0x1f: {  	s6 =	rddreg [dreg:$0x3];
	s15 =	simm.s32 $0x80;
	s16 =	simm.s32 $0x400  }
0x20: {  	[tilespmem:s3], [sflag:$0x1] =	stream.strided.gather [hbm4b:s6+s15], $0x2780, s16, s15, $0x38;
	[tilespmem:$0x1F780] =	vst v63  }
0x21: {  	s17 =	rddreg [dreg:$0x4];
	s15 =	sand.u32 $0xFE00, s3  }
0x22: {  	[tilespmem:s26], [sflag:$0x2] =	stream.linear.gather [hbm4b:s17+s3], $0x3E80, $0x38;
	[tilespmem:$0x1F780] =	vst v63  }
0x23: {  	s16 =	sand.u32 $0x70, s3;
	s17 =	sshrl.u32 s15, $0x2  }
0x24: {  	s6 =	simm.s32 $0x40;
	s15 =	simm.s32 $0x0;
	s16 =	sor.u32 s16, s17  }
.LBB2_2:
0x25: {  	p0 =	sne.s32 s6, $0x9FC0  }
0x26: {  	[tilespmem:s16+$0x6780] =	vst v0;
	s15 =	sadd.s32 $0x10, s15;
	s16 =	smov.u32 s6;
	s6 =	sadd.s32 $0x40, s6  }
.Ltmp0:
0x27: {  	(pc) =	sbr.rel @p0 .LBB2_2-.Ltmp0, $4  }
0x28: {  	_ = 	snop  }
0x29: {  	s16 =	sand.u32 $0xFE00, s16  }
0x2a: {  	s17 =	sand.u32 $0x70, s15;
	s16 =	sshrl.u32 s16, $0x2  }
0x2b: {  	s16 =	sor.u32 s17, s16  }
0x2c: {  	[tilespmem:s16+$0x6780] =	vst v0  }
0x2d: {  	[spmem:s7] =	stream.linear.scatter [tilespmem:s28], [sflag:$0x3], $0x2800, $0x38;
	[tilespmem:$0x1F780] =	vst v63  }
0x2e: {  	_ = 	snop  }
0x2f: {  	[spmem:s8] =	stream.linear.scatter [tilespmem:s28], [sflag:$0x3], $0x2800, $0x38;
	[tilespmem:$0x1F780] =	vst v63  }
0x30: {  	_ = 	snop  }
0x31: {  	[spmem:s9] =	stream.linear.scatter [tilespmem:s28], [sflag:$0x3], $0x2800, $0x38;
	[tilespmem:$0x1F780] =	vst v63  }
0x32: {  	_ = 	snop  }
0x33: {  	[spmem:s10] =	stream.linear.scatter [tilespmem:s28], [sflag:$0x3], $0x2800, $0x38;
	[tilespmem:$0x1F780] =	vst v63  }
0x34: {  	_ = 	snop  }
0x35: {  	[spmem:s11] =	stream.linear.scatter [tilespmem:s28], [sflag:$0x3], $0x2800, $0x38;
	[tilespmem:$0x1F780] =	vst v63  }
0x36: {  	_ = 	snop  }
0x37: {  	[spmem:s12] =	stream.linear.scatter [tilespmem:s28], [sflag:$0x3], $0x2800, $0x38;
	[tilespmem:$0x1F780] =	vst v63  }
0x38: {  	_ = 	snop  }
0x39: {  	[spmem:s13] =	stream.linear.scatter [tilespmem:s28], [sflag:$0x3], $0x2800, $0x38;
	[tilespmem:$0x1F780] =	vst v63  }
0x3a: {  	_ = 	snop  }
0x3b: {  	[spmem:s14] =	stream.linear.scatter [tilespmem:s28], [sflag:$0x3], $0x2800, $0x38;
	[tilespmem:$0x1F780] =	vst v63  }
0x3c: {  	_ =	swait.ge [sflag:s29], $0x2800  }
0x3d: {  	[sflag:s29] =	ssyncset.done $0x0  }
0x3e: {  	[sflag:s29] =	ssyncadd.s32 $0xFFFFD800  }
0x3f: {  	_ =	swait.ge [sflag:s29], $0x2800  }
0x40: {  	[sflag:s29] =	ssyncset.done $0x0  }
0x41: {  	[sflag:s29] =	ssyncadd.s32 $0xFFFFD800  }
0x42: {  	_ =	swait.ge [sflag:s29], $0x2800  }
0x43: {  	[sflag:s29] =	ssyncset.done $0x0  }
0x44: {  	[sflag:s29] =	ssyncadd.s32 $0xFFFFD800  }
0x45: {  	_ =	swait.ge [sflag:s29], $0x2800  }
0x46: {  	[sflag:s29] =	ssyncset.done $0x0  }
0x47: {  	[sflag:s29] =	ssyncadd.s32 $0xFFFFD800  }
0x48: {  	_ =	swait.ge [sflag:s29], $0x2800  }
0x49: {  	[sflag:s29] =	ssyncset.done $0x0  }
0x4a: {  	[sflag:s29] =	ssyncadd.s32 $0xFFFFD800  }
0x4b: {  	_ =	swait.ge [sflag:s29], $0x2800  }
0x4c: {  	[sflag:s29] =	ssyncset.done $0x0  }
0x4d: {  	[sflag:s29] =	ssyncadd.s32 $0xFFFFD800  }
0x4e: {  	_ =	swait.ge [sflag:s29], $0x2800  }
0x4f: {  	[sflag:s29] =	ssyncset.done $0x0  }
0x50: {  	[sflag:s29] =	ssyncadd.s32 $0xFFFFD800  }
0x51: {  	_ =	swait.ge [sflag:s29], $0x2800  }
0x52: {  	[sflag:s29] =	ssyncset.done $0x0  }
0x53: {  	[sflag:s29] =	ssyncadd.s32 $0xFFFFD800  }
0x54: {  	_ =	swait.ge [sflag:s30], $0x2780  }
0x55: {  	[sflag:s30] =	ssyncset.done $0x0  }
0x56: {  	[sflag:s30] =	ssyncadd.s32 $0xFFFFD880  }
0x57: {  	_ =	swait.ge [sflag:s31], $0x3E80  }
0x58: {  	[sflag:s31] =	ssyncset.done $0x0  }
0x59: {  	[sflag:s31] =	ssyncadd.s32 $0xFFFFC180  }
0x5a: {  	[bflag:$0x0] =	sbarrier.arrive $0xFFFF  }
0x5b: {  	[tilespmem:s28], [sflag:$0x1] =	stream.indirect.gather [hbm4b:s4+s1], $0x80, s3, s1, $0xb8;
	[tilespmem:$0x1F780] =	vst v63  }
0x5c: {  	_ =	swait.ge [sflag:s30], $0x2800  }
0x5d: {  	[sflag:s30] =	ssyncset.done $0x0  }
0x5e: {  	[sflag:s30] =	ssyncadd.s32 $0xFFFFD800  }
0x5f: {  	[spmem:s2] =	stream.indirect.scatter.add.f32 [tilespmem:s28], [sflag:$0x3], $0x80, s26, s1, $0xb8;
	[tilespmem:$0x1F780] =	vst v63  }
0x60: {  	_ = 	snop  }
0x61: {  	[tilespmem:s0], [sflag:$0x2] =	stream.indirect.gather [hbm4b:s4+s1], $0x80, s1, s1, $0xb8;
	[tilespmem:$0x1F780] =	vst v63  }
0x62: {  	_ =	swait.ge [sflag:s29], $0x2800  }
0x63: {  	[sflag:s29] =	ssyncset.done $0x0  }
0x64: {  	s6 =	simm.s32 $0xA0;
	[sflag:s29] =	ssyncadd.s32 $0xFFFFD800  }
0x65: {  	[tilespmem:s28], [sflag:$0x1] =	stream.indirect.gather [hbm4b:s4+s1], $0x80, s6, s1, $0xb8;
	[tilespmem:$0x1F780] =	vst v63  }
0x66: {  	_ =	swait.ge [sflag:s31], $0x2800  }
0x67: {  	[sflag:s31] =	ssyncset.done $0x0  }
0x68: {  	s17 =	simm.s32 $0x2800;
	[sflag:s31] =	ssyncadd.s32 $0xFFFFD800  }
0x69: {  	[spmem:s2] =	stream.indirect.scatter.add.f32 [tilespmem:s0], [sflag:$0x4], $0x80, s17, s1, $0xb8;
	[tilespmem:$0x1F780] =	vst v63  }
0x6a: {  	_ =	swait.ge [sflag:s30], $0x2800  }
0x6b: {  	[sflag:s30] =	ssyncset.done $0x0  }
0x6c: {  	s15 =	simm.s32 $0x2880;
	[sflag:s30] =	ssyncadd.s32 $0xFFFFD800  }
0x6d: {  	[spmem:s2] =	stream.indirect.scatter.add.f32 [tilespmem:s28], [sflag:$0x3], $0x80, s15, s1, $0xb8;
	[tilespmem:$0x1F780] =	vst v63  }
0x6e: {  	_ =	swait.ge [sflag:s24], $0x2800  }
0x6f: {  	[sflag:s24] =	ssyncset.done $0x0  }
0x70: {  	s16 =	simm.s32 $0xF0;
	[sflag:s24] =	ssyncadd.s32 $0xFFFFD800  }
0x71: {  	[tilespmem:s0], [sflag:$0x2] =	stream.indirect.gather [hbm4b:s4+s1], $0x80, s16, s1, $0xb8;
	[tilespmem:$0x1F780] =	vst v63  }
0x72: {  	_ =	swait.ge [sflag:s29], $0x2800  }
0x73: {  	[sflag:s29] =	ssyncset.done $0x0  }
0x74: {  	s17 =	simm.s32 $0x140;
	[sflag:s29] =	ssyncadd.s32 $0xFFFFD800  }
0x75: {  	[tilespmem:s28], [sflag:$0x1] =	stream.indirect.gather [hbm4b:s4+s1], $0x80, s17, s1, $0xb8;
	[tilespmem:$0x1F780] =	vst v63  }
0x76: {  	_ =	swait.ge [sflag:s31], $0x2800  }
0x77: {  	s6 =	simm.s32 $0xFFFF6A00;
	[sflag:s31] =	ssyncset.done $0x0  }
0x78: {  	s15 =	simm.s32 $0x2980;
	s16 =	simm.s32 $0x2900;
	[sflag:s31] =	ssyncadd.s32 $0xFFFFD800  }
.LBB2_4:
0x79: {  	[spmem:s2] =	stream.indirect.scatter.add.f32 [tilespmem:s0], [sflag:$0x4], $0x80, s16, s1, $0xb8;
	[tilespmem:$0x1F780] =	vst v63  }
0x7a: {  	s16 =	smov.u32 s6  }
0x7b: {  	p0 =	sne.s32 s6, $0xFFFFFD80;
	s6 =	sadd.s32 $0x280, s6;
	_ =	swait.ge [sflag:s30], $0x2800  }
0x7c: {  	[sflag:s30] =	ssyncset.done $0x0  }
0x7d: {  	[sflag:s30] =	ssyncadd.s32 $0xFFFFD800  }
0x7e: {  	[spmem:s2] =	stream.indirect.scatter.add.f32 [tilespmem:s28], [sflag:$0x3], $0x80, s15, s1, $0xb8;
	[tilespmem:$0x1F780] =	vst v63  }
0x7f: {  	_ =	swait.ge [sflag:s24], $0x2800  }
0x80: {  	s16 =	sshra.s32 s16, $0x2;
	[sflag:s24] =	ssyncset.done $0x0  }
0x81: {  	s17 =	sadd.s32 $0x2710, s16;
	[sflag:s24] =	ssyncadd.s32 $0xFFFFD800  }
0x82: {  	[tilespmem:s0], [sflag:$0x2] =	stream.indirect.gather [hbm4b:s4+s1], $0x80, s17, s1, $0xb8;
	[tilespmem:$0x1F780] =	vst v63  }
0x83: {  	_ =	swait.ge [sflag:s29], $0x2800  }
0x84: {  	[sflag:s29] =	ssyncset.done $0x0  }
.Ltmp1:
0x85: {  	s16 =	sadd.s32 $0x2760, s16;
	[sflag:s29] =	ssyncadd.s32 $0xFFFFD800;
	(pc) =	sbr.rel @p0 .LBB2_4-.Ltmp1, $4  }
0x86: {  	[tilespmem:s28], [sflag:$0x1] =	stream.indirect.gather [hbm4b:s4+s1], $0x80, s16, s1, $0xb8;
	[tilespmem:$0x1F780] =	vst v63  }
0x87: {  	_ =	swait.ge [sflag:s31], $0x2800  }
0x88: {  	[sflag:s31] =	ssyncset.done $0x0  }
0x89: {  	s16 =	sadd.s32 $0x80, s15;
	s15 =	sadd.s32 $0x100, s15;
	[sflag:s31] =	ssyncadd.s32 $0xFFFFD800  }
0x8a: {  	[spmem:s2] =	stream.indirect.scatter.add.f32 [tilespmem:s0], [sflag:$0x4], $0x80, s16, s1, $0xb8;
	[tilespmem:$0x1F780] =	vst v63  }
0x8b: {  	_ =	swait.ge [sflag:s30], $0x2800  }
0x8c: {  	[sflag:s30] =	ssyncset.done $0x0  }
0x8d: {  	[sflag:s30] =	ssyncadd.s32 $0xFFFFD800  }
0x8e: {  	_ =	swait.ge [sflag:s24], $0x2800  }
0x8f: {  	[sflag:s24] =	ssyncset.done $0x0  }
0x90: {  	s6 =	simm.s32 $0x6580;
	[sflag:s24] =	ssyncadd.s32 $0xFFFFD800  }
0x91: {  	[spmem:s2] =	stream.indirect.scatter.add.f32 [tilespmem:s28], [sflag:$0x5], $0x80, s6, s1, $0xb8;
	[tilespmem:$0x1F780] =	vst v63  }
0x92: {  	_ =	swait.ge [sflag:s25], $0x2800  }
0x93: {  	[sflag:s25] =	ssyncset.done $0x0  }
0x94: {  	[sflag:s25] =	ssyncadd.s32 $0xFFFFD800  }
0x95: {  	[bflag:$0x0] =	sbarrier.arrive $0xFFFF  }
0x96: {  	[tilespmem:s28], [sflag:$0x1] =	stream.linear.gather [spmem:s7], $0x2800, $0x38;
	[tilespmem:$0x1F780] =	vst v63  }
0x97: {  	_ =	swait.ge [sflag:s30], $0x2800  }
0x98: {  	[sflag:s30] =	ssyncset.done $0x0  }
0x99: {  	s15 =	rddreg [dreg:$0x5];
	[sflag:s30] =	ssyncadd.s32 $0xFFFFD800  }
0x9a: {  	[hbm4b:s15+s3] =	stream.linear.scatter [tilespmem:s28], [sflag:$0x3], $0x2800, $0x38;
	[tilespmem:$0x1F780] =	vst v63  }
0x9b: {  	_ = 	snop  }
0x9c: {  	[tilespmem:s0], [sflag:$0x2] =	stream.linear.gather [spmem:s8], $0x2800, $0x38;
	[tilespmem:$0x1F780] =	vst v63  }
0x9d: {  	_ =	swait.ge [sflag:s31], $0x2800  }
0x9e: {  	[sflag:s31] =	ssyncset.done $0x0  }
0x9f: {  	s16 =	rddreg [dreg:$0x6];
	[sflag:s31] =	ssyncadd.s32 $0xFFFFD800  }
0xa0: {  	[hbm4b:s16+s3] =	stream.linear.scatter [tilespmem:s0], [sflag:$0x4], $0x2800, $0x38;
	[tilespmem:$0x1F780] =	vst v63  }
0xa1: {  	_ =	swait.ge [sflag:s29], $0x2800  }
0xa2: {  	[sflag:s29] =	ssyncset.done $0x0  }
0xa3: {  	[sflag:s29] =	ssyncadd.s32 $0xFFFFD800  }
0xa4: {  	[tilespmem:s28], [sflag:$0x1] =	stream.linear.gather [spmem:s9], $0x2800, $0x38;
	[tilespmem:$0x1F780] =	vst v63  }
0xa5: {  	_ =	swait.ge [sflag:s30], $0x2800  }
0xa6: {  	[sflag:s30] =	ssyncset.done $0x0  }
0xa7: {  	s17 =	rddreg [dreg:$0x7];
	[sflag:s30] =	ssyncadd.s32 $0xFFFFD800  }
0xa8: {  	[hbm4b:s17+s3] =	stream.linear.scatter [tilespmem:s28], [sflag:$0x3], $0x2800, $0x38;
	[tilespmem:$0x1F780] =	vst v63  }
0xa9: {  	_ =	swait.ge [sflag:s24], $0x2800  }
0xaa: {  	[sflag:s24] =	ssyncset.done $0x0  }
0xab: {  	[sflag:s24] =	ssyncadd.s32 $0xFFFFD800  }
0xac: {  	[tilespmem:s0], [sflag:$0x2] =	stream.linear.gather [spmem:s10], $0x2800, $0x38;
	[tilespmem:$0x1F780] =	vst v63  }
0xad: {  	_ =	swait.ge [sflag:s31], $0x2800  }
0xae: {  	[sflag:s31] =	ssyncset.done $0x0  }
0xaf: {  	[sflag:s31] =	ssyncadd.s32 $0xFFFFD800  }
0xb0: {  	[hbm4b:s18+s3] =	stream.linear.scatter [tilespmem:s0], [sflag:$0x4], $0x2800, $0x38;
	[tilespmem:$0x1F780] =	vst v63  }
0xb1: {  	_ =	swait.ge [sflag:s29], $0x2800  }
0xb2: {  	[sflag:s29] =	ssyncset.done $0x0  }
0xb3: {  	[sflag:s29] =	ssyncadd.s32 $0xFFFFD800  }
0xb4: {  	[tilespmem:s28], [sflag:$0x1] =	stream.linear.gather [spmem:s11], $0x2800, $0x38;
	[tilespmem:$0x1F780] =	vst v63  }
0xb5: {  	_ =	swait.ge [sflag:s30], $0x2800  }
0xb6: {  	[sflag:s30] =	ssyncset.done $0x0  }
0xb7: {  	[sflag:s30] =	ssyncadd.s32 $0xFFFFD800  }
0xb8: {  	[hbm4b:s19+s3] =	stream.linear.scatter [tilespmem:s28], [sflag:$0x3], $0x2800, $0x38;
	[tilespmem:$0x1F780] =	vst v63  }
0xb9: {  	_ =	swait.ge [sflag:s24], $0x2800  }
0xba: {  	[sflag:s24] =	ssyncset.done $0x0  }
0xbb: {  	[sflag:s24] =	ssyncadd.s32 $0xFFFFD800  }
0xbc: {  	[tilespmem:s0], [sflag:$0x2] =	stream.linear.gather [spmem:s12], $0x2800, $0x38;
	[tilespmem:$0x1F780] =	vst v63  }
0xbd: {  	_ =	swait.ge [sflag:s31], $0x2800  }
0xbe: {  	[sflag:s31] =	ssyncset.done $0x0  }
0xbf: {  	[sflag:s31] =	ssyncadd.s32 $0xFFFFD800  }
0xc0: {  	[hbm4b:s20+s3] =	stream.linear.scatter [tilespmem:s0], [sflag:$0x4], $0x2800, $0x38;
	[tilespmem:$0x1F780] =	vst v63  }
0xc1: {  	_ =	swait.ge [sflag:s29], $0x2800  }
0xc2: {  	[sflag:s29] =	ssyncset.done $0x0  }
0xc3: {  	[sflag:s29] =	ssyncadd.s32 $0xFFFFD800  }
0xc4: {  	[tilespmem:s28], [sflag:$0x1] =	stream.linear.gather [spmem:s13], $0x2800, $0x38;
	[tilespmem:$0x1F780] =	vst v63  }
0xc5: {  	_ =	swait.ge [sflag:s30], $0x2800  }
0xc6: {  	[sflag:s30] =	ssyncset.done $0x0  }
0xc7: {  	[sflag:s30] =	ssyncadd.s32 $0xFFFFD800  }
0xc8: {  	[hbm4b:s21+s3] =	stream.linear.scatter [tilespmem:s28], [sflag:$0x3], $0x2800, $0x38;
	[tilespmem:$0x1F780] =	vst v63  }
0xc9: {  	_ =	swait.ge [sflag:s24], $0x2800  }
0xca: {  	[sflag:s24] =	ssyncset.done $0x0  }
0xcb: {  	[sflag:s24] =	ssyncadd.s32 $0xFFFFD800  }
0xcc: {  	[tilespmem:s0], [sflag:$0x2] =	stream.linear.gather [spmem:s14], $0x2800, $0x38;
	[tilespmem:$0x1F780] =	vst v63  }
0xcd: {  	_ =	swait.ge [sflag:s31], $0x2800  }
0xce: {  	[sflag:s31] =	ssyncset.done $0x0  }
0xcf: {  	s5 =	sadd.s32 $0x1, s5;
	[sflag:s31] =	ssyncadd.s32 $0xFFFFD800  }
0xd0: {  	[hbm4b:s22+s3] =	stream.linear.scatter [tilespmem:s0], [sflag:$0x4], $0x2800, $0x38;
	[tilespmem:$0x1F780] =	vst v63  }
0xd1: {  	p0 =	sne.s32 s5, s23;
	_ =	swait.ge [sflag:s29], $0x2800  }
.Ltmp2:
0xd2: {  	[sflag:s29] =	ssyncset.done $0x0;
	(pc) =	sbr.rel @p0 .LBB2_1-.Ltmp2, $4  }
0xd3: {  	[sflag:s29] =	ssyncadd.s32 $0xFFFFD800  }
0xd4: {  	_ =	swait.ge [sflag:s24], $0x2800  }
0xd5: {  	[sflag:s24] =	ssyncset.done $0x0  }
0xd6: {  	[sflag:s24] =	ssyncadd.s32 $0xFFFFD800  }
0xd7: {  	_ =	sfence.sel $0x180000  }
0xd8: {  	[bflag:$0x0] =	sbarrier.arrive $0xFFFF  }
0xd9: {  	_ =	strace $0x9000004D  }
0xda: {  	s0 =	stileid.u32;
	[bflag:$0x2] =	sbarrier.arrive $0xFFFF  }
0xdb: {  	p0 =	sne.s32 s0, $0x0;
	s0 =	rddreg [dreg:$0x2]  }
0xdc: {  	s0 =	sadd.s32 @!p0 $0x100000, s0  }
0xdd: {  	[sflag:s0] =	ssyncadd.tile.s32 @!p0 $0x1;
	_ =	shalt  }
.Lfunc_end2:
_tile_overlayer_lowered:
.L_overlay_start_2:
0xde: {  	(tag) =	ssettag $0x2  }
0xdf: {  	s0 =	rddreg [dreg:$0x0];
	s2 =	stileid.u32  }
0xe0: {  	s1 =	rddreg [dreg:$0x1];
	p0 =	sne.s32 s2, $0x0  }
0xe1: {  	s3 =	rddreg [dreg:$0x2];
	[bflag:$0x3] =	sbarrier.arrive $0xFFFF;
	s2 =	simm.s32 @!p0 $0x1C05  }
0xe2: {  	[timem:s3], [sflag:s2] =	dma.local @!p0 [hbm:s0], s1  }
0xe3: {  	s0 =	simm.s32 @!p0 $0x5  }
0xe4: {  	_ =	swait.ge @!p0 [sflag:s0], s1  }
0xe5: {  	s1 =	ssub.s32 @!p0 $0x0, s1;
	[sflag:s0] =	ssyncset.done @!p0 $0x0  }
0xe6: {  	[sflag:s0] =	ssyncadd.s32 @!p0 s1  }
0xe7: {  	[bflag:$0x3] =	sbarrier.arrive $0xFFFF  }
0xe8: {  	_ =	shalt  }

// kernel: kernel.8.cloned.1.call-start
scs
__scs_entry_jumppad:
0x0: {  	(pc) =	sbr.rel $0x88, $3  }
0x1: {  	(tag) =	ssettag $0x0;
	lr =	simm.s32 $0x1  }
0x2: {  	[smem:$0x3F9B] =	sst lr;
	_ =	strace $0xD0000000  }
0x3: {  	_ = 	snop  }
0x4: {  	_ = 	snop  }
0x5: {  	_ = 	snop  }
0x6: {  	_ = 	snop  }
0x7: {  	_ = 	snop  }
__scs_overlays_trampoline_lowered:
0x8: {  	[smem:$0x3FAA] =	sst s0  }
0x9: {  	[smem:$0x3FAB] =	sst s1  }
0xa: {  	[smem:$0x3FAC] =	sst s2  }
0xb: {  	[smem:$0x3FAD] =	sst s3  }
0xc: {  	[smem:$0x3FAE] =	sst s4  }
0xd: {  	[smem:$0x3FAF] =	sst s5  }
0xe: {  	[smem:$0x3FB0] =	sst s6  }
0xf: {  	[smem:$0x3FB1] =	sst s7  }
0x10: {  	[smem:$0x3FB2] =	sst s8  }
0x11: {  	[smem:$0x3FB3] =	sst s9;
	s0 =	simm.s32 @!p0 $0x0  }
0x12: {  	s1 =	sld [smem:$0x3F99];
	s0 =	simm.s32 @p0 $0x1  }
0x13: {  	[smem:$0x3FB4] =	sst s0;
	s0 =	simm.s32 @!p1 $0x0  }
0x14: {  	s2 =	sld [smem:$0x3F98];
	s0 =	simm.s32 @p1 $0x1  }
0x15: {  	[smem:$0x3FB5] =	sst s0;
	s0 =	simm.s32 @!p2 $0x0  }
0x16: {  	s3 =	sld [smem:$0x3FDB];
	s0 =	simm.s32 @p2 $0x1  }
0x17: {  	s4 =	simm.s32 $0x1BF5;
	[smem:$0x3FB7] =	sst s0  }
0x18: {  	s0 =	sld [smem:$0x3F9A];
	_ =	swait.ge [sflag:s4], $0x0  }
0x19: {  	s7 =	sld [smem:$0x3F9B]  }
0x1a: {  	s8 =	sadd.s32 $0xFFFFE003, lr  }
0x1b: {  	s9 =	sadd.s32 $0xFFFFFEF7, lr;
	s5 =	simm.s32 $0xFFFFFFFF;
	p2 =	slt.u32 s8, $0xFFFFF086  }
0x1c: {  	p1 =	slt.u32 s9, $0xF7A;
	s5 =	simm.s32 @!p2 $0x0  }
0x1d: {  	s5 =	simm.s32 @p1 $0x1;
	p0 =	seq.s32 s7, s2  }
0x1e: {  	s7 =	smul.u32 @!p0 $0xF7A, s2;
	p2 =	seq.s32 @!p0 s5, $0x0  }
0x1f: {  	s9 =	smul.u32 $0xF7A, s1;
	s8 =	simm.s32 @!p0 $0x1BF5;
	p2 =	por !p2, p0  }
0x20: {  	[sflag:s8] =	ssyncset.s32 @!p0 $0xFFFFF086;
	s6 =	sadd.s32 @!p0 s3, s7;
	s7 =	simm.s32 @!p0 $0x108  }
0x21: {  	s3 =	sadd.s32 s3, s9;
	s6 =	sadd.s32 @!p0 $0x88, s6;
	s7 =	simm.s32 @p2 $0x1082  }
0x22: {  	[simem:s7], [sflag:s8] =	dma.local @!p0 [hbm:s6], $0xF7A  }
0x23: {  	s9 =	sor.u32 $0xD0000000, s2;
	s6 =	simm.s32 $0x108;
	_ =	swait.ge @!p0 [sflag:s8], $0x0  }
0x24: {  	s3 =	sadd.s32 $0x88, s3;
	s6 =	simm.s32 @!p1 $0x1082;
	[sflag:s4] =	ssyncset.s32 $0xFFFFF086  }
0x25: {  	[simem:s6], [sflag:s4] =	dma.local [hbm:s3], $0xF7A  }
0x26: {  	[smem:$0x3F9B] =	sst s1;
	(tag) =	ssettag s2;
	_ =	strace s9  }
0x27: {  	s1 =	sld [smem:$0x3FAB]  }
0x28: {  	s2 =	sld [smem:$0x3FAC]  }
0x29: {  	s4 =	sld [smem:$0x3FAE]  }
0x2a: {  	p0 =	seq.s32 s5, $0x0;
	s5 =	sld [smem:$0x3FAF]  }
0x2b: {  	s6 =	sld [smem:$0x3FB0]  }
0x2c: {  	s7 =	sld [smem:$0x3FB1]  }
0x2d: {  	s3 =	simm.s32 $0x108;
	s8 =	sld [smem:$0x3FB2]  }
0x2e: {  	s3 =	simm.s32 @!p0 $0x1082;
	s9 =	sld [smem:$0x3FB3]  }
0x2f: {  	lr =	sadd.s32 s0, s3;
	s0 =	sld [smem:$0x3FAA]  }
0x30: {  	s3 =	sld [smem:$0x3FAD]  }
0x31: {  	[smem:$0x3FB6] =	sst s10  }
0x32: {  	s10 =	sld [smem:$0x3FB4];
	_ =	sdelay $0x3  }
0x33: {  	p0 =	seq.s32 s10, $0x1;
	s10 =	sld [smem:$0x3FB6];
	_ =	sdelay $0x3  }
0x34: {  	[smem:$0x3FB6] =	sst s10  }
0x35: {  	s10 =	sld [smem:$0x3FB5];
	_ =	sdelay $0x3  }
0x36: {  	p1 =	seq.s32 s10, $0x1;
	s10 =	sld [smem:$0x3FB6];
	_ =	sdelay $0x3  }
0x37: {  	[smem:$0x3FB6] =	sst s10  }
0x38: {  	s10 =	sld [smem:$0x3FB7]  }
0x39: {  	_ = 	snop;
	(pc) =	sbr.ind lr, $3  }
0x3a: {  	_ = 	snop  }
0x3b: {  	_ = 	snop  }
0x3c: {  	p2 =	seq.s32 s10, $0x1;
	s10 =	sld [smem:$0x3FB6]  }
0x3d: {  	_ =	shalt  }
0x3e: {  	_ =	shalt  }
0x3f: {  	_ =	shalt  }
0x40: {  	_ =	shalt  }
0x41: {  	_ =	shalt  }
0x42: {  	_ =	shalt  }
0x43: {  	_ =	shalt  }
0x44: {  	_ =	shalt  }
0x45: {  	_ =	shalt  }
0x46: {  	_ =	shalt  }
0x47: {  	_ =	shalt  }
0x48: {  	_ =	shalt  }
0x49: {  	_ =	shalt  }
0x4a: {  	_ =	shalt  }
0x4b: {  	_ =	shalt  }
0x4c: {  	_ =	shalt  }
0x4d: {  	_ =	shalt  }
0x4e: {  	_ =	shalt  }
0x4f: {  	_ =	shalt  }
0x50: {  	_ =	shalt  }
0x51: {  	_ =	shalt  }
0x52: {  	_ =	shalt  }
0x53: {  	_ =	shalt  }
0x54: {  	_ =	shalt  }
0x55: {  	_ =	shalt  }
0x56: {  	_ =	shalt  }
0x57: {  	_ =	shalt  }
0x58: {  	_ =	shalt  }
0x59: {  	_ =	shalt  }
0x5a: {  	_ =	shalt  }
0x5b: {  	_ =	shalt  }
0x5c: {  	_ =	shalt  }
0x5d: {  	_ =	shalt  }
0x5e: {  	_ =	shalt  }
0x5f: {  	_ =	shalt  }
0x60: {  	_ =	shalt  }
0x61: {  	_ =	shalt  }
0x62: {  	_ =	shalt  }
0x63: {  	_ =	shalt  }
0x64: {  	_ =	shalt  }
0x65: {  	_ =	shalt  }
0x66: {  	_ =	shalt  }
0x67: {  	_ =	shalt  }
0x68: {  	_ =	shalt  }
0x69: {  	_ =	shalt  }
0x6a: {  	_ =	shalt  }
0x6b: {  	_ =	shalt  }
0x6c: {  	_ =	shalt  }
0x6d: {  	_ =	shalt  }
0x6e: {  	_ =	shalt  }
0x6f: {  	_ =	shalt  }
0x70: {  	_ =	shalt  }
0x71: {  	_ =	shalt  }
0x72: {  	_ =	shalt  }
0x73: {  	_ =	shalt  }
0x74: {  	_ =	shalt  }
0x75: {  	_ =	shalt  }
0x76: {  	_ =	shalt  }
0x77: {  	_ =	shalt  }
0x78: {  	_ =	shalt  }
0x79: {  	_ =	shalt  }
0x7a: {  	_ =	shalt  }
0x7b: {  	_ =	shalt  }
0x7c: {  	_ =	shalt  }
0x7d: {  	_ =	shalt  }
0x7e: {  	_ =	shalt  }
0x7f: {  	_ =	shalt  }
0x80: {  	_ =	shalt  }
0x81: {  	_ =	shalt  }
0x82: {  	_ =	shalt  }
0x83: {  	_ =	shalt  }
0x84: {  	_ =	shalt  }
0x85: {  	_ =	shalt  }
0x86: {  	_ =	shalt  }
0x87: {  	_ =	shalt  }
.Lfunc_end0:
.L_simem_size_0:
called_computation_lowered:
.L_overlay_start_0:
0x88: {  	s2 =	sld [smem:$0x3FD9]  }
0x89: {  	s3 =	sld [smem:$0x3FFE];
	_ =	sdelay $0x1  }
0x8a: {  	s1 =	srdreg.scid  }
0x8b: {  	s0 =	sand.u32 $0x1, s1  }
0x8c: {  	s17 =	sshll.u32 s0, $0xA;
	s2 =	sadd.s32 s3, s2  }
0x8d: {  	s2 =	sadd.s32 s2, s17  }
0x8e: {  	[smem:$0x3FC2] =	sst s2  }
0x8f: {  	_ = 	snop  }
0x90: {  	s2 =	sld [smem:$0x3FD0];
	(tm) =	ssettm $0x1  }
0x91: {  	s18 =	sld [smem:$0x3FFB];
	_ =	sdelay $0x3  }
0x92: {  	_ =	strace s18  }
0x93: {  	s3 =	sld [smem:$0x3FFC];
	_ =	sdelay $0x3  }
0x94: {  	_ =	strace s3  }
0x95: {  	s3 =	sld [smem:$0x3FFD];
	_ =	sdelay $0x3  }
0x96: {  	_ =	strace s3  }
0x97: {  	_ =	strace $0x8FFFFFFF  }
0x98: {  	s19 =	sld [smem:$0x3FDB];
	_ =	sdelay $0x1  }
0x99: {  	s4 =	simm.s32 $_scs_section_size  }
0x9a: {  	s5 =	simm.s32 $_size__tile_overlayer_lowered;
	s6 =	simm.s32 $_tile_overlayer_lowered  }
0x9b: {  	s22 =	simm.s32 $0x1BFF;
	s21 =	sshll.u32 s6, $0x1;
	s3 =	sadd.s32 s4, s19  }
0x9c: {  	s7 =	simm.s32 $0x0;
	s20 =	sshll.u32 s5, $0x1;
	s5 =	sadd.s32 s21, s3  }
0x9d: {  	[timem:s7], [sflag:s22] =	dma.local [hbm:s5], s20  }
0x9e: {  	_ =	swait.ge [sflag:s22], s20  }
0x9f: {  	s4 =	ssub.s32 $0x0, s20;
	[sflag:s22] =	ssyncset.done $0x0  }
0xa0: {  	[sflag:s22] =	ssyncadd.s32 s4;
	_ =	sdelay $0x1  }
0xa1: {  	s23 =	simm.s32 $0x1B8B  }
0xa2: {  	_ =	swait.ge [sflag:s23], $0x1  }
0xa3: {  	[sflag:s23] =	ssyncset.done $0x0  }
0xa4: {  	s25 =	simm.s32 $0x1B8E;
	s24 =	sld [smem:$0x3FFE];
	[sflag:s23] =	ssyncadd.s32 $0xFFFFFFFF  }
0xa5: {  	s26 =	simm.s32 $execute0_lowered;
	[smem:$0x3FD2] =	sst s25  }
0xa6: {  	s5 =	sshll.u32 s26, $0x1;
	_ =	strace $0x80000046;
	[dreg:$0x1] =	wrdreg $0xFFFFFFFF  }
0xa7: {  	s28 =	simm.s32 $_size_execute0_lowered;
	s3 =	sadd.s32 s3, s5;
	[dreg:$0x0] =	wrdreg $0x0  }
0xa8: {  	s5 =	sshll.u32 s28, $0x1;
	[dreg:$0x2] =	wrdreg s3  }
0xa9: {  	[dreg:$0x3] =	wrdreg s5  }
0xaa: {  	[dreg:$0x4] =	wrdreg $0xC0  }
0xab: {  	_ =	task [dreg:s7], $0x5FFFF  }
0xac: {  	[dreg:$0x1] =	wrdreg $0xFFFFFFFF  }
0xad: {  	[dreg:$0x0] =	wrdreg $0x60  }
0xae: {  	[dreg:$0x2] =	wrdreg s24  }
0xaf: {  	[dreg:$0x3] =	wrdreg s2  }
0xb0: {  	[dreg:$0x4] =	wrdreg $0x43000  }
0xb1: {  	[dreg:$0x5] =	wrdreg $0x9  }
0xb2: {  	_ =	task.clear_ibuf [dreg:s7], $0x6FFFF;
	_ =	strace $0x90000046  }
0xb3: {  	s29 =	simm.s32 $0x9;
	_ =	strace $0x80000048  }
0xb4: {  	_ =	swait.ge [sflag:s29], $0x1  }
0xb5: {  	[sflag:s29] =	ssyncadd.s32 $0xFFFFFFFF  }
0xb6: {  	_ =	strace $0x90000048  }
0xb7: {  	_ =	sfence  }
0xb8: {  	s30 =	sld [smem:$0x0];
	_ =	sdelay $0x2  }
0xb9: {  	s31 =	sshll.u32 s1, $0xD;
	s1 =	sshrl.u32 s1, $0x2  }
0xba: {  	s3 =	sand.u32 $0x4000, s31;
	s1 =	sadd.s32 s1, s30  }
0xbb: {  	s0 =	sor.u32 s3, s0;
	s1 =	sshll.u32 s1, $0x11  }
0xbc: {  	s0 =	sor.u32 s1, s0  }
0xbd: {  	s0 =	sadd.s32 $0x8F2B, s0  }
0xbe: {  	[sflag:s0] =	ssyncadd.remote.s32 $0x1  }
0xbf: {  	_ =	sfence.sel $0xFFFF  }
0xc0: {  	[dreg:$0x0] =	wrdreg $0xFFFFFFFF;
	(pc) =	sbr.abs _section_cstart, $3  }
0xc1: {  	[dreg:$0x1] =	wrdreg $0xFFFFFFFF  }
0xc2: {  	_ =	task.clear_ibuf [dreg:s7], $0x2FFFF;
	_ =	strace $0x9FFFFFFF  }
0xc3: {  	(tm) =	ssettm $0x7FFFFFFF  }
tec
execute0_lowered:
.L_overlay_start_1:
0x0: {  	(tag) =	ssettag $0x1  }
0x1: {  	s4 =	rddreg [dreg:$0x0]  }
0x2: {  	s6 =	rddreg [dreg:$0x1]  }
0x3: {  	s1 =	rddreg [dreg:$0x2]  }
0x4: {  	s0 =	rddreg [dreg:$0x3];
	s3 =	simm.s32 $0x0;
	s5 =	srdreg.scid  }
0x5: {  	s2 =	stileid.u32;
	s12 =	simm.s32 $0x80;
	s13 =	simm.s32 $0x100  }
0x6: {  	s14 =	simm.s32 $0x180;
	s15 =	simm.s32 $0x1;
	s16 =	simm.s32 $0x0  }
0x7: {  	[smem:$0x7FF] =	sst s3;
	s5 =	sand.u32 $0x1, s5;
	s8 =	smul.u32 $0xA00, s2  }
0x8: {  	s9 =	sshll.u32 s2, $0xB;
	s11 =	smul.u32 $0x500, s2;
	_ =	strace $0x80000047  }
0x9: {  	s7 =	ssub.s32 $0x2, s5;
	s9 =	sadd.s32 s9, s4;
	s29 =	sshll.u32 s5, $0x7  }
0xa: {  	s5 =	sshll.u32 s5, $0xF;
	s10 =	sshrl.u32 s7, $0x1;
	s8 =	sshrl.u32 s8, $0x2  }
0xb: {  	s30 =	sor.u32 s29, s11;
	s5 =	sadd.s32 s5, s9;
	s9 =	simm.s32 $0x2  }
0xc: {  	s11 =	simm.s32 $0x4000;
	s7 =	ssub.s32 s7, s10;
	s4 =	sadd.s32 s8, s1  }
0xd: {  	s31 =	sshrl.u32 s30, $0x3;
	s5 =	sadd.s32 $0x2600, s5;
	s8 =	simm.s32 $0x4080  }
0xe: {  	v0 =	vimm.f32 $0.0e+00;
	v1 =	vimm.f32 $1.000000000e+00;
	s10 =	simm.s32 $0x50;
	s6 =	sadd.s32 s6, s31;
	s7 =	smax.u32 s7, $0x1  }
.LBB2_1:
0xf: {  	[tilespmem:$0x4080] =	vst v0  }
0x10: {  	[tilespmem:$0x4090] =	vst v0  }
0x11: {  	[tilespmem:$0x40A0] =	vst v0  }
0x12: {  	[tilespmem:$0x40B0] =	vst v0  }
0x13: {  	[tilespmem:$0x40C0] =	vst v0  }
0x14: {  	[tilespmem:$0x40D0] =	vst v0  }
0x15: {  	[tilespmem:$0x40E0] =	vst v0  }
0x16: {  	[tilespmem:$0x40F0] =	vst v0  }
0x17: {  	[tilespmem:$0x4100] =	vst v0  }
0x18: {  	[tilespmem:$0x4110] =	vst v0  }
0x19: {  	[tilespmem:$0x4120] =	vst v0  }
0x1a: {  	[tilespmem:$0x4130] =	vst v0  }
0x1b: {  	[tilespmem:$0x4140] =	vst v0  }
0x1c: {  	[tilespmem:$0x4150] =	vst v0  }
0x1d: {  	[tilespmem:$0x4160] =	vst v0  }
0x1e: {  	[tilespmem:$0x4170] =	vst v0  }
0x1f: {  	[tilespmem:$0x4180] =	vst v0  }
0x20: {  	[tilespmem:$0x4190] =	vst v0  }
0x21: {  	[tilespmem:$0x41A0] =	vst v0  }
0x22: {  	[tilespmem:$0x41B0] =	vst v0  }
0x23: {  	[tilespmem:$0x41C0] =	vst v0  }
0x24: {  	[tilespmem:$0x41D0] =	vst v0  }
0x25: {  	[tilespmem:$0x41E0] =	vst v0  }
0x26: {  	[tilespmem:$0x41F0] =	vst v0  }
0x27: {  	[tilespmem:$0x4200] =	vst v0  }
0x28: {  	[tilespmem:$0x4210] =	vst v0  }
0x29: {  	[tilespmem:$0x4220] =	vst v0  }
0x2a: {  	[tilespmem:$0x4230] =	vst v0  }
0x2b: {  	[tilespmem:$0x4240] =	vst v0  }
0x2c: {  	[tilespmem:$0x4250] =	vst v0  }
0x2d: {  	[tilespmem:$0x4260] =	vst v0  }
0x2e: {  	[tilespmem:$0x4270] =	vst v0  }
0x2f: {  	[tilespmem:$0x4280] =	vst v0  }
0x30: {  	[tilespmem:$0x4290] =	vst v0  }
0x31: {  	[tilespmem:$0x42A0] =	vst v0  }
0x32: {  	[tilespmem:$0x42B0] =	vst v0  }
0x33: {  	[tilespmem:$0x42C0] =	vst v0  }
0x34: {  	[tilespmem:$0x42D0] =	vst v0  }
0x35: {  	[tilespmem:$0x42E0] =	vst v0  }
0x36: {  	[tilespmem:$0x42F0] =	vst v0  }
0x37: {  	[tilespmem:$0x4000] =	vst v1  }
0x38: {  	[tilespmem:$0x4010] =	vst v1  }
0x39: {  	[tilespmem:$0x4020] =	vst v1  }
0x3a: {  	[tilespmem:$0x4030] =	vst v1  }
0x3b: {  	[tilespmem:$0x4040] =	vst v1  }
0x3c: {  	[spmem:s4] =	stream.linear.scatter [tilespmem:s8], [sflag:$0x2], $0x280, $0x38;
	[tilespmem:$0x4580] =	vst v63  }
0x3d: {  	_ =	swait.ge [sflag:s9], $0x280  }
0x3e: {  	[sflag:s9] =	ssyncset.done $0x0  }
0x3f: {  	[sflag:s9] =	ssyncadd.s32 $0xFFFFFD80  }
0x40: {  	[bflag:$0x0] =	sbarrier.arrive $0xFFFF  }
0x41: {  	[tilespmem:s3], [sflag:$0x2] =	stream.linear.gather [hbm4b:s5+s3], $0x3E80, $0x38;
	[tilespmem:$0x4580] =	vst v63  }
0x42: {  	_ =	swait.ge [sflag:s9], $0x3E80  }
0x43: {  	[sflag:s9] =	ssyncset.done $0x0  }
0x44: {  	[sflag:s9] =	ssyncadd.s32 $0xFFFFC180  }
0x45: {  	[spmem:s1] =	stream.indirect.scatter.add.f32 [tilespmem:s11], [sflag:$0x1], $0x1, s3, s10, $0xb8;
	[tilespmem:$0x4580] =	vst v63  }
0x46: {  	_ = 	snop  }
0x47: {  	[spmem:s1] =	stream.indirect.scatter.add.f32 [tilespmem:s11], [sflag:$0x1], $0x1, s12, s10, $0xb8;
	[tilespmem:$0x4580] =	vst v63  }
0x48: {  	_ = 	snop  }
0x49: {  	[spmem:s1] =	stream.indirect.scatter.add.f32 [tilespmem:s11], [sflag:$0x1], $0x1, s13, s10, $0xb8;
	[tilespmem:$0x4580] =	vst v63  }
0x4a: {  	_ = 	snop  }
0x4b: {  	[spmem:s1] =	stream.indirect.scatter.add.f32 [tilespmem:s11], [sflag:$0x1], $0x1, s14, s10, $0xb8;
	[tilespmem:$0x4580] =	vst v63  }
0x4c: {  	s17 =	simm.s32 $0x200  }
0x4d: {  	[spmem:s1] =	stream.indirect.scatter.add.f32 [tilespmem:s11], [sflag:$0x1], $0x1, s17, s10, $0xb8;
	[tilespmem:$0x4580] =	vst v63  }
0x4e: {  	_ =	swait.ge [sflag:s15], $0x50  }
0x4f: {  	s17 =	simm.s32 $0xA00;
	[sflag:s15] =	ssyncset.done $0x0  }
.LBB2_2:
0x50: {  	s18 =	sshra.s32 s17, $0x2;
	[sflag:s15] =	ssyncadd.s32 $0xFFFFFFB0;
	p0 =	sne.s32 s17, $0xF800  }
0x51: {  	[spmem:s1] =	stream.indirect.scatter.add.f32 [tilespmem:s11], [sflag:$0x1], $0x1, s18, s10, $0xb8;
	[tilespmem:$0x4580] =	vst v63  }
.Ltmp0:
0x52: {  	_ = 	snop;
	(pc) =	sbr.rel @p0 .LBB2_2-.Ltmp0, $4  }
0x53: {  	_ = 	snop  }
0x54: {  	s17 =	sadd.s32 $0x200, s17  }
0x55: {  	_ =	swait.ge [sflag:s15], $0x50  }
0x56: {  	[sflag:s15] =	ssyncset.done $0x0  }
0x57: {  	[sflag:s15] =	ssyncadd.s32 $0xFFFFFFB0  }
0x58: {  	_ =	swait.ge [sflag:s15], $0x50  }
0x59: {  	[sflag:s15] =	ssyncset.done $0x0  }
0x5a: {  	[sflag:s15] =	ssyncadd.s32 $0xFFFFFFB0  }
0x5b: {  	_ =	swait.ge [sflag:s15], $0x50  }
0x5c: {  	[sflag:s15] =	ssyncset.done $0x0  }
0x5d: {  	[sflag:s15] =	ssyncadd.s32 $0xFFFFFFB0  }
0x5e: {  	_ =	swait.ge [sflag:s15], $0x50  }
0x5f: {  	[sflag:s15] =	ssyncset.done $0x0  }
0x60: {  	[sflag:s15] =	ssyncadd.s32 $0xFFFFFFB0  }
0x61: {  	_ =	swait.ge [sflag:s15], $0x50  }
0x62: {  	[sflag:s15] =	ssyncset.done $0x0  }
0x63: {  	[sflag:s15] =	ssyncadd.s32 $0xFFFFFFB0  }
0x64: {  	[bflag:$0x0] =	sbarrier.arrive $0xFFFF  }
0x65: {  	[tilespmem:s8], [sflag:$0x2] =	stream.linear.gather [spmem:s4], $0x280, $0x38;
	[tilespmem:$0x4580] =	vst v63  }
0x66: {  	s16 =	sadd.s32 $0x1, s16;
	_ =	swait.ge [sflag:s9], $0x280  }
0x67: {  	p0 =	sne.s32 s16, s7;
	[sflag:s9] =	ssyncset.done $0x0  }
.Ltmp1:
0x68: {  	[sflag:s9] =	ssyncadd.s32 $0xFFFFFD80;
	(pc) =	sbr.rel @p0 .LBB2_1-.Ltmp1, $4  }
0x69: {  	[hbm4b:s6+s12] =	stream.strided.scatter [tilespmem:s8], [sflag:$0x2], $0x280, s13, s12, $0x38;
	[tilespmem:$0x4580] =	vst v63  }
0x6a: {  	_ =	swait.ge [sflag:s9], $0x280  }
0x6b: {  	[sflag:s9] =	ssyncset.done $0x0  }
0x6c: {  	[sflag:s9] =	ssyncadd.s32 $0xFFFFFD80  }
0x6d: {  	_ =	sfence.sel $0x180000  }
0x6e: {  	[bflag:$0x0] =	sbarrier.arrive $0xFFFF  }
0x6f: {  	p0 =	sne.s32 s2, $0x0;
	_ =	strace $0x90000047  }
0x70: {  	s0 =	sadd.s32 @!p0 $0x100000, s0;
	[bflag:$0x2] =	sbarrier.arrive $0xFFFF  }
0x71: {  	[sflag:s0] =	ssyncadd.tile.s32 @!p0 $0x1;
	_ =	shalt  }
.Lfunc_end2:
_tile_overlayer_lowered:
.L_overlay_start_2:
0x72: {  	(tag) =	ssettag $0x2  }
0x73: {  	s0 =	rddreg [dreg:$0x0];
	s2 =	stileid.u32  }
0x74: {  	s1 =	rddreg [dreg:$0x1];
	p0 =	sne.s32 s2, $0x0  }
0x75: {  	s3 =	rddreg [dreg:$0x2];
	[bflag:$0x3] =	sbarrier.arrive $0xFFFF;
	s2 =	simm.s32 @!p0 $0x1C02  }
0x76: {  	[timem:s3], [sflag:s2] =	dma.local @!p0 [hbm:s0], s1  }
0x77: {  	s0 =	simm.s32 @!p0 $0x2  }
0x78: {  	_ =	swait.ge @!p0 [sflag:s0], s1  }
0x79: {  	s1 =	ssub.s32 @!p0 $0x0, s1;
	[sflag:s0] =	ssyncset.done @!p0 $0x0  }
0x7a: {  	[sflag:s0] =	ssyncadd.s32 @!p0 s1  }
0x7b: {  	[bflag:$0x3] =	sbarrier.arrive $0xFFFF  }
0x7c: {  	_ =	shalt  }

</sc_bundles>
